<compile_context>
chip_gen: v7x
topology: tpu7x:2x2x1
jax: 0.10.2.dev20260603
libtpu: 0.0.44.dev20260713+nightly
codegen_flags: <defaults>
</compile_context>

<pallas_src>
import functools

import jax
import jax.numpy as jnp
from jax import lax
from jax.experimental import pallas as pl
from jax.experimental.pallas import tpu as pltpu
from jax.experimental.pallas import tpu_sc as plsc

VOCAB = 1000
B = 1024
S = 50
N = B * S
NC = 2
NS = 16
NW = NC * NS
PER_W = N // NW
K = 32
NG = PER_W // K


def _sc_gather(idx, table_flat):
  mesh = plsc.VectorSubcoreMesh(core_axis_name="c", subcore_axis_name="s")

  @functools.partial(
      pl.kernel,
      mesh=mesh,
      out_type=jax.ShapeDtypeStruct((N * VOCAB,), jnp.float32),
      scratch_types=[
          pltpu.VMEM((PER_W,), jnp.int32),
          pltpu.VMEM((K * VOCAB,), jnp.float32),
          pltpu.VMEM((K * VOCAB,), jnp.float32),
          pltpu.SemaphoreType.DMA,
          pltpu.SemaphoreType.DMA,
      ],
  )
  def k(idx_hbm, table_hbm, out_hbm, idx_v, buf0, buf1, gsem0, gsem1):
    wid = lax.axis_index("s") * NC + lax.axis_index("c")
    base = wid * PER_W
    pltpu.sync_copy(idx_hbm.at[pl.ds(base, PER_W)], idx_v)

    bufs = (buf0, buf1)
    gsems = (gsem0, gsem1)

    def fire_gathers(g, p):
      for h in range(K // 16):
        iv = idx_v[pl.ds(pl.multiple_of(g * K + h * 16, 16), 16)] * VOCAB
        for t in range(16):
          src = pl.multiple_of(iv[t], 8)
          pltpu.async_copy(table_hbm.at[pl.ds(src, VOCAB)],
                           bufs[p].at[pl.ds((h * 16 + t) * VOCAB, VOCAB)],
                           gsems[p])

    def out_slice(g):
      off = pl.multiple_of((base + g * K) * VOCAB, 8)
      return out_hbm.at[pl.ds(off, K * VOCAB)]

    fire_gathers(0, 0)
    fire_gathers(1, 1)

    @pl.loop(0, NG, step=2)
    def body(gg):
      for p in range(2):
        g = gg + p
        pltpu.make_async_copy(out_slice(g), bufs[p], gsems[p]).wait()

        pltpu.sync_copy(bufs[p], out_slice(g))

        @pl.when(g + 2 < NG)
        def _():
          fire_gathers(g + 2, p)

  return k(idx, table_flat)


def kernel(x, tkn_emb_table):
  idx = x.reshape(-1).astype(jnp.int32)
  out = _sc_gather(idx, tkn_emb_table.reshape(-1))
  return out.reshape(B, S, VOCAB)

# --- scband reference (transcript-rebuilt; emitter-appended) ---
"""Pipeline reference for scband-char-v1-43293270343835 (READ-ONLY COPY).

The authoritative reference and input builder live on the scoring server;
editing this copy changes nothing except your own understanding.
"""

import jax, jax.numpy as jnp
import numpy as np

VOCAB = 1000
B = 1024
S = 50

def setup_inputs(seed: int = 0) -> dict:
    key = jax.random.key(seed)
    k1, k2 = jax.random.split(key)
    x = jax.random.randint(k1, (B, S), 0, VOCAB, dtype=jnp.int64 if jax.config.read('jax_enable_x64') else jnp.int32)
    tkn_emb_table = jax.random.normal(k2, (VOCAB, VOCAB), dtype=jnp.float32)
    return {"x": x, "tkn_emb_table": tkn_emb_table}

def reference(x, tkn_emb_table):
    # CharV1.forward with targets=None: logits = embedding lookup, loss = None
    logits = jnp.take(tkn_emb_table, x, axis=0)  # [B, S, V]
    return logits

if __name__ == "__main__":
    import jax
    _d = setup_inputs()
    print(jax.jit(kernel)(*tuple(_d.values())))

</pallas_src>

<mosaic_0001>
#map = affine_map<(d0, d1) -> (0)>
module attributes {stable_mosaic.version = 14 : i64} {
  func.func @k(%arg0: i32, %arg1: i32, %arg2: memref<51200xi32, #tpu.memory_space<hbm>>, %arg3: memref<1000000xf32, #tpu.memory_space<hbm>>, %arg4: memref<51200000xf32, #tpu.memory_space<hbm>>, %arg5: memref<1600xi32, #tpu.memory_space<vmem>>, %arg6: memref<32000xf32, #tpu.memory_space<vmem>>, %arg7: memref<32000xf32, #tpu.memory_space<vmem>>, %arg8: memref<!tpu.dma_semaphore, #tpu.memory_space<semaphore_mem>>, %arg9: memref<!tpu.dma_semaphore, #tpu.memory_space<semaphore_mem>>) attributes {dimension_semantics = [#tpu.dimension_semantics<core_parallel>, #tpu.dimension_semantics<subcore_parallel>], iteration_bounds = array<i64: 2, 16>, scalar_prefetch = 0 : i64, scratch_operands = 5 : i64, tpu.core_type = #tpu.core_type<sc_vector_subcore>, window_params = [{transform_indices = #map}, {transform_indices = #map}, {transform_indices = #map}]} {
    %mul3A = arith.constant 2 : i32
    %mul3A_0 = arith.muli %arg1, %mul3A : i32
    %add3A = arith.addi %mul3A_0, %arg0 : i32
    %mul3A_1 = arith.constant 1600 : i32
    %mul3A_2 = arith.muli %add3A, %mul3A_1 : i32
    "tpu.region"() ({
      %run_scoped3A = tpu.sem_alloc : memref<!tpu.dma_semaphore, #tpu.memory_space<semaphore_mem>>
      %dma_start3A_610 = tpu.memref_slice %arg2[%mul3A_2] : memref<51200xi32, #tpu.memory_space<hbm>> -> memref<1600xi32, #tpu.memory_space<hbm>>
      %dma_start3A_611 = tpu.memref_slice %arg2[%mul3A_2] : memref<51200xi32, #tpu.memory_space<hbm>> -> memref<1600xi32, #tpu.memory_space<hbm>>
      tpu.enqueue_dma source(%dma_start3A_611 : memref<1600xi32, #tpu.memory_space<hbm>>) target(%arg5 : memref<1600xi32, #tpu.memory_space<vmem>>) target_semaphore(%run_scoped3A : memref<!tpu.dma_semaphore, #tpu.memory_space<semaphore_mem>>)
      %dma_wait3A = tpu.memref_slice %arg2[%mul3A_2] : memref<51200xi32, #tpu.memory_space<hbm>> -> memref<1600xi32, #tpu.memory_space<hbm>>
      %dma_wait3A_612 = tpu.memref_slice %arg2[%mul3A_2] : memref<51200xi32, #tpu.memory_space<hbm>> -> memref<1600xi32, #tpu.memory_space<hbm>>
      tpu.wait_dma2 semaphore(%run_scoped3A : memref<!tpu.dma_semaphore, #tpu.memory_space<semaphore_mem>>) src(%dma_wait3A_612 : memref<1600xi32, #tpu.memory_space<hbm>>) dst(%arg5 : memref<1600xi32, #tpu.memory_space<vmem>>)
      tpu.yield
    }) : () -> ()
    %multiple_of3A = arith.constant 0 : i32
    %multiple_of3A_3 = tpu.assume_multiple %multiple_of3A, 16 : i32
    %get3A = arith.index_cast %multiple_of3A_3 : i32 to index
    %get3A_4 = tpu.vector_load %arg5[%get3A] {strides = array<i32>} : memref<1600xi32, #tpu.memory_space<vmem>>, vector<16xi32>,
    %get3A_5 = vector.shape_cast %get3A_4 : vector<16xi32> to vector<16xi32>
    %mul3A_6 = arith.constant 1000 : i32
    %mul3A_7 = vector.broadcast %mul3A_6 : i32 to vector<16xi32>
    %mul3A_8 = arith.muli %get3A_5, %mul3A_7 : vector<16xi32>
    %slice3A = vector.extract_strided_slice %mul3A_8 {offsets = [0], sizes = [1], strides = [1]} : vector<16xi32> to vector<1xi32>
    %squeeze3A = vector.extract %slice3A[0] : i32 from vector<1xi32>
    %multiple_of3A_9 = tpu.assume_multiple %squeeze3A, 8 : i32
    %dma_start3A = arith.constant 0 : i32
    %dma_start3A_10 = tpu.memref_slice %arg6[%dma_start3A] : memref<32000xf32, #tpu.memory_space<vmem>> -> memref<1000xf32, #tpu.memory_space<vmem>>
    %dma_start3A_11 = tpu.memref_slice %arg3[%multiple_of3A_9] : memref<1000000xf32, #tpu.memory_space<hbm>> -> memref<1000xf32, #tpu.memory_space<hbm>>
    %dma_start3A_12 = arith.constant 0 : i32
    %dma_start3A_13 = tpu.memref_slice %arg6[%dma_start3A_12] : memref<32000xf32, #tpu.memory_space<vmem>> -> memref<1000xf32, #tpu.memory_space<vmem>>
    %dma_start3A_14 = tpu.memref_slice %arg3[%multiple_of3A_9] : memref<1000000xf32, #tpu.memory_space<hbm>> -> memref<1000xf32, #tpu.memory_space<hbm>>
    tpu.enqueue_dma source(%dma_start3A_14 : memref<1000xf32, #tpu.memory_space<hbm>>) target(%dma_start3A_13 : memref<1000xf32, #tpu.memory_space<vmem>>) target_semaphore(%arg8 : memref<!tpu.dma_semaphore, #tpu.memory_space<semaphore_mem>>)
    %slice3A_15 = vector.extract_strided_slice %mul3A_8 {offsets = [1], sizes = [1], strides = [1]} : vector<16xi32> to vector<1xi32>
    %squeeze3A_16 = vector.extract %slice3A_15[0] : i32 from vector<1xi32>
    %multiple_of3A_17 = tpu.assume_multiple %squeeze3A_16, 8 : i32
    %dma_start3A_18 = arith.constant 1000 : i32
    %dma_start3A_19 = tpu.memref_slice %arg6[%dma_start3A_18] : memref<32000xf32, #tpu.memory_space<vmem>> -> memref<1000xf32, #tpu.memory_space<vmem>>
    %dma_start3A_20 = tpu.memref_slice %arg3[%multiple_of3A_17] : memref<1000000xf32, #tpu.memory_space<hbm>> -> memref<1000xf32, #tpu.memory_space<hbm>>
    %dma_start3A_21 = arith.constant 1000 : i32
    %dma_start3A_22 = tpu.memref_slice %arg6[%dma_start3A_21] : memref<32000xf32, #tpu.memory_space<vmem>> -> memref<1000xf32, #tpu.memory_space<vmem>>
    %dma_start3A_23 = tpu.memref_slice %arg3[%multiple_of3A_17] : memref<1000000xf32, #tpu.memory_space<hbm>> -> memref<1000xf32, #tpu.memory_space<hbm>>
    tpu.enqueue_dma source(%dma_start3A_23 : memref<1000xf32, #tpu.memory_space<hbm>>) target(%dma_start3A_22 : memref<1000xf32, #tpu.memory_space<vmem>>) target_semaphore(%arg8 : memref<!tpu.dma_semaphore, #tpu.memory_space<semaphore_mem>>)
    %slice3A_24 = vector.extract_strided_slice %mul3A_8 {offsets = [2], sizes = [1], strides = [1]} : vector<16xi32> to vector<1xi32>
    %squeeze3A_25 = vector.extract %slice3A_24[0] : i32 from vector<1xi32>
    %multiple_of3A_26 = tpu.assume_multiple %squeeze3A_25, 8 : i32
    %dma_start3A_27 = arith.constant 2000 : i32
    %dma_start3A_28 = tpu.memref_slice %arg6[%dma_start3A_27] : memref<32000xf32, #tpu.memory_space<vmem>> -> memref<1000xf32, #tpu.memory_space<vmem>>
    %dma_start3A_29 = tpu.memref_slice %arg3[%multiple_of3A_26] : memref<1000000xf32, #tpu.memory_space<hbm>> -> memref<1000xf32, #tpu.memory_space<hbm>>
    %dma_start3A_30 = arith.constant 2000 : i32
    %dma_start3A_31 = tpu.memref_slice %arg6[%dma_start3A_30] : memref<32000xf32, #tpu.memory_space<vmem>> -> memref<1000xf32, #tpu.memory_space<vmem>>
    %dma_start3A_32 = tpu.memref_slice %arg3[%multiple_of3A_26] : memref<1000000xf32, #tpu.memory_space<hbm>> -> memref<1000xf32, #tpu.memory_space<hbm>>
    tpu.enqueue_dma source(%dma_start3A_32 : memref<1000xf32, #tpu.memory_space<hbm>>) target(%dma_start3A_31 : memref<1000xf32, #tpu.memory_space<vmem>>) target_semaphore(%arg8 : memref<!tpu.dma_semaphore, #tpu.memory_space<semaphore_mem>>)
    %slice3A_33 = vector.extract_strided_slice %mul3A_8 {offsets = [3], sizes = [1], strides = [1]} : vector<16xi32> to vector<1xi32>
    %squeeze3A_34 = vector.extract %slice3A_33[0] : i32 from vector<1xi32>
    %multiple_of3A_35 = tpu.assume_multiple %squeeze3A_34, 8 : i32
    %dma_start3A_36 = arith.constant 3000 : i32
    %dma_start3A_37 = tpu.memref_slice %arg6[%dma_start3A_36] : memref<32000xf32, #tpu.memory_space<vmem>> -> memref<1000xf32, #tpu.memory_space<vmem>>
    %dma_start3A_38 = tpu.memref_slice %arg3[%multiple_of3A_35] : memref<1000000xf32, #tpu.memory_space<hbm>> -> memref<1000xf32, #tpu.memory_space<hbm>>
    %dma_start3A_39 = arith.constant 3000 : i32
    %dma_start3A_40 = tpu.memref_slice %arg6[%dma_start3A_39] : memref<32000xf32, #tpu.memory_space<vmem>> -> memref<1000xf32, #tpu.memory_space<vmem>>
    %dma_start3A_41 = tpu.memref_slice %arg3[%multiple_of3A_35] : memref<1000000xf32, #tpu.memory_space<hbm>> -> memref<1000xf32, #tpu.memory_space<hbm>>
    tpu.enqueue_dma source(%dma_start3A_41 : memref<1000xf32, #tpu.memory_space<hbm>>) target(%dma_start3A_40 : memref<1000xf32, #tpu.memory_space<vmem>>) target_semaphore(%arg8 : memref<!tpu.dma_semaphore, #tpu.memory_space<semaphore_mem>>)
    %slice3A_42 = vector.extract_strided_slice %mul3A_8 {offsets = [4], sizes = [1], strides = [1]} : vector<16xi32> to vector<1xi32>
    %squeeze3A_43 = vector.extract %slice3A_42[0] : i32 from vector<1xi32>
    %multiple_of3A_44 = tpu.assume_multiple %squeeze3A_43, 8 : i32
    %dma_start3A_45 = arith.constant 4000 : i32
    %dma_start3A_46 = tpu.memref_slice %arg6[%dma_start3A_45] : memref<32000xf32, #tpu.memory_space<vmem>> -> memref<1000xf32, #tpu.memory_space<vmem>>
    %dma_start3A_47 = tpu.memref_slice %arg3[%multiple_of3A_44] : memref<1000000xf32, #tpu.memory_space<hbm>> -> memref<1000xf32, #tpu.memory_space<hbm>>
    %dma_start3A_48 = arith.constant 4000 : i32
    %dma_start3A_49 = tpu.memref_slice %arg6[%dma_start3A_48] : memref<32000xf32, #tpu.memory_space<vmem>> -> memref<1000xf32, #tpu.memory_space<vmem>>
    %dma_start3A_50 = tpu.memref_slice %arg3[%multiple_of3A_44] : memref<1000000xf32, #tpu.memory_space<hbm>> -> memref<1000xf32, #tpu.memory_space<hbm>>
    tpu.enqueue_dma source(%dma_start3A_50 : memref<1000xf32, #tpu.memory_space<hbm>>) target(%dma_start3A_49 : memref<1000xf32, #tpu.memory_space<vmem>>) target_semaphore(%arg8 : memref<!tpu.dma_semaphore, #tpu.memory_space<semaphore_mem>>)
    %slice3A_51 = vector.extract_strided_slice %mul3A_8 {offsets = [5], sizes = [1], strides = [1]} : vector<16xi32> to vector<1xi32>
    %squeeze3A_52 = vector.extract %slice3A_51[0] : i32 from vector<1xi32>
    %multiple_of3A_53 = tpu.assume_multiple %squeeze3A_52, 8 : i32
    %dma_start3A_54 = arith.constant 5000 : i32
    %dma_start3A_55 = tpu.memref_slice %arg6[%dma_start3A_54] : memref<32000xf32, #tpu.memory_space<vmem>> -> memref<1000xf32, #tpu.memory_space<vmem>>
    %dma_start3A_56 = tpu.memref_slice %arg3[%multiple_of3A_53] : memref<1000000xf32, #tpu.memory_space<hbm>> -> memref<1000xf32, #tpu.memory_space<hbm>>
    %dma_start3A_57 = arith.constant 5000 : i32
    %dma_start3A_58 = tpu.memref_slice %arg6[%dma_start3A_57] : memref<32000xf32, #tpu.memory_space<vmem>> -> memref<1000xf32, #tpu.memory_space<vmem>>
    %dma_start3A_59 = tpu.memref_slice %arg3[%multiple_of3A_53] : memref<1000000xf32, #tpu.memory_space<hbm>> -> memref<1000xf32, #tpu.memory_space<hbm>>
    tpu.enqueue_dma source(%dma_start3A_59 : memref<1000xf32, #tpu.memory_space<hbm>>) target(%dma_start3A_58 : memref<1000xf32, #tpu.memory_space<vmem>>) target_semaphore(%arg8 : memref<!tpu.dma_semaphore, #tpu.memory_space<semaphore_mem>>)
    %slice3A_60 = vector.extract_strided_slice %mul3A_8 {offsets = [6], sizes = [1], strides = [1]} : vector<16xi32> to vector<1xi32>
    %squeeze3A_61 = vector.extract %slice3A_60[0] : i32 from vector<1xi32>
    %multiple_of3A_62 = tpu.assume_multiple %squeeze3A_61, 8 : i32
    %dma_start3A_63 = arith.constant 6000 : i32
    %dma_start3A_64 = tpu.memref_slice %arg6[%dma_start3A_63] : memref<32000xf32, #tpu.memory_space<vmem>> -> memref<1000xf32, #tpu.memory_space<vmem>>
    %dma_start3A_65 = tpu.memref_slice %arg3[%multiple_of3A_62] : memref<1000000xf32, #tpu.memory_space<hbm>> -> memref<1000xf32, #tpu.memory_space<hbm>>
    %dma_start3A_66 = arith.constant 6000 : i32
    %dma_start3A_67 = tpu.memref_slice %arg6[%dma_start3A_66] : memref<32000xf32, #tpu.memory_space<vmem>> -> memref<1000xf32, #tpu.memory_space<vmem>>
    %dma_start3A_68 = tpu.memref_slice %arg3[%multiple_of3A_62] : memref<1000000xf32, #tpu.memory_space<hbm>> -> memref<1000xf32, #tpu.memory_space<hbm>>
    tpu.enqueue_dma source(%dma_start3A_68 : memref<1000xf32, #tpu.memory_space<hbm>>) target(%dma_start3A_67 : memref<1000xf32, #tpu.memory_space<vmem>>) target_semaphore(%arg8 : memref<!tpu.dma_semaphore, #tpu.memory_space<semaphore_mem>>)
    %slice3A_69 = vector.extract_strided_slice %mul3A_8 {offsets = [7], sizes = [1], strides = [1]} : vector<16xi32> to vector<1xi32>
    %squeeze3A_70 = vector.extract %slice3A_69[0] : i32 from vector<1xi32>
    %multiple_of3A_71 = tpu.assume_multiple %squeeze3A_70, 8 : i32
    %dma_start3A_72 = arith.constant 7000 : i32
    %dma_start3A_73 = tpu.memref_slice %arg6[%dma_start3A_72] : memref<32000xf32, #tpu.memory_space<vmem>> -> memref<1000xf32, #tpu.memory_space<vmem>>
    %dma_start3A_74 = tpu.memref_slice %arg3[%multiple_of3A_71] : memref<1000000xf32, #tpu.memory_space<hbm>> -> memref<1000xf32, #tpu.memory_space<hbm>>
    %dma_start3A_75 = arith.constant 7000 : i32
    %dma_start3A_76 = tpu.memref_slice %arg6[%dma_start3A_75] : memref<32000xf32, #tpu.memory_space<vmem>> -> memref<1000xf32, #tpu.memory_space<vmem>>
    %dma_start3A_77 = tpu.memref_slice %arg3[%multiple_of3A_71] : memref<1000000xf32, #tpu.memory_space<hbm>> -> memref<1000xf32, #tpu.memory_space<hbm>>
    tpu.enqueue_dma source(%dma_start3A_77 : memref<1000xf32, #tpu.memory_space<hbm>>) target(%dma_start3A_76 : memref<1000xf32, #tpu.memory_space<vmem>>) target_semaphore(%arg8 : memref<!tpu.dma_semaphore, #tpu.memory_space<semaphore_mem>>)
    %slice3A_78 = vector.extract_strided_slice %mul3A_8 {offsets = [8], sizes = [1], strides = [1]} : vector<16xi32> to vector<1xi32>
    %squeeze3A_79 = vector.extract %slice3A_78[0] : i32 from vector<1xi32>
    %multiple_of3A_80 = tpu.assume_multiple %squeeze3A_79, 8 : i32
    %dma_start3A_81 = arith.constant 8000 : i32
    %dma_start3A_82 = tpu.memref_slice %arg6[%dma_start3A_81] : memref<32000xf32, #tpu.memory_space<vmem>> -> memref<1000xf32, #tpu.memory_space<vmem>>
    %dma_start3A_83 = tpu.memref_slice %arg3[%multiple_of3A_80] : memref<1000000xf32, #tpu.memory_space<hbm>> -> memref<1000xf32, #tpu.memory_space<hbm>>
    %dma_start3A_84 = arith.constant 8000 : i32
    %dma_start3A_85 = tpu.memref_slice %arg6[%dma_start3A_84] : memref<32000xf32, #tpu.memory_space<vmem>> -> memref<1000xf32, #tpu.memory_space<vmem>>
    %dma_start3A_86 = tpu.memref_slice %arg3[%multiple_of3A_80] : memref<1000000xf32, #tpu.memory_space<hbm>> -> memref<1000xf32, #tpu.memory_space<hbm>>
    tpu.enqueue_dma source(%dma_start3A_86 : memref<1000xf32, #tpu.memory_space<hbm>>) target(%dma_start3A_85 : memref<1000xf32, #tpu.memory_space<vmem>>) target_semaphore(%arg8 : memref<!tpu.dma_semaphore, #tpu.memory_space<semaphore_mem>>)
    %slice3A_87 = vector.extract_strided_slice %mul3A_8 {offsets = [9], sizes = [1], strides = [1]} : vector<16xi32> to vector<1xi32>
    %squeeze3A_88 = vector.extract %slice3A_87[0] : i32 from vector<1xi32>
    %multiple_of3A_89 = tpu.assume_multiple %squeeze3A_88, 8 : i32
    %dma_start3A_90 = arith.constant 9000 : i32
    %dma_start3A_91 = tpu.memref_slice %arg6[%dma_start3A_90] : memref<32000xf32, #tpu.memory_space<vmem>> -> memref<1000xf32, #tpu.memory_space<vmem>>
    %dma_start3A_92 = tpu.memref_slice %arg3[%multiple_of3A_89] : memref<1000000xf32, #tpu.memory_space<hbm>> -> memref<1000xf32, #tpu.memory_space<hbm>>
    %dma_start3A_93 = arith.constant 9000 : i32
    %dma_start3A_94 = tpu.memref_slice %arg6[%dma_start3A_93] : memref<32000xf32, #tpu.memory_space<vmem>> -> memref<1000xf32, #tpu.memory_space<vmem>>
    %dma_start3A_95 = tpu.memref_slice %arg3[%multiple_of3A_89] : memref<1000000xf32, #tpu.memory_space<hbm>> -> memref<1000xf32, #tpu.memory_space<hbm>>
    tpu.enqueue_dma source(%dma_start3A_95 : memref<1000xf32, #tpu.memory_space<hbm>>) target(%dma_start3A_94 : memref<1000xf32, #tpu.memory_space<vmem>>) target_semaphore(%arg8 : memref<!tpu.dma_semaphore, #tpu.memory_space<semaphore_mem>>)
    %slice3A_96 = vector.extract_strided_slice %mul3A_8 {offsets = [10], sizes = [1], strides = [1]} : vector<16xi32> to vector<1xi32>
    %squeeze3A_97 = vector.extract %slice3A_96[0] : i32 from vector<1xi32>
    %multiple_of3A_98 = tpu.assume_multiple %squeeze3A_97, 8 : i32
    %dma_start3A_99 = arith.constant 10000 : i32
    %dma_start3A_100 = tpu.memref_slice %arg6[%dma_start3A_99] : memref<32000xf32, #tpu.memory_space<vmem>> -> memref<1000xf32, #tpu.memory_space<vmem>>
    %dma_start3A_101 = tpu.memref_slice %arg3[%multiple_of3A_98] : memref<1000000xf32, #tpu.memory_space<hbm>> -> memref<1000xf32, #tpu.memory_space<hbm>>
    %dma_start3A_102 = arith.constant 10000 : i32
    %dma_start3A_103 = tpu.memref_slice %arg6[%dma_start3A_102] : memref<32000xf32, #tpu.memory_space<vmem>> -> memref<1000xf32, #tpu.memory_space<vmem>>
    %dma_start3A_104 = tpu.memref_slice %arg3[%multiple_of3A_98] : memref<1000000xf32, #tpu.memory_space<hbm>> -> memref<1000xf32, #tpu.memory_space<hbm>>
    tpu.enqueue_dma source(%dma_start3A_104 : memref<1000xf32, #tpu.memory_space<hbm>>) target(%dma_start3A_103 : memref<1000xf32, #tpu.memory_space<vmem>>) target_semaphore(%arg8 : memref<!tpu.dma_semaphore, #tpu.memory_space<semaphore_mem>>)
    %slice3A_105 = vector.extract_strided_slice %mul3A_8 {offsets = [11], sizes = [1], strides = [1]} : vector<16xi32> to vector<1xi32>
    %squeeze3A_106 = vector.extract %slice3A_105[0] : i32 from vector<1xi32>
    %multiple_of3A_107 = tpu.assume_multiple %squeeze3A_106, 8 : i32
    %dma_start3A_108 = arith.constant 11000 : i32
    %dma_start3A_109 = tpu.memref_slice %arg6[%dma_start3A_108] : memref<32000xf32, #tpu.memory_space<vmem>> -> memref<1000xf32, #tpu.memory_space<vmem>>
    %dma_start3A_110 = tpu.memref_slice %arg3[%multiple_of3A_107] : memref<1000000xf32, #tpu.memory_space<hbm>> -> memref<1000xf32, #tpu.memory_space<hbm>>
    %dma_start3A_111 = arith.constant 11000 : i32
    %dma_start3A_112 = tpu.memref_slice %arg6[%dma_start3A_111] : memref<32000xf32, #tpu.memory_space<vmem>> -> memref<1000xf32, #tpu.memory_space<vmem>>
    %dma_start3A_113 = tpu.memref_slice %arg3[%multiple_of3A_107] : memref<1000000xf32, #tpu.memory_space<hbm>> -> memref<1000xf32, #tpu.memory_space<hbm>>
    tpu.enqueue_dma source(%dma_start3A_113 : memref<1000xf32, #tpu.memory_space<hbm>>) target(%dma_start3A_112 : memref<1000xf32, #tpu.memory_space<vmem>>) target_semaphore(%arg8 : memref<!tpu.dma_semaphore, #tpu.memory_space<semaphore_mem>>)
    %slice3A_114 = vector.extract_strided_slice %mul3A_8 {offsets = [12], sizes = [1], strides = [1]} : vector<16xi32> to vector<1xi32>
    %squeeze3A_115 = vector.extract %slice3A_114[0] : i32 from vector<1xi32>
    %multiple_of3A_116 = tpu.assume_multiple %squeeze3A_115, 8 : i32
    %dma_start3A_117 = arith.constant 12000 : i32
    %dma_start3A_118 = tpu.memref_slice %arg6[%dma_start3A_117] : memref<32000xf32, #tpu.memory_space<vmem>> -> memref<1000xf32, #tpu.memory_space<vmem>>
    %dma_start3A_119 = tpu.memref_slice %arg3[%multiple_of3A_116] : memref<1000000xf32, #tpu.memory_space<hbm>> -> memref<1000xf32, #tpu.memory_space<hbm>>
    %dma_start3A_120 = arith.constant 12000 : i32
    %dma_start3A_121 = tpu.memref_slice %arg6[%dma_start3A_120] : memref<32000xf32, #tpu.memory_space<vmem>> -> memref<1000xf32, #tpu.memory_space<vmem>>
    %dma_start3A_122 = tpu.memref_slice %arg3[%multiple_of3A_116] : memref<1000000xf32, #tpu.memory_space<hbm>> -> memref<1000xf32, #tpu.memory_space<hbm>>
    tpu.enqueue_dma source(%dma_start3A_122 : memref<1000xf32, #tpu.memory_space<hbm>>) target(%dma_start3A_121 : memref<1000xf32, #tpu.memory_space<vmem>>) target_semaphore(%arg8 : memref<!tpu.dma_semaphore, #tpu.memory_space<semaphore_mem>>)
    %slice3A_123 = vector.extract_strided_slice %mul3A_8 {offsets = [13], sizes = [1], strides = [1]} : vector<16xi32> to vector<1xi32>
    %squeeze3A_124 = vector.extract %slice3A_123[0] : i32 from vector<1xi32>
    %multiple_of3A_125 = tpu.assume_multiple %squeeze3A_124, 8 : i32
    %dma_start3A_126 = arith.constant 13000 : i32
    %dma_start3A_127 = tpu.memref_slice %arg6[%dma_start3A_126] : memref<32000xf32, #tpu.memory_space<vmem>> -> memref<1000xf32, #tpu.memory_space<vmem>>
    %dma_start3A_128 = tpu.memref_slice %arg3[%multiple_of3A_125] : memref<1000000xf32, #tpu.memory_space<hbm>> -> memref<1000xf32, #tpu.memory_space<hbm>>
    %dma_start3A_129 = arith.constant 13000 : i32
    %dma_start3A_130 = tpu.memref_slice %arg6[%dma_start3A_129] : memref<32000xf32, #tpu.memory_space<vmem>> -> memref<1000xf32, #tpu.memory_space<vmem>>
    %dma_start3A_131 = tpu.memref_slice %arg3[%multiple_of3A_125] : memref<1000000xf32, #tpu.memory_space<hbm>> -> memref<1000xf32, #tpu.memory_space<hbm>>
    tpu.enqueue_dma source(%dma_start3A_131 : memref<1000xf32, #tpu.memory_space<hbm>>) target(%dma_start3A_130 : memref<1000xf32, #tpu.memory_space<vmem>>) target_semaphore(%arg8 : memref<!tpu.dma_semaphore, #tpu.memory_space<semaphore_mem>>)
    %slice3A_132 = vector.extract_strided_slice %mul3A_8 {offsets = [14], sizes = [1], strides = [1]} : vector<16xi32> to vector<1xi32>
    %squeeze3A_133 = vector.extract %slice3A_132[0] : i32 from vector<1xi32>
    %multiple_of3A_134 = tpu.assume_multiple %squeeze3A_133, 8 : i32
    %dma_start3A_135 = arith.constant 14000 : i32
    %dma_start3A_136 = tpu.memref_slice %arg6[%dma_start3A_135] : memref<32000xf32, #tpu.memory_space<vmem>> -> memref<1000xf32, #tpu.memory_space<vmem>>
    %dma_start3A_137 = tpu.memref_slice %arg3[%multiple_of3A_134] : memref<1000000xf32, #tpu.memory_space<hbm>> -> memref<1000xf32, #tpu.memory_space<hbm>>
    %dma_start3A_138 = arith.constant 14000 : i32
    %dma_start3A_139 = tpu.memref_slice %arg6[%dma_start3A_138] : memref<32000xf32, #tpu.memory_space<vmem>> -> memref<1000xf32, #tpu.memory_space<vmem>>
    %dma_start3A_140 = tpu.memref_slice %arg3[%multiple_of3A_134] : memref<1000000xf32, #tpu.memory_space<hbm>> -> memref<1000xf32, #tpu.memory_space<hbm>>
    tpu.enqueue_dma source(%dma_start3A_140 : memref<1000xf32, #tpu.memory_space<hbm>>) target(%dma_start3A_139 : memref<1000xf32, #tpu.memory_space<vmem>>) target_semaphore(%arg8 : memref<!tpu.dma_semaphore, #tpu.memory_space<semaphore_mem>>)
    %slice3A_141 = vector.extract_strided_slice %mul3A_8 {offsets = [15], sizes = [1], strides = [1]} : vector<16xi32> to vector<1xi32>
    %squeeze3A_142 = vector.extract %slice3A_141[0] : i32 from vector<1xi32>
    %multiple_of3A_143 = tpu.assume_multiple %squeeze3A_142, 8 : i32
    %dma_start3A_144 = arith.constant 15000 : i32
    %dma_start3A_145 = tpu.memref_slice %arg6[%dma_start3A_144] : memref<32000xf32, #tpu.memory_space<vmem>> -> memref<1000xf32, #tpu.memory_space<vmem>>
    %dma_start3A_146 = tpu.memref_slice %arg3[%multiple_of3A_143] : memref<1000000xf32, #tpu.memory_space<hbm>> -> memref<1000xf32, #tpu.memory_space<hbm>>
    %dma_start3A_147 = arith.constant 15000 : i32
    %dma_start3A_148 = tpu.memref_slice %arg6[%dma_start3A_147] : memref<32000xf32, #tpu.memory_space<vmem>> -> memref<1000xf32, #tpu.memory_space<vmem>>
    %dma_start3A_149 = tpu.memref_slice %arg3[%multiple_of3A_143] : memref<1000000xf32, #tpu.memory_space<hbm>> -> memref<1000xf32, #tpu.memory_space<hbm>>
    tpu.enqueue_dma source(%dma_start3A_149 : memref<1000xf32, #tpu.memory_space<hbm>>) target(%dma_start3A_148 : memref<1000xf32, #tpu.memory_space<vmem>>) target_semaphore(%arg8 : memref<!tpu.dma_semaphore, #tpu.memory_space<semaphore_mem>>)
    %multiple_of3A_150 = arith.constant 16 : i32
    %multiple_of3A_151 = tpu.assume_multiple %multiple_of3A_150, 16 : i32
    %get3A_152 = arith.index_cast %multiple_of3A_151 : i32 to index
    %get3A_153 = tpu.vector_load %arg5[%get3A_152] {strides = array<i32>} : memref<1600xi32, #tpu.memory_space<vmem>>, vector<16xi32>,
    %get3A_154 = vector.shape_cast %get3A_153 : vector<16xi32> to vector<16xi32>
    %mul3A_155 = arith.constant 1000 : i32
    %mul3A_156 = vector.broadcast %mul3A_155 : i32 to vector<16xi32>
    %mul3A_157 = arith.muli %get3A_154, %mul3A_156 : vector<16xi32>
    %slice3A_158 = vector.extract_strided_slice %mul3A_157 {offsets = [0], sizes = [1], strides = [1]} : vector<16xi32> to vector<1xi32>
    %squeeze3A_159 = vector.extract %slice3A_158[0] : i32 from vector<1xi32>
    %multiple_of3A_160 = tpu.assume_multiple %squeeze3A_159, 8 : i32
    %dma_start3A_161 = arith.constant 16000 : i32
    %dma_start3A_162 = tpu.memref_slice %arg6[%dma_start3A_161] : memref<32000xf32, #tpu.memory_space<vmem>> -> memref<1000xf32, #tpu.memory_space<vmem>>
    %dma_start3A_163 = tpu.memref_slice %arg3[%multiple_of3A_160] : memref<1000000xf32, #tpu.memory_space<hbm>> -> memref<1000xf32, #tpu.memory_space<hbm>>
    %dma_start3A_164 = arith.constant 16000 : i32
    %dma_start3A_165 = tpu.memref_slice %arg6[%dma_start3A_164] : memref<32000xf32, #tpu.memory_space<vmem>> -> memref<1000xf32, #tpu.memory_space<vmem>>
    %dma_start3A_166 = tpu.memref_slice %arg3[%multiple_of3A_160] : memref<1000000xf32, #tpu.memory_space<hbm>> -> memref<1000xf32, #tpu.memory_space<hbm>>
    tpu.enqueue_dma source(%dma_start3A_166 : memref<1000xf32, #tpu.memory_space<hbm>>) target(%dma_start3A_165 : memref<1000xf32, #tpu.memory_space<vmem>>) target_semaphore(%arg8 : memref<!tpu.dma_semaphore, #tpu.memory_space<semaphore_mem>>)
    %slice3A_167 = vector.extract_strided_slice %mul3A_157 {offsets = [1], sizes = [1], strides = [1]} : vector<16xi32> to vector<1xi32>
    %squeeze3A_168 = vector.extract %slice3A_167[0] : i32 from vector<1xi32>
    %multiple_of3A_169 = tpu.assume_multiple %squeeze3A_168, 8 : i32
    %dma_start3A_170 = arith.constant 17000 : i32
    %dma_start3A_171 = tpu.memref_slice %arg6[%dma_start3A_170] : memref<32000xf32, #tpu.memory_space<vmem>> -> memref<1000xf32, #tpu.memory_space<vmem>>
    %dma_start3A_172 = tpu.memref_slice %arg3[%multiple_of3A_169] : memref<1000000xf32, #tpu.memory_space<hbm>> -> memref<1000xf32, #tpu.memory_space<hbm>>
    %dma_start3A_173 = arith.constant 17000 : i32
    %dma_start3A_174 = tpu.memref_slice %arg6[%dma_start3A_173] : memref<32000xf32, #tpu.memory_space<vmem>> -> memref<1000xf32, #tpu.memory_space<vmem>>
    %dma_start3A_175 = tpu.memref_slice %arg3[%multiple_of3A_169] : memref<1000000xf32, #tpu.memory_space<hbm>> -> memref<1000xf32, #tpu.memory_space<hbm>>
    tpu.enqueue_dma source(%dma_start3A_175 : memref<1000xf32, #tpu.memory_space<hbm>>) target(%dma_start3A_174 : memref<1000xf32, #tpu.memory_space<vmem>>) target_semaphore(%arg8 : memref<!tpu.dma_semaphore, #tpu.memory_space<semaphore_mem>>)
    %slice3A_176 = vector.extract_strided_slice %mul3A_157 {offsets = [2], sizes = [1], strides = [1]} : vector<16xi32> to vector<1xi32>
    %squeeze3A_177 = vector.extract %slice3A_176[0] : i32 from vector<1xi32>
    %multiple_of3A_178 = tpu.assume_multiple %squeeze3A_177, 8 : i32
    %dma_start3A_179 = arith.constant 18000 : i32
    %dma_start3A_180 = tpu.memref_slice %arg6[%dma_start3A_179] : memref<32000xf32, #tpu.memory_space<vmem>> -> memref<1000xf32, #tpu.memory_space<vmem>>
    %dma_start3A_181 = tpu.memref_slice %arg3[%multiple_of3A_178] : memref<1000000xf32, #tpu.memory_space<hbm>> -> memref<1000xf32, #tpu.memory_space<hbm>>
    %dma_start3A_182 = arith.constant 18000 : i32
    %dma_start3A_183 = tpu.memref_slice %arg6[%dma_start3A_182] : memref<32000xf32, #tpu.memory_space<vmem>> -> memref<1000xf32, #tpu.memory_space<vmem>>
    %dma_start3A_184 = tpu.memref_slice %arg3[%multiple_of3A_178] : memref<1000000xf32, #tpu.memory_space<hbm>> -> memref<1000xf32, #tpu.memory_space<hbm>>
    tpu.enqueue_dma source(%dma_start3A_184 : memref<1000xf32, #tpu.memory_space<hbm>>) target(%dma_start3A_183 : memref<1000xf32, #tpu.memory_space<vmem>>) target_semaphore(%arg8 : memref<!tpu.dma_semaphore, #tpu.memory_space<semaphore_mem>>)
    %slice3A_185 = vector.extract_strided_slice %mul3A_157 {offsets = [3], sizes = [1], strides = [1]} : vector<16xi32> to vector<1xi32>
    %squeeze3A_186 = vector.extract %slice3A_185[0] : i32 from vector<1xi32>
    %multiple_of3A_187 = tpu.assume_multiple %squeeze3A_186, 8 : i32
    %dma_start3A_188 = arith.constant 19000 : i32
    %dma_start3A_189 = tpu.memref_slice %arg6[%dma_start3A_188] : memref<32000xf32, #tpu.memory_space<vmem>> -> memref<1000xf32, #tpu.memory_space<vmem>>
    %dma_start3A_190 = tpu.memref_slice %arg3[%multiple_of3A_187] : memref<1000000xf32, #tpu.memory_space<hbm>> -> memref<1000xf32, #tpu.memory_space<hbm>>
    %dma_start3A_191 = arith.constant 19000 : i32
    %dma_start3A_192 = tpu.memref_slice %arg6[%dma_start3A_191] : memref<32000xf32, #tpu.memory_space<vmem>> -> memref<1000xf32, #tpu.memory_space<vmem>>
    %dma_start3A_193 = tpu.memref_slice %arg3[%multiple_of3A_187] : memref<1000000xf32, #tpu.memory_space<hbm>> -> memref<1000xf32, #tpu.memory_space<hbm>>
    tpu.enqueue_dma source(%dma_start3A_193 : memref<1000xf32, #tpu.memory_space<hbm>>) target(%dma_start3A_192 : memref<1000xf32, #tpu.memory_space<vmem>>) target_semaphore(%arg8 : memref<!tpu.dma_semaphore, #tpu.memory_space<semaphore_mem>>)
    %slice3A_194 = vector.extract_strided_slice %mul3A_157 {offsets = [4], sizes = [1], strides = [1]} : vector<16xi32> to vector<1xi32>
    %squeeze3A_195 = vector.extract %slice3A_194[0] : i32 from vector<1xi32>
    %multiple_of3A_196 = tpu.assume_multiple %squeeze3A_195, 8 : i32
    %dma_start3A_197 = arith.constant 20000 : i32
    %dma_start3A_198 = tpu.memref_slice %arg6[%dma_start3A_197] : memref<32000xf32, #tpu.memory_space<vmem>> -> memref<1000xf32, #tpu.memory_space<vmem>>
    %dma_start3A_199 = tpu.memref_slice %arg3[%multiple_of3A_196] : memref<1000000xf32, #tpu.memory_space<hbm>> -> memref<1000xf32, #tpu.memory_space<hbm>>
    %dma_start3A_200 = arith.constant 20000 : i32
    %dma_start3A_201 = tpu.memref_slice %arg6[%dma_start3A_200] : memref<32000xf32, #tpu.memory_space<vmem>> -> memref<1000xf32, #tpu.memory_space<vmem>>
    %dma_start3A_202 = tpu.memref_slice %arg3[%multiple_of3A_196] : memref<1000000xf32, #tpu.memory_space<hbm>> -> memref<1000xf32, #tpu.memory_space<hbm>>
    tpu.enqueue_dma source(%dma_start3A_202 : memref<1000xf32, #tpu.memory_space<hbm>>) target(%dma_start3A_201 : memref<1000xf32, #tpu.memory_space<vmem>>) target_semaphore(%arg8 : memref<!tpu.dma_semaphore, #tpu.memory_space<semaphore_mem>>)
    %slice3A_203 = vector.extract_strided_slice %mul3A_157 {offsets = [5], sizes = [1], strides = [1]} : vector<16xi32> to vector<1xi32>
    %squeeze3A_204 = vector.extract %slice3A_203[0] : i32 from vector<1xi32>
    %multiple_of3A_205 = tpu.assume_multiple %squeeze3A_204, 8 : i32
    %dma_start3A_206 = arith.constant 21000 : i32
    %dma_start3A_207 = tpu.memref_slice %arg6[%dma_start3A_206] : memref<32000xf32, #tpu.memory_space<vmem>> -> memref<1000xf32, #tpu.memory_space<vmem>>
    %dma_start3A_208 = tpu.memref_slice %arg3[%multiple_of3A_205] : memref<1000000xf32, #tpu.memory_space<hbm>> -> memref<1000xf32, #tpu.memory_space<hbm>>
    %dma_start3A_209 = arith.constant 21000 : i32
    %dma_start3A_210 = tpu.memref_slice %arg6[%dma_start3A_209] : memref<32000xf32, #tpu.memory_space<vmem>> -> memref<1000xf32, #tpu.memory_space<vmem>>
    %dma_start3A_211 = tpu.memref_slice %arg3[%multiple_of3A_205] : memref<1000000xf32, #tpu.memory_space<hbm>> -> memref<1000xf32, #tpu.memory_space<hbm>>
    tpu.enqueue_dma source(%dma_start3A_211 : memref<1000xf32, #tpu.memory_space<hbm>>) target(%dma_start3A_210 : memref<1000xf32, #tpu.memory_space<vmem>>) target_semaphore(%arg8 : memref<!tpu.dma_semaphore, #tpu.memory_space<semaphore_mem>>)
    %slice3A_212 = vector.extract_strided_slice %mul3A_157 {offsets = [6], sizes = [1], strides = [1]} : vector<16xi32> to vector<1xi32>
    %squeeze3A_213 = vector.extract %slice3A_212[0] : i32 from vector<1xi32>
    %multiple_of3A_214 = tpu.assume_multiple %squeeze3A_213, 8 : i32
    %dma_start3A_215 = arith.constant 22000 : i32
    %dma_start3A_216 = tpu.memref_slice %arg6[%dma_start3A_215] : memref<32000xf32, #tpu.memory_space<vmem>> -> memref<1000xf32, #tpu.memory_space<vmem>>
    %dma_start3A_217 = tpu.memref_slice %arg3[%multiple_of3A_214] : memref<1000000xf32, #tpu.memory_space<hbm>> -> memref<1000xf32, #tpu.memory_space<hbm>>
    %dma_start3A_218 = arith.constant 22000 : i32
    %dma_start3A_219 = tpu.memref_slice %arg6[%dma_start3A_218] : memref<32000xf32, #tpu.memory_space<vmem>> -> memref<1000xf32, #tpu.memory_space<vmem>>
    %dma_start3A_220 = tpu.memref_slice %arg3[%multiple_of3A_214] : memref<1000000xf32, #tpu.memory_space<hbm>> -> memref<1000xf32, #tpu.memory_space<hbm>>
    tpu.enqueue_dma source(%dma_start3A_220 : memref<1000xf32, #tpu.memory_space<hbm>>) target(%dma_start3A_219 : memref<1000xf32, #tpu.memory_space<vmem>>) target_semaphore(%arg8 : memref<!tpu.dma_semaphore, #tpu.memory_space<semaphore_mem>>)
    %slice3A_221 = vector.extract_strided_slice %mul3A_157 {offsets = [7], sizes = [1], strides = [1]} : vector<16xi32> to vector<1xi32>
    %squeeze3A_222 = vector.extract %slice3A_221[0] : i32 from vector<1xi32>
    %multiple_of3A_223 = tpu.assume_multiple %squeeze3A_222, 8 : i32
    %dma_start3A_224 = arith.constant 23000 : i32
    %dma_start3A_225 = tpu.memref_slice %arg6[%dma_start3A_224] : memref<32000xf32, #tpu.memory_space<vmem>> -> memref<1000xf32, #tpu.memory_space<vmem>>
    %dma_start3A_226 = tpu.memref_slice %arg3[%multiple_of3A_223] : memref<1000000xf32, #tpu.memory_space<hbm>> -> memref<1000xf32, #tpu.memory_space<hbm>>
    %dma_start3A_227 = arith.constant 23000 : i32
    %dma_start3A_228 = tpu.memref_slice %arg6[%dma_start3A_227] : memref<32000xf32, #tpu.memory_space<vmem>> -> memref<1000xf32, #tpu.memory_space<vmem>>
    %dma_start3A_229 = tpu.memref_slice %arg3[%multiple_of3A_223] : memref<1000000xf32, #tpu.memory_space<hbm>> -> memref<1000xf32, #tpu.memory_space<hbm>>
    tpu.enqueue_dma source(%dma_start3A_229 : memref<1000xf32, #tpu.memory_space<hbm>>) target(%dma_start3A_228 : memref<1000xf32, #tpu.memory_space<vmem>>) target_semaphore(%arg8 : memref<!tpu.dma_semaphore, #tpu.memory_space<semaphore_mem>>)
    %slice3A_230 = vector.extract_strided_slice %mul3A_157 {offsets = [8], sizes = [1], strides = [1]} : vector<16xi32> to vector<1xi32>
    %squeeze3A_231 = vector.extract %slice3A_230[0] : i32 from vector<1xi32>
    %multiple_of3A_232 = tpu.assume_multiple %squeeze3A_231, 8 : i32
    %dma_start3A_233 = arith.constant 24000 : i32
    %dma_start3A_234 = tpu.memref_slice %arg6[%dma_start3A_233] : memref<32000xf32, #tpu.memory_space<vmem>> -> memref<1000xf32, #tpu.memory_space<vmem>>
    %dma_start3A_235 = tpu.memref_slice %arg3[%multiple_of3A_232] : memref<1000000xf32, #tpu.memory_space<hbm>> -> memref<1000xf32, #tpu.memory_space<hbm>>
    %dma_start3A_236 = arith.constant 24000 : i32
    %dma_start3A_237 = tpu.memref_slice %arg6[%dma_start3A_236] : memref<32000xf32, #tpu.memory_space<vmem>> -> memref<1000xf32, #tpu.memory_space<vmem>>
    %dma_start3A_238 = tpu.memref_slice %arg3[%multiple_of3A_232] : memref<1000000xf32, #tpu.memory_space<hbm>> -> memref<1000xf32, #tpu.memory_space<hbm>>
    tpu.enqueue_dma source(%dma_start3A_238 : memref<1000xf32, #tpu.memory_space<hbm>>) target(%dma_start3A_237 : memref<1000xf32, #tpu.memory_space<vmem>>) target_semaphore(%arg8 : memref<!tpu.dma_semaphore, #tpu.memory_space<semaphore_mem>>)
    %slice3A_239 = vector.extract_strided_slice %mul3A_157 {offsets = [9], sizes = [1], strides = [1]} : vector<16xi32> to vector<1xi32>
    %squeeze3A_240 = vector.extract %slice3A_239[0] : i32 from vector<1xi32>
    %multiple_of3A_241 = tpu.assume_multiple %squeeze3A_240, 8 : i32
    %dma_start3A_242 = arith.constant 25000 : i32
    %dma_start3A_243 = tpu.memref_slice %arg6[%dma_start3A_242] : memref<32000xf32, #tpu.memory_space<vmem>> -> memref<1000xf32, #tpu.memory_space<vmem>>
    %dma_start3A_244 = tpu.memref_slice %arg3[%multiple_of3A_241] : memref<1000000xf32, #tpu.memory_space<hbm>> -> memref<1000xf32, #tpu.memory_space<hbm>>
    %dma_start3A_245 = arith.constant 25000 : i32
    %dma_start3A_246 = tpu.memref_slice %arg6[%dma_start3A_245] : memref<32000xf32, #tpu.memory_space<vmem>> -> memref<1000xf32, #tpu.memory_space<vmem>>
    %dma_start3A_247 = tpu.memref_slice %arg3[%multiple_of3A_241] : memref<1000000xf32, #tpu.memory_space<hbm>> -> memref<1000xf32, #tpu.memory_space<hbm>>
    tpu.enqueue_dma source(%dma_start3A_247 : memref<1000xf32, #tpu.memory_space<hbm>>) target(%dma_start3A_246 : memref<1000xf32, #tpu.memory_space<vmem>>) target_semaphore(%arg8 : memref<!tpu.dma_semaphore, #tpu.memory_space<semaphore_mem>>)
    %slice3A_248 = vector.extract_strided_slice %mul3A_157 {offsets = [10], sizes = [1], strides = [1]} : vector<16xi32> to vector<1xi32>
    %squeeze3A_249 = vector.extract %slice3A_248[0] : i32 from vector<1xi32>
    %multiple_of3A_250 = tpu.assume_multiple %squeeze3A_249, 8 : i32
    %dma_start3A_251 = arith.constant 26000 : i32
    %dma_start3A_252 = tpu.memref_slice %arg6[%dma_start3A_251] : memref<32000xf32, #tpu.memory_space<vmem>> -> memref<1000xf32, #tpu.memory_space<vmem>>
    %dma_start3A_253 = tpu.memref_slice %arg3[%multiple_of3A_250] : memref<1000000xf32, #tpu.memory_space<hbm>> -> memref<1000xf32, #tpu.memory_space<hbm>>
    %dma_start3A_254 = arith.constant 26000 : i32
    %dma_start3A_255 = tpu.memref_slice %arg6[%dma_start3A_254] : memref<32000xf32, #tpu.memory_space<vmem>> -> memref<1000xf32, #tpu.memory_space<vmem>>
    %dma_start3A_256 = tpu.memref_slice %arg3[%multiple_of3A_250] : memref<1000000xf32, #tpu.memory_space<hbm>> -> memref<1000xf32, #tpu.memory_space<hbm>>
    tpu.enqueue_dma source(%dma_start3A_256 : memref<1000xf32, #tpu.memory_space<hbm>>) target(%dma_start3A_255 : memref<1000xf32, #tpu.memory_space<vmem>>) target_semaphore(%arg8 : memref<!tpu.dma_semaphore, #tpu.memory_space<semaphore_mem>>)
    %slice3A_257 = vector.extract_strided_slice %mul3A_157 {offsets = [11], sizes = [1], strides = [1]} : vector<16xi32> to vector<1xi32>
    %squeeze3A_258 = vector.extract %slice3A_257[0] : i32 from vector<1xi32>
    %multiple_of3A_259 = tpu.assume_multiple %squeeze3A_258, 8 : i32
    %dma_start3A_260 = arith.constant 27000 : i32
    %dma_start3A_261 = tpu.memref_slice %arg6[%dma_start3A_260] : memref<32000xf32, #tpu.memory_space<vmem>> -> memref<1000xf32, #tpu.memory_space<vmem>>
    %dma_start3A_262 = tpu.memref_slice %arg3[%multiple_of3A_259] : memref<1000000xf32, #tpu.memory_space<hbm>> -> memref<1000xf32, #tpu.memory_space<hbm>>
    %dma_start3A_263 = arith.constant 27000 : i32
    %dma_start3A_264 = tpu.memref_slice %arg6[%dma_start3A_263] : memref<32000xf32, #tpu.memory_space<vmem>> -> memref<1000xf32, #tpu.memory_space<vmem>>
    %dma_start3A_265 = tpu.memref_slice %arg3[%multiple_of3A_259] : memref<1000000xf32, #tpu.memory_space<hbm>> -> memref<1000xf32, #tpu.memory_space<hbm>>
    tpu.enqueue_dma source(%dma_start3A_265 : memref<1000xf32, #tpu.memory_space<hbm>>) target(%dma_start3A_264 : memref<1000xf32, #tpu.memory_space<vmem>>) target_semaphore(%arg8 : memref<!tpu.dma_semaphore, #tpu.memory_space<semaphore_mem>>)
    %slice3A_266 = vector.extract_strided_slice %mul3A_157 {offsets = [12], sizes = [1], strides = [1]} : vector<16xi32> to vector<1xi32>
    %squeeze3A_267 = vector.extract %slice3A_266[0] : i32 from vector<1xi32>
    %multiple_of3A_268 = tpu.assume_multiple %squeeze3A_267, 8 : i32
    %dma_start3A_269 = arith.constant 28000 : i32
    %dma_start3A_270 = tpu.memref_slice %arg6[%dma_start3A_269] : memref<32000xf32, #tpu.memory_space<vmem>> -> memref<1000xf32, #tpu.memory_space<vmem>>
    %dma_start3A_271 = tpu.memref_slice %arg3[%multiple_of3A_268] : memref<1000000xf32, #tpu.memory_space<hbm>> -> memref<1000xf32, #tpu.memory_space<hbm>>
    %dma_start3A_272 = arith.constant 28000 : i32
    %dma_start3A_273 = tpu.memref_slice %arg6[%dma_start3A_272] : memref<32000xf32, #tpu.memory_space<vmem>> -> memref<1000xf32, #tpu.memory_space<vmem>>
    %dma_start3A_274 = tpu.memref_slice %arg3[%multiple_of3A_268] : memref<1000000xf32, #tpu.memory_space<hbm>> -> memref<1000xf32, #tpu.memory_space<hbm>>
    tpu.enqueue_dma source(%dma_start3A_274 : memref<1000xf32, #tpu.memory_space<hbm>>) target(%dma_start3A_273 : memref<1000xf32, #tpu.memory_space<vmem>>) target_semaphore(%arg8 : memref<!tpu.dma_semaphore, #tpu.memory_space<semaphore_mem>>)
    %slice3A_275 = vector.extract_strided_slice %mul3A_157 {offsets = [13], sizes = [1], strides = [1]} : vector<16xi32> to vector<1xi32>
    %squeeze3A_276 = vector.extract %slice3A_275[0] : i32 from vector<1xi32>
    %multiple_of3A_277 = tpu.assume_multiple %squeeze3A_276, 8 : i32
    %dma_start3A_278 = arith.constant 29000 : i32
    %dma_start3A_279 = tpu.memref_slice %arg6[%dma_start3A_278] : memref<32000xf32, #tpu.memory_space<vmem>> -> memref<1000xf32, #tpu.memory_space<vmem>>
    %dma_start3A_280 = tpu.memref_slice %arg3[%multiple_of3A_277] : memref<1000000xf32, #tpu.memory_space<hbm>> -> memref<1000xf32, #tpu.memory_space<hbm>>
    %dma_start3A_281 = arith.constant 29000 : i32
    %dma_start3A_282 = tpu.memref_slice %arg6[%dma_start3A_281] : memref<32000xf32, #tpu.memory_space<vmem>> -> memref<1000xf32, #tpu.memory_space<vmem>>
    %dma_start3A_283 = tpu.memref_slice %arg3[%multiple_of3A_277] : memref<1000000xf32, #tpu.memory_space<hbm>> -> memref<1000xf32, #tpu.memory_space<hbm>>
    tpu.enqueue_dma source(%dma_start3A_283 : memref<1000xf32, #tpu.memory_space<hbm>>) target(%dma_start3A_282 : memref<1000xf32, #tpu.memory_space<vmem>>) target_semaphore(%arg8 : memref<!tpu.dma_semaphore, #tpu.memory_space<semaphore_mem>>)
    %slice3A_284 = vector.extract_strided_slice %mul3A_157 {offsets = [14], sizes = [1], strides = [1]} : vector<16xi32> to vector<1xi32>
    %squeeze3A_285 = vector.extract %slice3A_284[0] : i32 from vector<1xi32>
    %multiple_of3A_286 = tpu.assume_multiple %squeeze3A_285, 8 : i32
    %dma_start3A_287 = arith.constant 30000 : i32
    %dma_start3A_288 = tpu.memref_slice %arg6[%dma_start3A_287] : memref<32000xf32, #tpu.memory_space<vmem>> -> memref<1000xf32, #tpu.memory_space<vmem>>
    %dma_start3A_289 = tpu.memref_slice %arg3[%multiple_of3A_286] : memref<1000000xf32, #tpu.memory_space<hbm>> -> memref<1000xf32, #tpu.memory_space<hbm>>
    %dma_start3A_290 = arith.constant 30000 : i32
    %dma_start3A_291 = tpu.memref_slice %arg6[%dma_start3A_290] : memref<32000xf32, #tpu.memory_space<vmem>> -> memref<1000xf32, #tpu.memory_space<vmem>>
    %dma_start3A_292 = tpu.memref_slice %arg3[%multiple_of3A_286] : memref<1000000xf32, #tpu.memory_space<hbm>> -> memref<1000xf32, #tpu.memory_space<hbm>>
    tpu.enqueue_dma source(%dma_start3A_292 : memref<1000xf32, #tpu.memory_space<hbm>>) target(%dma_start3A_291 : memref<1000xf32, #tpu.memory_space<vmem>>) target_semaphore(%arg8 : memref<!tpu.dma_semaphore, #tpu.memory_space<semaphore_mem>>)
    %slice3A_293 = vector.extract_strided_slice %mul3A_157 {offsets = [15], sizes = [1], strides = [1]} : vector<16xi32> to vector<1xi32>
    %squeeze3A_294 = vector.extract %slice3A_293[0] : i32 from vector<1xi32>
    %multiple_of3A_295 = tpu.assume_multiple %squeeze3A_294, 8 : i32
    %dma_start3A_296 = arith.constant 31000 : i32
    %dma_start3A_297 = tpu.memref_slice %arg6[%dma_start3A_296] : memref<32000xf32, #tpu.memory_space<vmem>> -> memref<1000xf32, #tpu.memory_space<vmem>>
    %dma_start3A_298 = tpu.memref_slice %arg3[%multiple_of3A_295] : memref<1000000xf32, #tpu.memory_space<hbm>> -> memref<1000xf32, #tpu.memory_space<hbm>>
    %dma_start3A_299 = arith.constant 31000 : i32
    %dma_start3A_300 = tpu.memref_slice %arg6[%dma_start3A_299] : memref<32000xf32, #tpu.memory_space<vmem>> -> memref<1000xf32, #tpu.memory_space<vmem>>
    %dma_start3A_301 = tpu.memref_slice %arg3[%multiple_of3A_295] : memref<1000000xf32, #tpu.memory_space<hbm>> -> memref<1000xf32, #tpu.memory_space<hbm>>
    tpu.enqueue_dma source(%dma_start3A_301 : memref<1000xf32, #tpu.memory_space<hbm>>) target(%dma_start3A_300 : memref<1000xf32, #tpu.memory_space<vmem>>) target_semaphore(%arg8 : memref<!tpu.dma_semaphore, #tpu.memory_space<semaphore_mem>>)
    %multiple_of3A_302 = arith.constant 32 : i32
    %multiple_of3A_303 = tpu.assume_multiple %multiple_of3A_302, 16 : i32
    %get3A_304 = arith.index_cast %multiple_of3A_303 : i32 to index
    %get3A_305 = tpu.vector_load %arg5[%get3A_304] {strides = array<i32>} : memref<1600xi32, #tpu.memory_space<vmem>>, vector<16xi32>,
    %get3A_306 = vector.shape_cast %get3A_305 : vector<16xi32> to vector<16xi32>
    %mul3A_307 = arith.constant 1000 : i32
    %mul3A_308 = vector.broadcast %mul3A_307 : i32 to vector<16xi32>
    %mul3A_309 = arith.muli %get3A_306, %mul3A_308 : vector<16xi32>
    %slice3A_310 = vector.extract_strided_slice %mul3A_309 {offsets = [0], sizes = [1], strides = [1]} : vector<16xi32> to vector<1xi32>
    %squeeze3A_311 = vector.extract %slice3A_310[0] : i32 from vector<1xi32>
    %multiple_of3A_312 = tpu.assume_multiple %squeeze3A_311, 8 : i32
    %dma_start3A_313 = arith.constant 0 : i32
    %dma_start3A_314 = tpu.memref_slice %arg7[%dma_start3A_313] : memref<32000xf32, #tpu.memory_space<vmem>> -> memref<1000xf32, #tpu.memory_space<vmem>>
    %dma_start3A_315 = tpu.memref_slice %arg3[%multiple_of3A_312] : memref<1000000xf32, #tpu.memory_space<hbm>> -> memref<1000xf32, #tpu.memory_space<hbm>>
    %dma_start3A_316 = arith.constant 0 : i32
    %dma_start3A_317 = tpu.memref_slice %arg7[%dma_start3A_316] : memref<32000xf32, #tpu.memory_space<vmem>> -> memref<1000xf32, #tpu.memory_space<vmem>>
    %dma_start3A_318 = tpu.memref_slice %arg3[%multiple_of3A_312] : memref<1000000xf32, #tpu.memory_space<hbm>> -> memref<1000xf32, #tpu.memory_space<hbm>>
    tpu.enqueue_dma source(%dma_start3A_318 : memref<1000xf32, #tpu.memory_space<hbm>>) target(%dma_start3A_317 : memref<1000xf32, #tpu.memory_space<vmem>>) target_semaphore(%arg9 : memref<!tpu.dma_semaphore, #tpu.memory_space<semaphore_mem>>)
    %slice3A_319 = vector.extract_strided_slice %mul3A_309 {offsets = [1], sizes = [1], strides = [1]} : vector<16xi32> to vector<1xi32>
    %squeeze3A_320 = vector.extract %slice3A_319[0] : i32 from vector<1xi32>
    %multiple_of3A_321 = tpu.assume_multiple %squeeze3A_320, 8 : i32
    %dma_start3A_322 = arith.constant 1000 : i32
    %dma_start3A_323 = tpu.memref_slice %arg7[%dma_start3A_322] : memref<32000xf32, #tpu.memory_space<vmem>> -> memref<1000xf32, #tpu.memory_space<vmem>>
    %dma_start3A_324 = tpu.memref_slice %arg3[%multiple_of3A_321] : memref<1000000xf32, #tpu.memory_space<hbm>> -> memref<1000xf32, #tpu.memory_space<hbm>>
    %dma_start3A_325 = arith.constant 1000 : i32
    %dma_start3A_326 = tpu.memref_slice %arg7[%dma_start3A_325] : memref<32000xf32, #tpu.memory_space<vmem>> -> memref<1000xf32, #tpu.memory_space<vmem>>
    %dma_start3A_327 = tpu.memref_slice %arg3[%multiple_of3A_321] : memref<1000000xf32, #tpu.memory_space<hbm>> -> memref<1000xf32, #tpu.memory_space<hbm>>
    tpu.enqueue_dma source(%dma_start3A_327 : memref<1000xf32, #tpu.memory_space<hbm>>) target(%dma_start3A_326 : memref<1000xf32, #tpu.memory_space<vmem>>) target_semaphore(%arg9 : memref<!tpu.dma_semaphore, #tpu.memory_space<semaphore_mem>>)
    %slice3A_328 = vector.extract_strided_slice %mul3A_309 {offsets = [2], sizes = [1], strides = [1]} : vector<16xi32> to vector<1xi32>
    %squeeze3A_329 = vector.extract %slice3A_328[0] : i32 from vector<1xi32>
    %multiple_of3A_330 = tpu.assume_multiple %squeeze3A_329, 8 : i32
    %dma_start3A_331 = arith.constant 2000 : i32
    %dma_start3A_332 = tpu.memref_slice %arg7[%dma_start3A_331] : memref<32000xf32, #tpu.memory_space<vmem>> -> memref<1000xf32, #tpu.memory_space<vmem>>
    %dma_start3A_333 = tpu.memref_slice %arg3[%multiple_of3A_330] : memref<1000000xf32, #tpu.memory_space<hbm>> -> memref<1000xf32, #tpu.memory_space<hbm>>
    %dma_start3A_334 = arith.constant 2000 : i32
    %dma_start3A_335 = tpu.memref_slice %arg7[%dma_start3A_334] : memref<32000xf32, #tpu.memory_space<vmem>> -> memref<1000xf32, #tpu.memory_space<vmem>>
    %dma_start3A_336 = tpu.memref_slice %arg3[%multiple_of3A_330] : memref<1000000xf32, #tpu.memory_space<hbm>> -> memref<1000xf32, #tpu.memory_space<hbm>>
    tpu.enqueue_dma source(%dma_start3A_336 : memref<1000xf32, #tpu.memory_space<hbm>>) target(%dma_start3A_335 : memref<1000xf32, #tpu.memory_space<vmem>>) target_semaphore(%arg9 : memref<!tpu.dma_semaphore, #tpu.memory_space<semaphore_mem>>)
    %slice3A_337 = vector.extract_strided_slice %mul3A_309 {offsets = [3], sizes = [1], strides = [1]} : vector<16xi32> to vector<1xi32>
    %squeeze3A_338 = vector.extract %slice3A_337[0] : i32 from vector<1xi32>
    %multiple_of3A_339 = tpu.assume_multiple %squeeze3A_338, 8 : i32
    %dma_start3A_340 = arith.constant 3000 : i32
    %dma_start3A_341 = tpu.memref_slice %arg7[%dma_start3A_340] : memref<32000xf32, #tpu.memory_space<vmem>> -> memref<1000xf32, #tpu.memory_space<vmem>>
    %dma_start3A_342 = tpu.memref_slice %arg3[%multiple_of3A_339] : memref<1000000xf32, #tpu.memory_space<hbm>> -> memref<1000xf32, #tpu.memory_space<hbm>>
    %dma_start3A_343 = arith.constant 3000 : i32
    %dma_start3A_344 = tpu.memref_slice %arg7[%dma_start3A_343] : memref<32000xf32, #tpu.memory_space<vmem>> -> memref<1000xf32, #tpu.memory_space<vmem>>
    %dma_start3A_345 = tpu.memref_slice %arg3[%multiple_of3A_339] : memref<1000000xf32, #tpu.memory_space<hbm>> -> memref<1000xf32, #tpu.memory_space<hbm>>
    tpu.enqueue_dma source(%dma_start3A_345 : memref<1000xf32, #tpu.memory_space<hbm>>) target(%dma_start3A_344 : memref<1000xf32, #tpu.memory_space<vmem>>) target_semaphore(%arg9 : memref<!tpu.dma_semaphore, #tpu.memory_space<semaphore_mem>>)
    %slice3A_346 = vector.extract_strided_slice %mul3A_309 {offsets = [4], sizes = [1], strides = [1]} : vector<16xi32> to vector<1xi32>
    %squeeze3A_347 = vector.extract %slice3A_346[0] : i32 from vector<1xi32>
    %multiple_of3A_348 = tpu.assume_multiple %squeeze3A_347, 8 : i32
    %dma_start3A_349 = arith.constant 4000 : i32
    %dma_start3A_350 = tpu.memref_slice %arg7[%dma_start3A_349] : memref<32000xf32, #tpu.memory_space<vmem>> -> memref<1000xf32, #tpu.memory_space<vmem>>
    %dma_start3A_351 = tpu.memref_slice %arg3[%multiple_of3A_348] : memref<1000000xf32, #tpu.memory_space<hbm>> -> memref<1000xf32, #tpu.memory_space<hbm>>
    %dma_start3A_352 = arith.constant 4000 : i32
    %dma_start3A_353 = tpu.memref_slice %arg7[%dma_start3A_352] : memref<32000xf32, #tpu.memory_space<vmem>> -> memref<1000xf32, #tpu.memory_space<vmem>>
    %dma_start3A_354 = tpu.memref_slice %arg3[%multiple_of3A_348] : memref<1000000xf32, #tpu.memory_space<hbm>> -> memref<1000xf32, #tpu.memory_space<hbm>>
    tpu.enqueue_dma source(%dma_start3A_354 : memref<1000xf32, #tpu.memory_space<hbm>>) target(%dma_start3A_353 : memref<1000xf32, #tpu.memory_space<vmem>>) target_semaphore(%arg9 : memref<!tpu.dma_semaphore, #tpu.memory_space<semaphore_mem>>)
    %slice3A_355 = vector.extract_strided_slice %mul3A_309 {offsets = [5], sizes = [1], strides = [1]} : vector<16xi32> to vector<1xi32>
    %squeeze3A_356 = vector.extract %slice3A_355[0] : i32 from vector<1xi32>
    %multiple_of3A_357 = tpu.assume_multiple %squeeze3A_356, 8 : i32
    %dma_start3A_358 = arith.constant 5000 : i32
    %dma_start3A_359 = tpu.memref_slice %arg7[%dma_start3A_358] : memref<32000xf32, #tpu.memory_space<vmem>> -> memref<1000xf32, #tpu.memory_space<vmem>>
    %dma_start3A_360 = tpu.memref_slice %arg3[%multiple_of3A_357] : memref<1000000xf32, #tpu.memory_space<hbm>> -> memref<1000xf32, #tpu.memory_space<hbm>>
    %dma_start3A_361 = arith.constant 5000 : i32
    %dma_start3A_362 = tpu.memref_slice %arg7[%dma_start3A_361] : memref<32000xf32, #tpu.memory_space<vmem>> -> memref<1000xf32, #tpu.memory_space<vmem>>
    %dma_start3A_363 = tpu.memref_slice %arg3[%multiple_of3A_357] : memref<1000000xf32, #tpu.memory_space<hbm>> -> memref<1000xf32, #tpu.memory_space<hbm>>
    tpu.enqueue_dma source(%dma_start3A_363 : memref<1000xf32, #tpu.memory_space<hbm>>) target(%dma_start3A_362 : memref<1000xf32, #tpu.memory_space<vmem>>) target_semaphore(%arg9 : memref<!tpu.dma_semaphore, #tpu.memory_space<semaphore_mem>>)
    %slice3A_364 = vector.extract_strided_slice %mul3A_309 {offsets = [6], sizes = [1], strides = [1]} : vector<16xi32> to vector<1xi32>
    %squeeze3A_365 = vector.extract %slice3A_364[0] : i32 from vector<1xi32>
    %multiple_of3A_366 = tpu.assume_multiple %squeeze3A_365, 8 : i32
    %dma_start3A_367 = arith.constant 6000 : i32
    %dma_start3A_368 = tpu.memref_slice %arg7[%dma_start3A_367] : memref<32000xf32, #tpu.memory_space<vmem>> -> memref<1000xf32, #tpu.memory_space<vmem>>
    %dma_start3A_369 = tpu.memref_slice %arg3[%multiple_of3A_366] : memref<1000000xf32, #tpu.memory_space<hbm>> -> memref<1000xf32, #tpu.memory_space<hbm>>
    %dma_start3A_370 = arith.constant 6000 : i32
    %dma_start3A_371 = tpu.memref_slice %arg7[%dma_start3A_370] : memref<32000xf32, #tpu.memory_space<vmem>> -> memref<1000xf32, #tpu.memory_space<vmem>>
    %dma_start3A_372 = tpu.memref_slice %arg3[%multiple_of3A_366] : memref<1000000xf32, #tpu.memory_space<hbm>> -> memref<1000xf32, #tpu.memory_space<hbm>>
    tpu.enqueue_dma source(%dma_start3A_372 : memref<1000xf32, #tpu.memory_space<hbm>>) target(%dma_start3A_371 : memref<1000xf32, #tpu.memory_space<vmem>>) target_semaphore(%arg9 : memref<!tpu.dma_semaphore, #tpu.memory_space<semaphore_mem>>)
    %slice3A_373 = vector.extract_strided_slice %mul3A_309 {offsets = [7], sizes = [1], strides = [1]} : vector<16xi32> to vector<1xi32>
    %squeeze3A_374 = vector.extract %slice3A_373[0] : i32 from vector<1xi32>
    %multiple_of3A_375 = tpu.assume_multiple %squeeze3A_374, 8 : i32
    %dma_start3A_376 = arith.constant 7000 : i32
    %dma_start3A_377 = tpu.memref_slice %arg7[%dma_start3A_376] : memref<32000xf32, #tpu.memory_space<vmem>> -> memref<1000xf32, #tpu.memory_space<vmem>>
    %dma_start3A_378 = tpu.memref_slice %arg3[%multiple_of3A_375] : memref<1000000xf32, #tpu.memory_space<hbm>> -> memref<1000xf32, #tpu.memory_space<hbm>>
    %dma_start3A_379 = arith.constant 7000 : i32
    %dma_start3A_380 = tpu.memref_slice %arg7[%dma_start3A_379] : memref<32000xf32, #tpu.memory_space<vmem>> -> memref<1000xf32, #tpu.memory_space<vmem>>
    %dma_start3A_381 = tpu.memref_slice %arg3[%multiple_of3A_375] : memref<1000000xf32, #tpu.memory_space<hbm>> -> memref<1000xf32, #tpu.memory_space<hbm>>
    tpu.enqueue_dma source(%dma_start3A_381 : memref<1000xf32, #tpu.memory_space<hbm>>) target(%dma_start3A_380 : memref<1000xf32, #tpu.memory_space<vmem>>) target_semaphore(%arg9 : memref<!tpu.dma_semaphore, #tpu.memory_space<semaphore_mem>>)
    %slice3A_382 = vector.extract_strided_slice %mul3A_309 {offsets = [8], sizes = [1], strides = [1]} : vector<16xi32> to vector<1xi32>
    %squeeze3A_383 = vector.extract %slice3A_382[0] : i32 from vector<1xi32>
    %multiple_of3A_384 = tpu.assume_multiple %squeeze3A_383, 8 : i32
    %dma_start3A_385 = arith.constant 8000 : i32
    %dma_start3A_386 = tpu.memref_slice %arg7[%dma_start3A_385] : memref<32000xf32, #tpu.memory_space<vmem>> -> memref<1000xf32, #tpu.memory_space<vmem>>
    %dma_start3A_387 = tpu.memref_slice %arg3[%multiple_of3A_384] : memref<1000000xf32, #tpu.memory_space<hbm>> -> memref<1000xf32, #tpu.memory_space<hbm>>
    %dma_start3A_388 = arith.constant 8000 : i32
    %dma_start3A_389 = tpu.memref_slice %arg7[%dma_start3A_388] : memref<32000xf32, #tpu.memory_space<vmem>> -> memref<1000xf32, #tpu.memory_space<vmem>>
    %dma_start3A_390 = tpu.memref_slice %arg3[%multiple_of3A_384] : memref<1000000xf32, #tpu.memory_space<hbm>> -> memref<1000xf32, #tpu.memory_space<hbm>>
    tpu.enqueue_dma source(%dma_start3A_390 : memref<1000xf32, #tpu.memory_space<hbm>>) target(%dma_start3A_389 : memref<1000xf32, #tpu.memory_space<vmem>>) target_semaphore(%arg9 : memref<!tpu.dma_semaphore, #tpu.memory_space<semaphore_mem>>)
    %slice3A_391 = vector.extract_strided_slice %mul3A_309 {offsets = [9], sizes = [1], strides = [1]} : vector<16xi32> to vector<1xi32>
    %squeeze3A_392 = vector.extract %slice3A_391[0] : i32 from vector<1xi32>
    %multiple_of3A_393 = tpu.assume_multiple %squeeze3A_392, 8 : i32
    %dma_start3A_394 = arith.constant 9000 : i32
    %dma_start3A_395 = tpu.memref_slice %arg7[%dma_start3A_394] : memref<32000xf32, #tpu.memory_space<vmem>> -> memref<1000xf32, #tpu.memory_space<vmem>>
    %dma_start3A_396 = tpu.memref_slice %arg3[%multiple_of3A_393] : memref<1000000xf32, #tpu.memory_space<hbm>> -> memref<1000xf32, #tpu.memory_space<hbm>>
    %dma_start3A_397 = arith.constant 9000 : i32
    %dma_start3A_398 = tpu.memref_slice %arg7[%dma_start3A_397] : memref<32000xf32, #tpu.memory_space<vmem>> -> memref<1000xf32, #tpu.memory_space<vmem>>
    %dma_start3A_399 = tpu.memref_slice %arg3[%multiple_of3A_393] : memref<1000000xf32, #tpu.memory_space<hbm>> -> memref<1000xf32, #tpu.memory_space<hbm>>
    tpu.enqueue_dma source(%dma_start3A_399 : memref<1000xf32, #tpu.memory_space<hbm>>) target(%dma_start3A_398 : memref<1000xf32, #tpu.memory_space<vmem>>) target_semaphore(%arg9 : memref<!tpu.dma_semaphore, #tpu.memory_space<semaphore_mem>>)
    %slice3A_400 = vector.extract_strided_slice %mul3A_309 {offsets = [10], sizes = [1], strides = [1]} : vector<16xi32> to vector<1xi32>
    %squeeze3A_401 = vector.extract %slice3A_400[0] : i32 from vector<1xi32>
    %multiple_of3A_402 = tpu.assume_multiple %squeeze3A_401, 8 : i32
    %dma_start3A_403 = arith.constant 10000 : i32
    %dma_start3A_404 = tpu.memref_slice %arg7[%dma_start3A_403] : memref<32000xf32, #tpu.memory_space<vmem>> -> memref<1000xf32, #tpu.memory_space<vmem>>
    %dma_start3A_405 = tpu.memref_slice %arg3[%multiple_of3A_402] : memref<1000000xf32, #tpu.memory_space<hbm>> -> memref<1000xf32, #tpu.memory_space<hbm>>
    %dma_start3A_406 = arith.constant 10000 : i32
    %dma_start3A_407 = tpu.memref_slice %arg7[%dma_start3A_406] : memref<32000xf32, #tpu.memory_space<vmem>> -> memref<1000xf32, #tpu.memory_space<vmem>>
    %dma_start3A_408 = tpu.memref_slice %arg3[%multiple_of3A_402] : memref<1000000xf32, #tpu.memory_space<hbm>> -> memref<1000xf32, #tpu.memory_space<hbm>>
    tpu.enqueue_dma source(%dma_start3A_408 : memref<1000xf32, #tpu.memory_space<hbm>>) target(%dma_start3A_407 : memref<1000xf32, #tpu.memory_space<vmem>>) target_semaphore(%arg9 : memref<!tpu.dma_semaphore, #tpu.memory_space<semaphore_mem>>)
    %slice3A_409 = vector.extract_strided_slice %mul3A_309 {offsets = [11], sizes = [1], strides = [1]} : vector<16xi32> to vector<1xi32>
    %squeeze3A_410 = vector.extract %slice3A_409[0] : i32 from vector<1xi32>
    %multiple_of3A_411 = tpu.assume_multiple %squeeze3A_410, 8 : i32
    %dma_start3A_412 = arith.constant 11000 : i32
    %dma_start3A_413 = tpu.memref_slice %arg7[%dma_start3A_412] : memref<32000xf32, #tpu.memory_space<vmem>> -> memref<1000xf32, #tpu.memory_space<vmem>>
    %dma_start3A_414 = tpu.memref_slice %arg3[%multiple_of3A_411] : memref<1000000xf32, #tpu.memory_space<hbm>> -> memref<1000xf32, #tpu.memory_space<hbm>>
    %dma_start3A_415 = arith.constant 11000 : i32
    %dma_start3A_416 = tpu.memref_slice %arg7[%dma_start3A_415] : memref<32000xf32, #tpu.memory_space<vmem>> -> memref<1000xf32, #tpu.memory_space<vmem>>
    %dma_start3A_417 = tpu.memref_slice %arg3[%multiple_of3A_411] : memref<1000000xf32, #tpu.memory_space<hbm>> -> memref<1000xf32, #tpu.memory_space<hbm>>
    tpu.enqueue_dma source(%dma_start3A_417 : memref<1000xf32, #tpu.memory_space<hbm>>) target(%dma_start3A_416 : memref<1000xf32, #tpu.memory_space<vmem>>) target_semaphore(%arg9 : memref<!tpu.dma_semaphore, #tpu.memory_space<semaphore_mem>>)
    %slice3A_418 = vector.extract_strided_slice %mul3A_309 {offsets = [12], sizes = [1], strides = [1]} : vector<16xi32> to vector<1xi32>
    %squeeze3A_419 = vector.extract %slice3A_418[0] : i32 from vector<1xi32>
    %multiple_of3A_420 = tpu.assume_multiple %squeeze3A_419, 8 : i32
    %dma_start3A_421 = arith.constant 12000 : i32
    %dma_start3A_422 = tpu.memref_slice %arg7[%dma_start3A_421] : memref<32000xf32, #tpu.memory_space<vmem>> -> memref<1000xf32, #tpu.memory_space<vmem>>
    %dma_start3A_423 = tpu.memref_slice %arg3[%multiple_of3A_420] : memref<1000000xf32, #tpu.memory_space<hbm>> -> memref<1000xf32, #tpu.memory_space<hbm>>
    %dma_start3A_424 = arith.constant 12000 : i32
    %dma_start3A_425 = tpu.memref_slice %arg7[%dma_start3A_424] : memref<32000xf32, #tpu.memory_space<vmem>> -> memref<1000xf32, #tpu.memory_space<vmem>>
    %dma_start3A_426 = tpu.memref_slice %arg3[%multiple_of3A_420] : memref<1000000xf32, #tpu.memory_space<hbm>> -> memref<1000xf32, #tpu.memory_space<hbm>>
    tpu.enqueue_dma source(%dma_start3A_426 : memref<1000xf32, #tpu.memory_space<hbm>>) target(%dma_start3A_425 : memref<1000xf32, #tpu.memory_space<vmem>>) target_semaphore(%arg9 : memref<!tpu.dma_semaphore, #tpu.memory_space<semaphore_mem>>)
    %slice3A_427 = vector.extract_strided_slice %mul3A_309 {offsets = [13], sizes = [1], strides = [1]} : vector<16xi32> to vector<1xi32>
    %squeeze3A_428 = vector.extract %slice3A_427[0] : i32 from vector<1xi32>
    %multiple_of3A_429 = tpu.assume_multiple %squeeze3A_428, 8 : i32
    %dma_start3A_430 = arith.constant 13000 : i32
    %dma_start3A_431 = tpu.memref_slice %arg7[%dma_start3A_430] : memref<32000xf32, #tpu.memory_space<vmem>> -> memref<1000xf32, #tpu.memory_space<vmem>>
    %dma_start3A_432 = tpu.memref_slice %arg3[%multiple_of3A_429] : memref<1000000xf32, #tpu.memory_space<hbm>> -> memref<1000xf32, #tpu.memory_space<hbm>>
    %dma_start3A_433 = arith.constant 13000 : i32
    %dma_start3A_434 = tpu.memref_slice %arg7[%dma_start3A_433] : memref<32000xf32, #tpu.memory_space<vmem>> -> memref<1000xf32, #tpu.memory_space<vmem>>
    %dma_start3A_435 = tpu.memref_slice %arg3[%multiple_of3A_429] : memref<1000000xf32, #tpu.memory_space<hbm>> -> memref<1000xf32, #tpu.memory_space<hbm>>
    tpu.enqueue_dma source(%dma_start3A_435 : memref<1000xf32, #tpu.memory_space<hbm>>) target(%dma_start3A_434 : memref<1000xf32, #tpu.memory_space<vmem>>) target_semaphore(%arg9 : memref<!tpu.dma_semaphore, #tpu.memory_space<semaphore_mem>>)
    %slice3A_436 = vector.extract_strided_slice %mul3A_309 {offsets = [14], sizes = [1], strides = [1]} : vector<16xi32> to vector<1xi32>
    %squeeze3A_437 = vector.extract %slice3A_436[0] : i32 from vector<1xi32>
    %multiple_of3A_438 = tpu.assume_multiple %squeeze3A_437, 8 : i32
    %dma_start3A_439 = arith.constant 14000 : i32
    %dma_start3A_440 = tpu.memref_slice %arg7[%dma_start3A_439] : memref<32000xf32, #tpu.memory_space<vmem>> -> memref<1000xf32, #tpu.memory_space<vmem>>
    %dma_start3A_441 = tpu.memref_slice %arg3[%multiple_of3A_438] : memref<1000000xf32, #tpu.memory_space<hbm>> -> memref<1000xf32, #tpu.memory_space<hbm>>
    %dma_start3A_442 = arith.constant 14000 : i32
    %dma_start3A_443 = tpu.memref_slice %arg7[%dma_start3A_442] : memref<32000xf32, #tpu.memory_space<vmem>> -> memref<1000xf32, #tpu.memory_space<vmem>>
    %dma_start3A_444 = tpu.memref_slice %arg3[%multiple_of3A_438] : memref<1000000xf32, #tpu.memory_space<hbm>> -> memref<1000xf32, #tpu.memory_space<hbm>>
    tpu.enqueue_dma source(%dma_start3A_444 : memref<1000xf32, #tpu.memory_space<hbm>>) target(%dma_start3A_443 : memref<1000xf32, #tpu.memory_space<vmem>>) target_semaphore(%arg9 : memref<!tpu.dma_semaphore, #tpu.memory_space<semaphore_mem>>)
    %slice3A_445 = vector.extract_strided_slice %mul3A_309 {offsets = [15], sizes = [1], strides = [1]} : vector<16xi32> to vector<1xi32>
    %squeeze3A_446 = vector.extract %slice3A_445[0] : i32 from vector<1xi32>
    %multiple_of3A_447 = tpu.assume_multiple %squeeze3A_446, 8 : i32
    %dma_start3A_448 = arith.constant 15000 : i32
    %dma_start3A_449 = tpu.memref_slice %arg7[%dma_start3A_448] : memref<32000xf32, #tpu.memory_space<vmem>> -> memref<1000xf32, #tpu.memory_space<vmem>>
    %dma_start3A_450 = tpu.memref_slice %arg3[%multiple_of3A_447] : memref<1000000xf32, #tpu.memory_space<hbm>> -> memref<1000xf32, #tpu.memory_space<hbm>>
    %dma_start3A_451 = arith.constant 15000 : i32
    %dma_start3A_452 = tpu.memref_slice %arg7[%dma_start3A_451] : memref<32000xf32, #tpu.memory_space<vmem>> -> memref<1000xf32, #tpu.memory_space<vmem>>
    %dma_start3A_453 = tpu.memref_slice %arg3[%multiple_of3A_447] : memref<1000000xf32, #tpu.memory_space<hbm>> -> memref<1000xf32, #tpu.memory_space<hbm>>
    tpu.enqueue_dma source(%dma_start3A_453 : memref<1000xf32, #tpu.memory_space<hbm>>) target(%dma_start3A_452 : memref<1000xf32, #tpu.memory_space<vmem>>) target_semaphore(%arg9 : memref<!tpu.dma_semaphore, #tpu.memory_space<semaphore_mem>>)
    %multiple_of3A_454 = arith.constant 48 : i32
    %multiple_of3A_455 = tpu.assume_multiple %multiple_of3A_454, 16 : i32
    %get3A_456 = arith.index_cast %multiple_of3A_455 : i32 to index
    %get3A_457 = tpu.vector_load %arg5[%get3A_456] {strides = array<i32>} : memref<1600xi32, #tpu.memory_space<vmem>>, vector<16xi32>,
    %get3A_458 = vector.shape_cast %get3A_457 : vector<16xi32> to vector<16xi32>
    %mul3A_459 = arith.constant 1000 : i32
    %mul3A_460 = vector.broadcast %mul3A_459 : i32 to vector<16xi32>
    %mul3A_461 = arith.muli %get3A_458, %mul3A_460 : vector<16xi32>
    %slice3A_462 = vector.extract_strided_slice %mul3A_461 {offsets = [0], sizes = [1], strides = [1]} : vector<16xi32> to vector<1xi32>
    %squeeze3A_463 = vector.extract %slice3A_462[0] : i32 from vector<1xi32>
    %multiple_of3A_464 = tpu.assume_multiple %squeeze3A_463, 8 : i32
    %dma_start3A_465 = arith.constant 16000 : i32
    %dma_start3A_466 = tpu.memref_slice %arg7[%dma_start3A_465] : memref<32000xf32, #tpu.memory_space<vmem>> -> memref<1000xf32, #tpu.memory_space<vmem>>
    %dma_start3A_467 = tpu.memref_slice %arg3[%multiple_of3A_464] : memref<1000000xf32, #tpu.memory_space<hbm>> -> memref<1000xf32, #tpu.memory_space<hbm>>
    %dma_start3A_468 = arith.constant 16000 : i32
    %dma_start3A_469 = tpu.memref_slice %arg7[%dma_start3A_468] : memref<32000xf32, #tpu.memory_space<vmem>> -> memref<1000xf32, #tpu.memory_space<vmem>>
    %dma_start3A_470 = tpu.memref_slice %arg3[%multiple_of3A_464] : memref<1000000xf32, #tpu.memory_space<hbm>> -> memref<1000xf32, #tpu.memory_space<hbm>>
    tpu.enqueue_dma source(%dma_start3A_470 : memref<1000xf32, #tpu.memory_space<hbm>>) target(%dma_start3A_469 : memref<1000xf32, #tpu.memory_space<vmem>>) target_semaphore(%arg9 : memref<!tpu.dma_semaphore, #tpu.memory_space<semaphore_mem>>)
    %slice3A_471 = vector.extract_strided_slice %mul3A_461 {offsets = [1], sizes = [1], strides = [1]} : vector<16xi32> to vector<1xi32>
    %squeeze3A_472 = vector.extract %slice3A_471[0] : i32 from vector<1xi32>
    %multiple_of3A_473 = tpu.assume_multiple %squeeze3A_472, 8 : i32
    %dma_start3A_474 = arith.constant 17000 : i32
    %dma_start3A_475 = tpu.memref_slice %arg7[%dma_start3A_474] : memref<32000xf32, #tpu.memory_space<vmem>> -> memref<1000xf32, #tpu.memory_space<vmem>>
    %dma_start3A_476 = tpu.memref_slice %arg3[%multiple_of3A_473] : memref<1000000xf32, #tpu.memory_space<hbm>> -> memref<1000xf32, #tpu.memory_space<hbm>>
    %dma_start3A_477 = arith.constant 17000 : i32
    %dma_start3A_478 = tpu.memref_slice %arg7[%dma_start3A_477] : memref<32000xf32, #tpu.memory_space<vmem>> -> memref<1000xf32, #tpu.memory_space<vmem>>
    %dma_start3A_479 = tpu.memref_slice %arg3[%multiple_of3A_473] : memref<1000000xf32, #tpu.memory_space<hbm>> -> memref<1000xf32, #tpu.memory_space<hbm>>
    tpu.enqueue_dma source(%dma_start3A_479 : memref<1000xf32, #tpu.memory_space<hbm>>) target(%dma_start3A_478 : memref<1000xf32, #tpu.memory_space<vmem>>) target_semaphore(%arg9 : memref<!tpu.dma_semaphore, #tpu.memory_space<semaphore_mem>>)
    %slice3A_480 = vector.extract_strided_slice %mul3A_461 {offsets = [2], sizes = [1], strides = [1]} : vector<16xi32> to vector<1xi32>
    %squeeze3A_481 = vector.extract %slice3A_480[0] : i32 from vector<1xi32>
    %multiple_of3A_482 = tpu.assume_multiple %squeeze3A_481, 8 : i32
    %dma_start3A_483 = arith.constant 18000 : i32
    %dma_start3A_484 = tpu.memref_slice %arg7[%dma_start3A_483] : memref<32000xf32, #tpu.memory_space<vmem>> -> memref<1000xf32, #tpu.memory_space<vmem>>
    %dma_start3A_485 = tpu.memref_slice %arg3[%multiple_of3A_482] : memref<1000000xf32, #tpu.memory_space<hbm>> -> memref<1000xf32, #tpu.memory_space<hbm>>
    %dma_start3A_486 = arith.constant 18000 : i32
    %dma_start3A_487 = tpu.memref_slice %arg7[%dma_start3A_486] : memref<32000xf32, #tpu.memory_space<vmem>> -> memref<1000xf32, #tpu.memory_space<vmem>>
    %dma_start3A_488 = tpu.memref_slice %arg3[%multiple_of3A_482] : memref<1000000xf32, #tpu.memory_space<hbm>> -> memref<1000xf32, #tpu.memory_space<hbm>>
    tpu.enqueue_dma source(%dma_start3A_488 : memref<1000xf32, #tpu.memory_space<hbm>>) target(%dma_start3A_487 : memref<1000xf32, #tpu.memory_space<vmem>>) target_semaphore(%arg9 : memref<!tpu.dma_semaphore, #tpu.memory_space<semaphore_mem>>)
    %slice3A_489 = vector.extract_strided_slice %mul3A_461 {offsets = [3], sizes = [1], strides = [1]} : vector<16xi32> to vector<1xi32>
    %squeeze3A_490 = vector.extract %slice3A_489[0] : i32 from vector<1xi32>
    %multiple_of3A_491 = tpu.assume_multiple %squeeze3A_490, 8 : i32
    %dma_start3A_492 = arith.constant 19000 : i32
    %dma_start3A_493 = tpu.memref_slice %arg7[%dma_start3A_492] : memref<32000xf32, #tpu.memory_space<vmem>> -> memref<1000xf32, #tpu.memory_space<vmem>>
    %dma_start3A_494 = tpu.memref_slice %arg3[%multiple_of3A_491] : memref<1000000xf32, #tpu.memory_space<hbm>> -> memref<1000xf32, #tpu.memory_space<hbm>>
    %dma_start3A_495 = arith.constant 19000 : i32
    %dma_start3A_496 = tpu.memref_slice %arg7[%dma_start3A_495] : memref<32000xf32, #tpu.memory_space<vmem>> -> memref<1000xf32, #tpu.memory_space<vmem>>
    %dma_start3A_497 = tpu.memref_slice %arg3[%multiple_of3A_491] : memref<1000000xf32, #tpu.memory_space<hbm>> -> memref<1000xf32, #tpu.memory_space<hbm>>
    tpu.enqueue_dma source(%dma_start3A_497 : memref<1000xf32, #tpu.memory_space<hbm>>) target(%dma_start3A_496 : memref<1000xf32, #tpu.memory_space<vmem>>) target_semaphore(%arg9 : memref<!tpu.dma_semaphore, #tpu.memory_space<semaphore_mem>>)
    %slice3A_498 = vector.extract_strided_slice %mul3A_461 {offsets = [4], sizes = [1], strides = [1]} : vector<16xi32> to vector<1xi32>
    %squeeze3A_499 = vector.extract %slice3A_498[0] : i32 from vector<1xi32>
    %multiple_of3A_500 = tpu.assume_multiple %squeeze3A_499, 8 : i32
    %dma_start3A_501 = arith.constant 20000 : i32
    %dma_start3A_502 = tpu.memref_slice %arg7[%dma_start3A_501] : memref<32000xf32, #tpu.memory_space<vmem>> -> memref<1000xf32, #tpu.memory_space<vmem>>
    %dma_start3A_503 = tpu.memref_slice %arg3[%multiple_of3A_500] : memref<1000000xf32, #tpu.memory_space<hbm>> -> memref<1000xf32, #tpu.memory_space<hbm>>
    %dma_start3A_504 = arith.constant 20000 : i32
    %dma_start3A_505 = tpu.memref_slice %arg7[%dma_start3A_504] : memref<32000xf32, #tpu.memory_space<vmem>> -> memref<1000xf32, #tpu.memory_space<vmem>>
    %dma_start3A_506 = tpu.memref_slice %arg3[%multiple_of3A_500] : memref<1000000xf32, #tpu.memory_space<hbm>> -> memref<1000xf32, #tpu.memory_space<hbm>>
    tpu.enqueue_dma source(%dma_start3A_506 : memref<1000xf32, #tpu.memory_space<hbm>>) target(%dma_start3A_505 : memref<1000xf32, #tpu.memory_space<vmem>>) target_semaphore(%arg9 : memref<!tpu.dma_semaphore, #tpu.memory_space<semaphore_mem>>)
    %slice3A_507 = vector.extract_strided_slice %mul3A_461 {offsets = [5], sizes = [1], strides = [1]} : vector<16xi32> to vector<1xi32>
    %squeeze3A_508 = vector.extract %slice3A_507[0] : i32 from vector<1xi32>
    %multiple_of3A_509 = tpu.assume_multiple %squeeze3A_508, 8 : i32
    %dma_start3A_510 = arith.constant 21000 : i32
    %dma_start3A_511 = tpu.memref_slice %arg7[%dma_start3A_510] : memref<32000xf32, #tpu.memory_space<vmem>> -> memref<1000xf32, #tpu.memory_space<vmem>>
    %dma_start3A_512 = tpu.memref_slice %arg3[%multiple_of3A_509] : memref<1000000xf32, #tpu.memory_space<hbm>> -> memref<1000xf32, #tpu.memory_space<hbm>>
    %dma_start3A_513 = arith.constant 21000 : i32
    %dma_start3A_514 = tpu.memref_slice %arg7[%dma_start3A_513] : memref<32000xf32, #tpu.memory_space<vmem>> -> memref<1000xf32, #tpu.memory_space<vmem>>
    %dma_start3A_515 = tpu.memref_slice %arg3[%multiple_of3A_509] : memref<1000000xf32, #tpu.memory_space<hbm>> -> memref<1000xf32, #tpu.memory_space<hbm>>
    tpu.enqueue_dma source(%dma_start3A_515 : memref<1000xf32, #tpu.memory_space<hbm>>) target(%dma_start3A_514 : memref<1000xf32, #tpu.memory_space<vmem>>) target_semaphore(%arg9 : memref<!tpu.dma_semaphore, #tpu.memory_space<semaphore_mem>>)
    %slice3A_516 = vector.extract_strided_slice %mul3A_461 {offsets = [6], sizes = [1], strides = [1]} : vector<16xi32> to vector<1xi32>
    %squeeze3A_517 = vector.extract %slice3A_516[0] : i32 from vector<1xi32>
    %multiple_of3A_518 = tpu.assume_multiple %squeeze3A_517, 8 : i32
    %dma_start3A_519 = arith.constant 22000 : i32
    %dma_start3A_520 = tpu.memref_slice %arg7[%dma_start3A_519] : memref<32000xf32, #tpu.memory_space<vmem>> -> memref<1000xf32, #tpu.memory_space<vmem>>
    %dma_start3A_521 = tpu.memref_slice %arg3[%multiple_of3A_518] : memref<1000000xf32, #tpu.memory_space<hbm>> -> memref<1000xf32, #tpu.memory_space<hbm>>
    %dma_start3A_522 = arith.constant 22000 : i32
    %dma_start3A_523 = tpu.memref_slice %arg7[%dma_start3A_522] : memref<32000xf32, #tpu.memory_space<vmem>> -> memref<1000xf32, #tpu.memory_space<vmem>>
    %dma_start3A_524 = tpu.memref_slice %arg3[%multiple_of3A_518] : memref<1000000xf32, #tpu.memory_space<hbm>> -> memref<1000xf32, #tpu.memory_space<hbm>>
    tpu.enqueue_dma source(%dma_start3A_524 : memref<1000xf32, #tpu.memory_space<hbm>>) target(%dma_start3A_523 : memref<1000xf32, #tpu.memory_space<vmem>>) target_semaphore(%arg9 : memref<!tpu.dma_semaphore, #tpu.memory_space<semaphore_mem>>)
    %slice3A_525 = vector.extract_strided_slice %mul3A_461 {offsets = [7], sizes = [1], strides = [1]} : vector<16xi32> to vector<1xi32>
    %squeeze3A_526 = vector.extract %slice3A_525[0] : i32 from vector<1xi32>
    %multiple_of3A_527 = tpu.assume_multiple %squeeze3A_526, 8 : i32
    %dma_start3A_528 = arith.constant 23000 : i32
    %dma_start3A_529 = tpu.memref_slice %arg7[%dma_start3A_528] : memref<32000xf32, #tpu.memory_space<vmem>> -> memref<1000xf32, #tpu.memory_space<vmem>>
    %dma_start3A_530 = tpu.memref_slice %arg3[%multiple_of3A_527] : memref<1000000xf32, #tpu.memory_space<hbm>> -> memref<1000xf32, #tpu.memory_space<hbm>>
    %dma_start3A_531 = arith.constant 23000 : i32
    %dma_start3A_532 = tpu.memref_slice %arg7[%dma_start3A_531] : memref<32000xf32, #tpu.memory_space<vmem>> -> memref<1000xf32, #tpu.memory_space<vmem>>
    %dma_start3A_533 = tpu.memref_slice %arg3[%multiple_of3A_527] : memref<1000000xf32, #tpu.memory_space<hbm>> -> memref<1000xf32, #tpu.memory_space<hbm>>
    tpu.enqueue_dma source(%dma_start3A_533 : memref<1000xf32, #tpu.memory_space<hbm>>) target(%dma_start3A_532 : memref<1000xf32, #tpu.memory_space<vmem>>) target_semaphore(%arg9 : memref<!tpu.dma_semaphore, #tpu.memory_space<semaphore_mem>>)
    %slice3A_534 = vector.extract_strided_slice %mul3A_461 {offsets = [8], sizes = [1], strides = [1]} : vector<16xi32> to vector<1xi32>
    %squeeze3A_535 = vector.extract %slice3A_534[0] : i32 from vector<1xi32>
    %multiple_of3A_536 = tpu.assume_multiple %squeeze3A_535, 8 : i32
    %dma_start3A_537 = arith.constant 24000 : i32
    %dma_start3A_538 = tpu.memref_slice %arg7[%dma_start3A_537] : memref<32000xf32, #tpu.memory_space<vmem>> -> memref<1000xf32, #tpu.memory_space<vmem>>
    %dma_start3A_539 = tpu.memref_slice %arg3[%multiple_of3A_536] : memref<1000000xf32, #tpu.memory_space<hbm>> -> memref<1000xf32, #tpu.memory_space<hbm>>
    %dma_start3A_540 = arith.constant 24000 : i32
    %dma_start3A_541 = tpu.memref_slice %arg7[%dma_start3A_540] : memref<32000xf32, #tpu.memory_space<vmem>> -> memref<1000xf32, #tpu.memory_space<vmem>>
    %dma_start3A_542 = tpu.memref_slice %arg3[%multiple_of3A_536] : memref<1000000xf32, #tpu.memory_space<hbm>> -> memref<1000xf32, #tpu.memory_space<hbm>>
    tpu.enqueue_dma source(%dma_start3A_542 : memref<1000xf32, #tpu.memory_space<hbm>>) target(%dma_start3A_541 : memref<1000xf32, #tpu.memory_space<vmem>>) target_semaphore(%arg9 : memref<!tpu.dma_semaphore, #tpu.memory_space<semaphore_mem>>)
    %slice3A_543 = vector.extract_strided_slice %mul3A_461 {offsets = [9], sizes = [1], strides = [1]} : vector<16xi32> to vector<1xi32>
    %squeeze3A_544 = vector.extract %slice3A_543[0] : i32 from vector<1xi32>
    %multiple_of3A_545 = tpu.assume_multiple %squeeze3A_544, 8 : i32
    %dma_start3A_546 = arith.constant 25000 : i32
    %dma_start3A_547 = tpu.memref_slice %arg7[%dma_start3A_546] : memref<32000xf32, #tpu.memory_space<vmem>> -> memref<1000xf32, #tpu.memory_space<vmem>>
    %dma_start3A_548 = tpu.memref_slice %arg3[%multiple_of3A_545] : memref<1000000xf32, #tpu.memory_space<hbm>> -> memref<1000xf32, #tpu.memory_space<hbm>>
    %dma_start3A_549 = arith.constant 25000 : i32
    %dma_start3A_550 = tpu.memref_slice %arg7[%dma_start3A_549] : memref<32000xf32, #tpu.memory_space<vmem>> -> memref<1000xf32, #tpu.memory_space<vmem>>
    %dma_start3A_551 = tpu.memref_slice %arg3[%multiple_of3A_545] : memref<1000000xf32, #tpu.memory_space<hbm>> -> memref<1000xf32, #tpu.memory_space<hbm>>
    tpu.enqueue_dma source(%dma_start3A_551 : memref<1000xf32, #tpu.memory_space<hbm>>) target(%dma_start3A_550 : memref<1000xf32, #tpu.memory_space<vmem>>) target_semaphore(%arg9 : memref<!tpu.dma_semaphore, #tpu.memory_space<semaphore_mem>>)
    %slice3A_552 = vector.extract_strided_slice %mul3A_461 {offsets = [10], sizes = [1], strides = [1]} : vector<16xi32> to vector<1xi32>
    %squeeze3A_553 = vector.extract %slice3A_552[0] : i32 from vector<1xi32>
    %multiple_of3A_554 = tpu.assume_multiple %squeeze3A_553, 8 : i32
    %dma_start3A_555 = arith.constant 26000 : i32
    %dma_start3A_556 = tpu.memref_slice %arg7[%dma_start3A_555] : memref<32000xf32, #tpu.memory_space<vmem>> -> memref<1000xf32, #tpu.memory_space<vmem>>
    %dma_start3A_557 = tpu.memref_slice %arg3[%multiple_of3A_554] : memref<1000000xf32, #tpu.memory_space<hbm>> -> memref<1000xf32, #tpu.memory_space<hbm>>
    %dma_start3A_558 = arith.constant 26000 : i32
    %dma_start3A_559 = tpu.memref_slice %arg7[%dma_start3A_558] : memref<32000xf32, #tpu.memory_space<vmem>> -> memref<1000xf32, #tpu.memory_space<vmem>>
    %dma_start3A_560 = tpu.memref_slice %arg3[%multiple_of3A_554] : memref<1000000xf32, #tpu.memory_space<hbm>> -> memref<1000xf32, #tpu.memory_space<hbm>>
    tpu.enqueue_dma source(%dma_start3A_560 : memref<1000xf32, #tpu.memory_space<hbm>>) target(%dma_start3A_559 : memref<1000xf32, #tpu.memory_space<vmem>>) target_semaphore(%arg9 : memref<!tpu.dma_semaphore, #tpu.memory_space<semaphore_mem>>)
    %slice3A_561 = vector.extract_strided_slice %mul3A_461 {offsets = [11], sizes = [1], strides = [1]} : vector<16xi32> to vector<1xi32>
    %squeeze3A_562 = vector.extract %slice3A_561[0] : i32 from vector<1xi32>
    %multiple_of3A_563 = tpu.assume_multiple %squeeze3A_562, 8 : i32
    %dma_start3A_564 = arith.constant 27000 : i32
    %dma_start3A_565 = tpu.memref_slice %arg7[%dma_start3A_564] : memref<32000xf32, #tpu.memory_space<vmem>> -> memref<1000xf32, #tpu.memory_space<vmem>>
    %dma_start3A_566 = tpu.memref_slice %arg3[%multiple_of3A_563] : memref<1000000xf32, #tpu.memory_space<hbm>> -> memref<1000xf32, #tpu.memory_space<hbm>>
    %dma_start3A_567 = arith.constant 27000 : i32
    %dma_start3A_568 = tpu.memref_slice %arg7[%dma_start3A_567] : memref<32000xf32, #tpu.memory_space<vmem>> -> memref<1000xf32, #tpu.memory_space<vmem>>
    %dma_start3A_569 = tpu.memref_slice %arg3[%multiple_of3A_563] : memref<1000000xf32, #tpu.memory_space<hbm>> -> memref<1000xf32, #tpu.memory_space<hbm>>
    tpu.enqueue_dma source(%dma_start3A_569 : memref<1000xf32, #tpu.memory_space<hbm>>) target(%dma_start3A_568 : memref<1000xf32, #tpu.memory_space<vmem>>) target_semaphore(%arg9 : memref<!tpu.dma_semaphore, #tpu.memory_space<semaphore_mem>>)
    %slice3A_570 = vector.extract_strided_slice %mul3A_461 {offsets = [12], sizes = [1], strides = [1]} : vector<16xi32> to vector<1xi32>
    %squeeze3A_571 = vector.extract %slice3A_570[0] : i32 from vector<1xi32>
    %multiple_of3A_572 = tpu.assume_multiple %squeeze3A_571, 8 : i32
    %dma_start3A_573 = arith.constant 28000 : i32
    %dma_start3A_574 = tpu.memref_slice %arg7[%dma_start3A_573] : memref<32000xf32, #tpu.memory_space<vmem>> -> memref<1000xf32, #tpu.memory_space<vmem>>
    %dma_start3A_575 = tpu.memref_slice %arg3[%multiple_of3A_572] : memref<1000000xf32, #tpu.memory_space<hbm>> -> memref<1000xf32, #tpu.memory_space<hbm>>
    %dma_start3A_576 = arith.constant 28000 : i32
    %dma_start3A_577 = tpu.memref_slice %arg7[%dma_start3A_576] : memref<32000xf32, #tpu.memory_space<vmem>> -> memref<1000xf32, #tpu.memory_space<vmem>>
    %dma_start3A_578 = tpu.memref_slice %arg3[%multiple_of3A_572] : memref<1000000xf32, #tpu.memory_space<hbm>> -> memref<1000xf32, #tpu.memory_space<hbm>>
    tpu.enqueue_dma source(%dma_start3A_578 : memref<1000xf32, #tpu.memory_space<hbm>>) target(%dma_start3A_577 : memref<1000xf32, #tpu.memory_space<vmem>>) target_semaphore(%arg9 : memref<!tpu.dma_semaphore, #tpu.memory_space<semaphore_mem>>)
    %slice3A_579 = vector.extract_strided_slice %mul3A_461 {offsets = [13], sizes = [1], strides = [1]} : vector<16xi32> to vector<1xi32>
    %squeeze3A_580 = vector.extract %slice3A_579[0] : i32 from vector<1xi32>
    %multiple_of3A_581 = tpu.assume_multiple %squeeze3A_580, 8 : i32
    %dma_start3A_582 = arith.constant 29000 : i32
    %dma_start3A_583 = tpu.memref_slice %arg7[%dma_start3A_582] : memref<32000xf32, #tpu.memory_space<vmem>> -> memref<1000xf32, #tpu.memory_space<vmem>>
    %dma_start3A_584 = tpu.memref_slice %arg3[%multiple_of3A_581] : memref<1000000xf32, #tpu.memory_space<hbm>> -> memref<1000xf32, #tpu.memory_space<hbm>>
    %dma_start3A_585 = arith.constant 29000 : i32
    %dma_start3A_586 = tpu.memref_slice %arg7[%dma_start3A_585] : memref<32000xf32, #tpu.memory_space<vmem>> -> memref<1000xf32, #tpu.memory_space<vmem>>
    %dma_start3A_587 = tpu.memref_slice %arg3[%multiple_of3A_581] : memref<1000000xf32, #tpu.memory_space<hbm>> -> memref<1000xf32, #tpu.memory_space<hbm>>
    tpu.enqueue_dma source(%dma_start3A_587 : memref<1000xf32, #tpu.memory_space<hbm>>) target(%dma_start3A_586 : memref<1000xf32, #tpu.memory_space<vmem>>) target_semaphore(%arg9 : memref<!tpu.dma_semaphore, #tpu.memory_space<semaphore_mem>>)
    %slice3A_588 = vector.extract_strided_slice %mul3A_461 {offsets = [14], sizes = [1], strides = [1]} : vector<16xi32> to vector<1xi32>
    %squeeze3A_589 = vector.extract %slice3A_588[0] : i32 from vector<1xi32>
    %multiple_of3A_590 = tpu.assume_multiple %squeeze3A_589, 8 : i32
    %dma_start3A_591 = arith.constant 30000 : i32
    %dma_start3A_592 = tpu.memref_slice %arg7[%dma_start3A_591] : memref<32000xf32, #tpu.memory_space<vmem>> -> memref<1000xf32, #tpu.memory_space<vmem>>
    %dma_start3A_593 = tpu.memref_slice %arg3[%multiple_of3A_590] : memref<1000000xf32, #tpu.memory_space<hbm>> -> memref<1000xf32, #tpu.memory_space<hbm>>
    %dma_start3A_594 = arith.constant 30000 : i32
    %dma_start3A_595 = tpu.memref_slice %arg7[%dma_start3A_594] : memref<32000xf32, #tpu.memory_space<vmem>> -> memref<1000xf32, #tpu.memory_space<vmem>>
    %dma_start3A_596 = tpu.memref_slice %arg3[%multiple_of3A_590] : memref<1000000xf32, #tpu.memory_space<hbm>> -> memref<1000xf32, #tpu.memory_space<hbm>>
    tpu.enqueue_dma source(%dma_start3A_596 : memref<1000xf32, #tpu.memory_space<hbm>>) target(%dma_start3A_595 : memref<1000xf32, #tpu.memory_space<vmem>>) target_semaphore(%arg9 : memref<!tpu.dma_semaphore, #tpu.memory_space<semaphore_mem>>)
    %slice3A_597 = vector.extract_strided_slice %mul3A_461 {offsets = [15], sizes = [1], strides = [1]} : vector<16xi32> to vector<1xi32>
    %squeeze3A_598 = vector.extract %slice3A_597[0] : i32 from vector<1xi32>
    %multiple_of3A_599 = tpu.assume_multiple %squeeze3A_598, 8 : i32
    %dma_start3A_600 = arith.constant 31000 : i32
    %dma_start3A_601 = tpu.memref_slice %arg7[%dma_start3A_600] : memref<32000xf32, #tpu.memory_space<vmem>> -> memref<1000xf32, #tpu.memory_space<vmem>>
    %dma_start3A_602 = tpu.memref_slice %arg3[%multiple_of3A_599] : memref<1000000xf32, #tpu.memory_space<hbm>> -> memref<1000xf32, #tpu.memory_space<hbm>>
    %dma_start3A_603 = arith.constant 31000 : i32
    %dma_start3A_604 = tpu.memref_slice %arg7[%dma_start3A_603] : memref<32000xf32, #tpu.memory_space<vmem>> -> memref<1000xf32, #tpu.memory_space<vmem>>
    %dma_start3A_605 = tpu.memref_slice %arg3[%multiple_of3A_599] : memref<1000000xf32, #tpu.memory_space<hbm>> -> memref<1000xf32, #tpu.memory_space<hbm>>
    tpu.enqueue_dma source(%dma_start3A_605 : memref<1000xf32, #tpu.memory_space<hbm>>) target(%dma_start3A_604 : memref<1000xf32, #tpu.memory_space<vmem>>) target_semaphore(%arg9 : memref<!tpu.dma_semaphore, #tpu.memory_space<semaphore_mem>>)
    %scan3A = arith.constant 0 : i32
    %scan3A_606 = arith.constant 25 : i32
    %scan3A_607 = arith.addi %scan3A, %scan3A_606 : i32
    %scan3A_608 = arith.constant 1 : i32
    scf.for %scan3A_610 = %scan3A to %scan3A_607 step %scan3A_608  : i32 {
      %mul3A_611 = arith.constant 2 : i32
      %mul3A_612 = arith.muli %scan3A_610, %mul3A_611 : i32
      %add3A_613 = arith.constant 0 : i32
      %add3A_614 = arith.addi %add3A_613, %mul3A_612 : i32
      %add3A_615 = arith.constant 0 : i32
      %add3A_616 = arith.addi %add3A_614, %add3A_615 : i32
      %mul3A_617 = arith.constant 32 : i32
      %mul3A_618 = arith.muli %add3A_616, %mul3A_617 : i32
      %add3A_619 = arith.addi %mul3A_2, %mul3A_618 : i32
      %mul3A_620 = arith.constant 1000 : i32
      %mul3A_621 = arith.muli %add3A_619, %mul3A_620 : i32
      %multiple_of3A_622 = tpu.assume_multiple %mul3A_621, 8 : i32
      %dma_wait3A = tpu.memref_slice %arg4[%multiple_of3A_622] : memref<51200000xf32, #tpu.memory_space<hbm>> -> memref<32000xf32, #tpu.memory_space<hbm>>
      %dma_wait3A_623 = tpu.memref_slice %arg4[%multiple_of3A_622] : memref<51200000xf32, #tpu.memory_space<hbm>> -> memref<32000xf32, #tpu.memory_space<hbm>>
      tpu.wait_dma2 semaphore(%arg8 : memref<!tpu.dma_semaphore, #tpu.memory_space<semaphore_mem>>) src(%dma_wait3A_623 : memref<32000xf32, #tpu.memory_space<hbm>>) dst(%arg6 : memref<32000xf32, #tpu.memory_space<vmem>>)
      %mul3A_624 = arith.constant 32 : i32
      %mul3A_625 = arith.muli %add3A_616, %mul3A_624 : i32
      %add3A_626 = arith.addi %mul3A_2, %mul3A_625 : i32
      %mul3A_627 = arith.constant 1000 : i32
      %mul3A_628 = arith.muli %add3A_626, %mul3A_627 : i32
      %multiple_of3A_629 = tpu.assume_multiple %mul3A_628, 8 : i32
      "tpu.region"() ({
        %run_scoped3A = tpu.sem_alloc : memref<!tpu.dma_semaphore, #tpu.memory_space<semaphore_mem>>
        %dma_start3A_657 = tpu.memref_slice %arg4[%multiple_of3A_629] : memref<51200000xf32, #tpu.memory_space<hbm>> -> memref<32000xf32, #tpu.memory_space<hbm>>
        %dma_start3A_658 = tpu.memref_slice %arg4[%multiple_of3A_629] : memref<51200000xf32, #tpu.memory_space<hbm>> -> memref<32000xf32, #tpu.memory_space<hbm>>
        tpu.enqueue_dma source(%arg6 : memref<32000xf32, #tpu.memory_space<vmem>>) target(%dma_start3A_658 : memref<32000xf32, #tpu.memory_space<hbm>>) target_semaphore(%run_scoped3A : memref<!tpu.dma_semaphore, #tpu.memory_space<semaphore_mem>>)
        %dma_wait3A_659 = tpu.memref_slice %arg4[%multiple_of3A_629] : memref<51200000xf32, #tpu.memory_space<hbm>> -> memref<32000xf32, #tpu.memory_space<hbm>>
        %dma_wait3A_660 = tpu.memref_slice %arg4[%multiple_of3A_629] : memref<51200000xf32, #tpu.memory_space<hbm>> -> memref<32000xf32, #tpu.memory_space<hbm>>
        tpu.wait_dma2 semaphore(%run_scoped3A : memref<!tpu.dma_semaphore, #tpu.memory_space<semaphore_mem>>) src(%arg6 : memref<32000xf32, #tpu.memory_space<vmem>>) dst(%dma_wait3A_660 : memref<32000xf32, #tpu.memory_space<hbm>>)
        tpu.yield
      }) : () -> ()
      %add3A_630 = arith.constant 2 : i32
      %add3A_631 = arith.addi %add3A_616, %add3A_630 : i32
      %lt3A = arith.constant 50 : i32
      %lt3A_632 = arith.cmpi slt, %add3A_631, %lt3A : i32
      %convert_element_type3A = arith.extui %lt3A_632 : i1 to i32
      %cond3A = arith.constant 0 : i32
      %cond3A_633 = arith.cmpi ne, %convert_element_type3A, %cond3A : i32
      scf.if %cond3A_633 {
        %add3A_657 = arith.constant 2 : i32
        %add3A_658 = arith.addi %add3A_616, %add3A_657 : i32
        %mul3A_659 = arith.constant 32 : i32
        %mul3A_660 = arith.muli %add3A_658, %mul3A_659 : i32
        %add3A_661 = arith.constant 0 : i32
        %add3A_662 = arith.addi %mul3A_660, %add3A_661 : i32
        %multiple_of3A_663 = tpu.assume_multiple %add3A_662, 16 : i32
        %get3A_664 = arith.index_cast %multiple_of3A_663 : i32 to index
        %get3A_665 = tpu.vector_load %arg5[%get3A_664] {strides = array<i32>} : memref<1600xi32, #tpu.memory_space<vmem>>, vector<16xi32>,
        %get3A_666 = vector.shape_cast %get3A_665 : vector<16xi32> to vector<16xi32>
        %mul3A_667 = arith.constant 1000 : i32
        %mul3A_668 = vector.broadcast %mul3A_667 : i32 to vector<16xi32>
        %mul3A_669 = arith.muli %get3A_666, %mul3A_668 : vector<16xi32>
        %slice3A_670 = vector.extract_strided_slice %mul3A_669 {offsets = [0], sizes = [1], strides = [1]} : vector<16xi32> to vector<1xi32>
        %squeeze3A_671 = vector.extract %slice3A_670[0] : i32 from vector<1xi32>
        %multiple_of3A_672 = tpu.assume_multiple %squeeze3A_671, 8 : i32
        %dma_start3A_673 = arith.constant 0 : i32
        %dma_start3A_674 = tpu.memref_slice %arg6[%dma_start3A_673] : memref<32000xf32, #tpu.memory_space<vmem>> -> memref<1000xf32, #tpu.memory_space<vmem>>
        %dma_start3A_675 = tpu.memref_slice %arg3[%multiple_of3A_672] : memref<1000000xf32, #tpu.memory_space<hbm>> -> memref<1000xf32, #tpu.memory_space<hbm>>
        %dma_start3A_676 = arith.constant 0 : i32
        %dma_start3A_677 = tpu.memref_slice %arg6[%dma_start3A_676] : memref<32000xf32, #tpu.memory_space<vmem>> -> memref<1000xf32, #tpu.memory_space<vmem>>
        %dma_start3A_678 = tpu.memref_slice %arg3[%multiple_of3A_672] : memref<1000000xf32, #tpu.memory_space<hbm>> -> memref<1000xf32, #tpu.memory_space<hbm>>
        tpu.enqueue_dma source(%dma_start3A_678 : memref<1000xf32, #tpu.memory_space<hbm>>) target(%dma_start3A_677 : memref<1000xf32, #tpu.memory_space<vmem>>) target_semaphore(%arg8 : memref<!tpu.dma_semaphore, #tpu.memory_space<semaphore_mem>>)
        %slice3A_679 = vector.extract_strided_slice %mul3A_669 {offsets = [1], sizes = [1], strides = [1]} : vector<16xi32> to vector<1xi32>
        %squeeze3A_680 = vector.extract %slice3A_679[0] : i32 from vector<1xi32>
        %multiple_of3A_681 = tpu.assume_multiple %squeeze3A_680, 8 : i32
        %dma_start3A_682 = arith.constant 1000 : i32
        %dma_start3A_683 = tpu.memref_slice %arg6[%dma_start3A_682] : memref<32000xf32, #tpu.memory_space<vmem>> -> memref<1000xf32, #tpu.memory_space<vmem>>
        %dma_start3A_684 = tpu.memref_slice %arg3[%multiple_of3A_681] : memref<1000000xf32, #tpu.memory_space<hbm>> -> memref<1000xf32, #tpu.memory_space<hbm>>
        %dma_start3A_685 = arith.constant 1000 : i32
        %dma_start3A_686 = tpu.memref_slice %arg6[%dma_start3A_685] : memref<32000xf32, #tpu.memory_space<vmem>> -> memref<1000xf32, #tpu.memory_space<vmem>>
        %dma_start3A_687 = tpu.memref_slice %arg3[%multiple_of3A_681] : memref<1000000xf32, #tpu.memory_space<hbm>> -> memref<1000xf32, #tpu.memory_space<hbm>>
        tpu.enqueue_dma source(%dma_start3A_687 : memref<1000xf32, #tpu.memory_space<hbm>>) target(%dma_start3A_686 : memref<1000xf32, #tpu.memory_space<vmem>>) target_semaphore(%arg8 : memref<!tpu.dma_semaphore, #tpu.memory_space<semaphore_mem>>)
        %slice3A_688 = vector.extract_strided_slice %mul3A_669 {offsets = [2], sizes = [1], strides = [1]} : vector<16xi32> to vector<1xi32>
        %squeeze3A_689 = vector.extract %slice3A_688[0] : i32 from vector<1xi32>
        %multiple_of3A_690 = tpu.assume_multiple %squeeze3A_689, 8 : i32
        %dma_start3A_691 = arith.constant 2000 : i32
        %dma_start3A_692 = tpu.memref_slice %arg6[%dma_start3A_691] : memref<32000xf32, #tpu.memory_space<vmem>> -> memref<1000xf32, #tpu.memory_space<vmem>>
        %dma_start3A_693 = tpu.memref_slice %arg3[%multiple_of3A_690] : memref<1000000xf32, #tpu.memory_space<hbm>> -> memref<1000xf32, #tpu.memory_space<hbm>>
        %dma_start3A_694 = arith.constant 2000 : i32
        %dma_start3A_695 = tpu.memref_slice %arg6[%dma_start3A_694] : memref<32000xf32, #tpu.memory_space<vmem>> -> memref<1000xf32, #tpu.memory_space<vmem>>
        %dma_start3A_696 = tpu.memref_slice %arg3[%multiple_of3A_690] : memref<1000000xf32, #tpu.memory_space<hbm>> -> memref<1000xf32, #tpu.memory_space<hbm>>
        tpu.enqueue_dma source(%dma_start3A_696 : memref<1000xf32, #tpu.memory_space<hbm>>) target(%dma_start3A_695 : memref<1000xf32, #tpu.memory_space<vmem>>) target_semaphore(%arg8 : memref<!tpu.dma_semaphore, #tpu.memory_space<semaphore_mem>>)
        %slice3A_697 = vector.extract_strided_slice %mul3A_669 {offsets = [3], sizes = [1], strides = [1]} : vector<16xi32> to vector<1xi32>
        %squeeze3A_698 = vector.extract %slice3A_697[0] : i32 from vector<1xi32>
        %multiple_of3A_699 = tpu.assume_multiple %squeeze3A_698, 8 : i32
        %dma_start3A_700 = arith.constant 3000 : i32
        %dma_start3A_701 = tpu.memref_slice %arg6[%dma_start3A_700] : memref<32000xf32, #tpu.memory_space<vmem>> -> memref<1000xf32, #tpu.memory_space<vmem>>
        %dma_start3A_702 = tpu.memref_slice %arg3[%multiple_of3A_699] : memref<1000000xf32, #tpu.memory_space<hbm>> -> memref<1000xf32, #tpu.memory_space<hbm>>
        %dma_start3A_703 = arith.constant 3000 : i32
        %dma_start3A_704 = tpu.memref_slice %arg6[%dma_start3A_703] : memref<32000xf32, #tpu.memory_space<vmem>> -> memref<1000xf32, #tpu.memory_space<vmem>>
        %dma_start3A_705 = tpu.memref_slice %arg3[%multiple_of3A_699] : memref<1000000xf32, #tpu.memory_space<hbm>> -> memref<1000xf32, #tpu.memory_space<hbm>>
        tpu.enqueue_dma source(%dma_start3A_705 : memref<1000xf32, #tpu.memory_space<hbm>>) target(%dma_start3A_704 : memref<1000xf32, #tpu.memory_space<vmem>>) target_semaphore(%arg8 : memref<!tpu.dma_semaphore, #tpu.memory_space<semaphore_mem>>)
        %slice3A_706 = vector.extract_strided_slice %mul3A_669 {offsets = [4], sizes = [1], strides = [1]} : vector<16xi32> to vector<1xi32>
        %squeeze3A_707 = vector.extract %slice3A_706[0] : i32 from vector<1xi32>
        %multiple_of3A_708 = tpu.assume_multiple %squeeze3A_707, 8 : i32
        %dma_start3A_709 = arith.constant 4000 : i32
        %dma_start3A_710 = tpu.memref_slice %arg6[%dma_start3A_709] : memref<32000xf32, #tpu.memory_space<vmem>> -> memref<1000xf32, #tpu.memory_space<vmem>>
        %dma_start3A_711 = tpu.memref_slice %arg3[%multiple_of3A_708] : memref<1000000xf32, #tpu.memory_space<hbm>> -> memref<1000xf32, #tpu.memory_space<hbm>>
        %dma_start3A_712 = arith.constant 4000 : i32
        %dma_start3A_713 = tpu.memref_slice %arg6[%dma_start3A_712] : memref<32000xf32, #tpu.memory_space<vmem>> -> memref<1000xf32, #tpu.memory_space<vmem>>
        %dma_start3A_714 = tpu.memref_slice %arg3[%multiple_of3A_708] : memref<1000000xf32, #tpu.memory_space<hbm>> -> memref<1000xf32, #tpu.memory_space<hbm>>
        tpu.enqueue_dma source(%dma_start3A_714 : memref<1000xf32, #tpu.memory_space<hbm>>) target(%dma_start3A_713 : memref<1000xf32, #tpu.memory_space<vmem>>) target_semaphore(%arg8 : memref<!tpu.dma_semaphore, #tpu.memory_space<semaphore_mem>>)
        %slice3A_715 = vector.extract_strided_slice %mul3A_669 {offsets = [5], sizes = [1], strides = [1]} : vector<16xi32> to vector<1xi32>
        %squeeze3A_716 = vector.extract %slice3A_715[0] : i32 from vector<1xi32>
        %multiple_of3A_717 = tpu.assume_multiple %squeeze3A_716, 8 : i32
        %dma_start3A_718 = arith.constant 5000 : i32
        %dma_start3A_719 = tpu.memref_slice %arg6[%dma_start3A_718] : memref<32000xf32, #tpu.memory_space<vmem>> -> memref<1000xf32, #tpu.memory_space<vmem>>
        %dma_start3A_720 = tpu.memref_slice %arg3[%multiple_of3A_717] : memref<1000000xf32, #tpu.memory_space<hbm>> -> memref<1000xf32, #tpu.memory_space<hbm>>
        %dma_start3A_721 = arith.constant 5000 : i32
        %dma_start3A_722 = tpu.memref_slice %arg6[%dma_start3A_721] : memref<32000xf32, #tpu.memory_space<vmem>> -> memref<1000xf32, #tpu.memory_space<vmem>>
        %dma_start3A_723 = tpu.memref_slice %arg3[%multiple_of3A_717] : memref<1000000xf32, #tpu.memory_space<hbm>> -> memref<1000xf32, #tpu.memory_space<hbm>>
        tpu.enqueue_dma source(%dma_start3A_723 : memref<1000xf32, #tpu.memory_space<hbm>>) target(%dma_start3A_722 : memref<1000xf32, #tpu.memory_space<vmem>>) target_semaphore(%arg8 : memref<!tpu.dma_semaphore, #tpu.memory_space<semaphore_mem>>)
        %slice3A_724 = vector.extract_strided_slice %mul3A_669 {offsets = [6], sizes = [1], strides = [1]} : vector<16xi32> to vector<1xi32>
        %squeeze3A_725 = vector.extract %slice3A_724[0] : i32 from vector<1xi32>
        %multiple_of3A_726 = tpu.assume_multiple %squeeze3A_725, 8 : i32
        %dma_start3A_727 = arith.constant 6000 : i32
        %dma_start3A_728 = tpu.memref_slice %arg6[%dma_start3A_727] : memref<32000xf32, #tpu.memory_space<vmem>> -> memref<1000xf32, #tpu.memory_space<vmem>>
        %dma_start3A_729 = tpu.memref_slice %arg3[%multiple_of3A_726] : memref<1000000xf32, #tpu.memory_space<hbm>> -> memref<1000xf32, #tpu.memory_space<hbm>>
        %dma_start3A_730 = arith.constant 6000 : i32
        %dma_start3A_731 = tpu.memref_slice %arg6[%dma_start3A_730] : memref<32000xf32, #tpu.memory_space<vmem>> -> memref<1000xf32, #tpu.memory_space<vmem>>
        %dma_start3A_732 = tpu.memref_slice %arg3[%multiple_of3A_726] : memref<1000000xf32, #tpu.memory_space<hbm>> -> memref<1000xf32, #tpu.memory_space<hbm>>
        tpu.enqueue_dma source(%dma_start3A_732 : memref<1000xf32, #tpu.memory_space<hbm>>) target(%dma_start3A_731 : memref<1000xf32, #tpu.memory_space<vmem>>) target_semaphore(%arg8 : memref<!tpu.dma_semaphore, #tpu.memory_space<semaphore_mem>>)
        %slice3A_733 = vector.extract_strided_slice %mul3A_669 {offsets = [7], sizes = [1], strides = [1]} : vector<16xi32> to vector<1xi32>
        %squeeze3A_734 = vector.extract %slice3A_733[0] : i32 from vector<1xi32>
        %multiple_of3A_735 = tpu.assume_multiple %squeeze3A_734, 8 : i32
        %dma_start3A_736 = arith.constant 7000 : i32
        %dma_start3A_737 = tpu.memref_slice %arg6[%dma_start3A_736] : memref<32000xf32, #tpu.memory_space<vmem>> -> memref<1000xf32, #tpu.memory_space<vmem>>
        %dma_start3A_738 = tpu.memref_slice %arg3[%multiple_of3A_735] : memref<1000000xf32, #tpu.memory_space<hbm>> -> memref<1000xf32, #tpu.memory_space<hbm>>
        %dma_start3A_739 = arith.constant 7000 : i32
        %dma_start3A_740 = tpu.memref_slice %arg6[%dma_start3A_739] : memref<32000xf32, #tpu.memory_space<vmem>> -> memref<1000xf32, #tpu.memory_space<vmem>>
        %dma_start3A_741 = tpu.memref_slice %arg3[%multiple_of3A_735] : memref<1000000xf32, #tpu.memory_space<hbm>> -> memref<1000xf32, #tpu.memory_space<hbm>>
        tpu.enqueue_dma source(%dma_start3A_741 : memref<1000xf32, #tpu.memory_space<hbm>>) target(%dma_start3A_740 : memref<1000xf32, #tpu.memory_space<vmem>>) target_semaphore(%arg8 : memref<!tpu.dma_semaphore, #tpu.memory_space<semaphore_mem>>)
        %slice3A_742 = vector.extract_strided_slice %mul3A_669 {offsets = [8], sizes = [1], strides = [1]} : vector<16xi32> to vector<1xi32>
        %squeeze3A_743 = vector.extract %slice3A_742[0] : i32 from vector<1xi32>
        %multiple_of3A_744 = tpu.assume_multiple %squeeze3A_743, 8 : i32
        %dma_start3A_745 = arith.constant 8000 : i32
        %dma_start3A_746 = tpu.memref_slice %arg6[%dma_start3A_745] : memref<32000xf32, #tpu.memory_space<vmem>> -> memref<1000xf32, #tpu.memory_space<vmem>>
        %dma_start3A_747 = tpu.memref_slice %arg3[%multiple_of3A_744] : memref<1000000xf32, #tpu.memory_space<hbm>> -> memref<1000xf32, #tpu.memory_space<hbm>>
        %dma_start3A_748 = arith.constant 8000 : i32
        %dma_start3A_749 = tpu.memref_slice %arg6[%dma_start3A_748] : memref<32000xf32, #tpu.memory_space<vmem>> -> memref<1000xf32, #tpu.memory_space<vmem>>
        %dma_start3A_750 = tpu.memref_slice %arg3[%multiple_of3A_744] : memref<1000000xf32, #tpu.memory_space<hbm>> -> memref<1000xf32, #tpu.memory_space<hbm>>
        tpu.enqueue_dma source(%dma_start3A_750 : memref<1000xf32, #tpu.memory_space<hbm>>) target(%dma_start3A_749 : memref<1000xf32, #tpu.memory_space<vmem>>) target_semaphore(%arg8 : memref<!tpu.dma_semaphore, #tpu.memory_space<semaphore_mem>>)
        %slice3A_751 = vector.extract_strided_slice %mul3A_669 {offsets = [9], sizes = [1], strides = [1]} : vector<16xi32> to vector<1xi32>
        %squeeze3A_752 = vector.extract %slice3A_751[0] : i32 from vector<1xi32>
        %multiple_of3A_753 = tpu.assume_multiple %squeeze3A_752, 8 : i32
        %dma_start3A_754 = arith.constant 9000 : i32
        %dma_start3A_755 = tpu.memref_slice %arg6[%dma_start3A_754] : memref<32000xf32, #tpu.memory_space<vmem>> -> memref<1000xf32, #tpu.memory_space<vmem>>
        %dma_start3A_756 = tpu.memref_slice %arg3[%multiple_of3A_753] : memref<1000000xf32, #tpu.memory_space<hbm>> -> memref<1000xf32, #tpu.memory_space<hbm>>
        %dma_start3A_757 = arith.constant 9000 : i32
        %dma_start3A_758 = tpu.memref_slice %arg6[%dma_start3A_757] : memref<32000xf32, #tpu.memory_space<vmem>> -> memref<1000xf32, #tpu.memory_space<vmem>>
        %dma_start3A_759 = tpu.memref_slice %arg3[%multiple_of3A_753] : memref<1000000xf32, #tpu.memory_space<hbm>> -> memref<1000xf32, #tpu.memory_space<hbm>>
        tpu.enqueue_dma source(%dma_start3A_759 : memref<1000xf32, #tpu.memory_space<hbm>>) target(%dma_start3A_758 : memref<1000xf32, #tpu.memory_space<vmem>>) target_semaphore(%arg8 : memref<!tpu.dma_semaphore, #tpu.memory_space<semaphore_mem>>)
        %slice3A_760 = vector.extract_strided_slice %mul3A_669 {offsets = [10], sizes = [1], strides = [1]} : vector<16xi32> to vector<1xi32>
        %squeeze3A_761 = vector.extract %slice3A_760[0] : i32 from vector<1xi32>
        %multiple_of3A_762 = tpu.assume_multiple %squeeze3A_761, 8 : i32
        %dma_start3A_763 = arith.constant 10000 : i32
        %dma_start3A_764 = tpu.memref_slice %arg6[%dma_start3A_763] : memref<32000xf32, #tpu.memory_space<vmem>> -> memref<1000xf32, #tpu.memory_space<vmem>>
        %dma_start3A_765 = tpu.memref_slice %arg3[%multiple_of3A_762] : memref<1000000xf32, #tpu.memory_space<hbm>> -> memref<1000xf32, #tpu.memory_space<hbm>>
        %dma_start3A_766 = arith.constant 10000 : i32
        %dma_start3A_767 = tpu.memref_slice %arg6[%dma_start3A_766] : memref<32000xf32, #tpu.memory_space<vmem>> -> memref<1000xf32, #tpu.memory_space<vmem>>
        %dma_start3A_768 = tpu.memref_slice %arg3[%multiple_of3A_762] : memref<1000000xf32, #tpu.memory_space<hbm>> -> memref<1000xf32, #tpu.memory_space<hbm>>
        tpu.enqueue_dma source(%dma_start3A_768 : memref<1000xf32, #tpu.memory_space<hbm>>) target(%dma_start3A_767 : memref<1000xf32, #tpu.memory_space<vmem>>) target_semaphore(%arg8 : memref<!tpu.dma_semaphore, #tpu.memory_space<semaphore_mem>>)
        %slice3A_769 = vector.extract_strided_slice %mul3A_669 {offsets = [11], sizes = [1], strides = [1]} : vector<16xi32> to vector<1xi32>
        %squeeze3A_770 = vector.extract %slice3A_769[0] : i32 from vector<1xi32>
        %multiple_of3A_771 = tpu.assume_multiple %squeeze3A_770, 8 : i32
        %dma_start3A_772 = arith.constant 11000 : i32
        %dma_start3A_773 = tpu.memref_slice %arg6[%dma_start3A_772] : memref<32000xf32, #tpu.memory_space<vmem>> -> memref<1000xf32, #tpu.memory_space<vmem>>
        %dma_start3A_774 = tpu.memref_slice %arg3[%multiple_of3A_771] : memref<1000000xf32, #tpu.memory_space<hbm>> -> memref<1000xf32, #tpu.memory_space<hbm>>
        %dma_start3A_775 = arith.constant 11000 : i32
        %dma_start3A_776 = tpu.memref_slice %arg6[%dma_start3A_775] : memref<32000xf32, #tpu.memory_space<vmem>> -> memref<1000xf32, #tpu.memory_space<vmem>>
        %dma_start3A_777 = tpu.memref_slice %arg3[%multiple_of3A_771] : memref<1000000xf32, #tpu.memory_space<hbm>> -> memref<1000xf32, #tpu.memory_space<hbm>>
        tpu.enqueue_dma source(%dma_start3A_777 : memref<1000xf32, #tpu.memory_space<hbm>>) target(%dma_start3A_776 : memref<1000xf32, #tpu.memory_space<vmem>>) target_semaphore(%arg8 : memref<!tpu.dma_semaphore, #tpu.memory_space<semaphore_mem>>)
        %slice3A_778 = vector.extract_strided_slice %mul3A_669 {offsets = [12], sizes = [1], strides = [1]} : vector<16xi32> to vector<1xi32>
        %squeeze3A_779 = vector.extract %slice3A_778[0] : i32 from vector<1xi32>
        %multiple_of3A_780 = tpu.assume_multiple %squeeze3A_779, 8 : i32
        %dma_start3A_781 = arith.constant 12000 : i32
        %dma_start3A_782 = tpu.memref_slice %arg6[%dma_start3A_781] : memref<32000xf32, #tpu.memory_space<vmem>> -> memref<1000xf32, #tpu.memory_space<vmem>>
        %dma_start3A_783 = tpu.memref_slice %arg3[%multiple_of3A_780] : memref<1000000xf32, #tpu.memory_space<hbm>> -> memref<1000xf32, #tpu.memory_space<hbm>>
        %dma_start3A_784 = arith.constant 12000 : i32
        %dma_start3A_785 = tpu.memref_slice %arg6[%dma_start3A_784] : memref<32000xf32, #tpu.memory_space<vmem>> -> memref<1000xf32, #tpu.memory_space<vmem>>
        %dma_start3A_786 = tpu.memref_slice %arg3[%multiple_of3A_780] : memref<1000000xf32, #tpu.memory_space<hbm>> -> memref<1000xf32, #tpu.memory_space<hbm>>
        tpu.enqueue_dma source(%dma_start3A_786 : memref<1000xf32, #tpu.memory_space<hbm>>) target(%dma_start3A_785 : memref<1000xf32, #tpu.memory_space<vmem>>) target_semaphore(%arg8 : memref<!tpu.dma_semaphore, #tpu.memory_space<semaphore_mem>>)
        %slice3A_787 = vector.extract_strided_slice %mul3A_669 {offsets = [13], sizes = [1], strides = [1]} : vector<16xi32> to vector<1xi32>
        %squeeze3A_788 = vector.extract %slice3A_787[0] : i32 from vector<1xi32>
        %multiple_of3A_789 = tpu.assume_multiple %squeeze3A_788, 8 : i32
        %dma_start3A_790 = arith.constant 13000 : i32
        %dma_start3A_791 = tpu.memref_slice %arg6[%dma_start3A_790] : memref<32000xf32, #tpu.memory_space<vmem>> -> memref<1000xf32, #tpu.memory_space<vmem>>
        %dma_start3A_792 = tpu.memref_slice %arg3[%multiple_of3A_789] : memref<1000000xf32, #tpu.memory_space<hbm>> -> memref<1000xf32, #tpu.memory_space<hbm>>
        %dma_start3A_793 = arith.constant 13000 : i32
        %dma_start3A_794 = tpu.memref_slice %arg6[%dma_start3A_793] : memref<32000xf32, #tpu.memory_space<vmem>> -> memref<1000xf32, #tpu.memory_space<vmem>>
        %dma_start3A_795 = tpu.memref_slice %arg3[%multiple_of3A_789] : memref<1000000xf32, #tpu.memory_space<hbm>> -> memref<1000xf32, #tpu.memory_space<hbm>>
        tpu.enqueue_dma source(%dma_start3A_795 : memref<1000xf32, #tpu.memory_space<hbm>>) target(%dma_start3A_794 : memref<1000xf32, #tpu.memory_space<vmem>>) target_semaphore(%arg8 : memref<!tpu.dma_semaphore, #tpu.memory_space<semaphore_mem>>)
        %slice3A_796 = vector.extract_strided_slice %mul3A_669 {offsets = [14], sizes = [1], strides = [1]} : vector<16xi32> to vector<1xi32>
        %squeeze3A_797 = vector.extract %slice3A_796[0] : i32 from vector<1xi32>
        %multiple_of3A_798 = tpu.assume_multiple %squeeze3A_797, 8 : i32
        %dma_start3A_799 = arith.constant 14000 : i32
        %dma_start3A_800 = tpu.memref_slice %arg6[%dma_start3A_799] : memref<32000xf32, #tpu.memory_space<vmem>> -> memref<1000xf32, #tpu.memory_space<vmem>>
        %dma_start3A_801 = tpu.memref_slice %arg3[%multiple_of3A_798] : memref<1000000xf32, #tpu.memory_space<hbm>> -> memref<1000xf32, #tpu.memory_space<hbm>>
        %dma_start3A_802 = arith.constant 14000 : i32
        %dma_start3A_803 = tpu.memref_slice %arg6[%dma_start3A_802] : memref<32000xf32, #tpu.memory_space<vmem>> -> memref<1000xf32, #tpu.memory_space<vmem>>
        %dma_start3A_804 = tpu.memref_slice %arg3[%multiple_of3A_798] : memref<1000000xf32, #tpu.memory_space<hbm>> -> memref<1000xf32, #tpu.memory_space<hbm>>
        tpu.enqueue_dma source(%dma_start3A_804 : memref<1000xf32, #tpu.memory_space<hbm>>) target(%dma_start3A_803 : memref<1000xf32, #tpu.memory_space<vmem>>) target_semaphore(%arg8 : memref<!tpu.dma_semaphore, #tpu.memory_space<semaphore_mem>>)
        %slice3A_805 = vector.extract_strided_slice %mul3A_669 {offsets = [15], sizes = [1], strides = [1]} : vector<16xi32> to vector<1xi32>
        %squeeze3A_806 = vector.extract %slice3A_805[0] : i32 from vector<1xi32>
        %multiple_of3A_807 = tpu.assume_multiple %squeeze3A_806, 8 : i32
        %dma_start3A_808 = arith.constant 15000 : i32
        %dma_start3A_809 = tpu.memref_slice %arg6[%dma_start3A_808] : memref<32000xf32, #tpu.memory_space<vmem>> -> memref<1000xf32, #tpu.memory_space<vmem>>
        %dma_start3A_810 = tpu.memref_slice %arg3[%multiple_of3A_807] : memref<1000000xf32, #tpu.memory_space<hbm>> -> memref<1000xf32, #tpu.memory_space<hbm>>
        %dma_start3A_811 = arith.constant 15000 : i32
        %dma_start3A_812 = tpu.memref_slice %arg6[%dma_start3A_811] : memref<32000xf32, #tpu.memory_space<vmem>> -> memref<1000xf32, #tpu.memory_space<vmem>>
        %dma_start3A_813 = tpu.memref_slice %arg3[%multiple_of3A_807] : memref<1000000xf32, #tpu.memory_space<hbm>> -> memref<1000xf32, #tpu.memory_space<hbm>>
        tpu.enqueue_dma source(%dma_start3A_813 : memref<1000xf32, #tpu.memory_space<hbm>>) target(%dma_start3A_812 : memref<1000xf32, #tpu.memory_space<vmem>>) target_semaphore(%arg8 : memref<!tpu.dma_semaphore, #tpu.memory_space<semaphore_mem>>)
        %mul3A_814 = arith.constant 32 : i32
        %mul3A_815 = arith.muli %add3A_658, %mul3A_814 : i32
        %add3A_816 = arith.constant 16 : i32
        %add3A_817 = arith.addi %mul3A_815, %add3A_816 : i32
        %multiple_of3A_818 = tpu.assume_multiple %add3A_817, 16 : i32
        %get3A_819 = arith.index_cast %multiple_of3A_818 : i32 to index
        %get3A_820 = tpu.vector_load %arg5[%get3A_819] {strides = array<i32>} : memref<1600xi32, #tpu.memory_space<vmem>>, vector<16xi32>,
        %get3A_821 = vector.shape_cast %get3A_820 : vector<16xi32> to vector<16xi32>
        %mul3A_822 = arith.constant 1000 : i32
        %mul3A_823 = vector.broadcast %mul3A_822 : i32 to vector<16xi32>
        %mul3A_824 = arith.muli %get3A_821, %mul3A_823 : vector<16xi32>
        %slice3A_825 = vector.extract_strided_slice %mul3A_824 {offsets = [0], sizes = [1], strides = [1]} : vector<16xi32> to vector<1xi32>
        %squeeze3A_826 = vector.extract %slice3A_825[0] : i32 from vector<1xi32>
        %multiple_of3A_827 = tpu.assume_multiple %squeeze3A_826, 8 : i32
        %dma_start3A_828 = arith.constant 16000 : i32
        %dma_start3A_829 = tpu.memref_slice %arg6[%dma_start3A_828] : memref<32000xf32, #tpu.memory_space<vmem>> -> memref<1000xf32, #tpu.memory_space<vmem>>
        %dma_start3A_830 = tpu.memref_slice %arg3[%multiple_of3A_827] : memref<1000000xf32, #tpu.memory_space<hbm>> -> memref<1000xf32, #tpu.memory_space<hbm>>
        %dma_start3A_831 = arith.constant 16000 : i32
        %dma_start3A_832 = tpu.memref_slice %arg6[%dma_start3A_831] : memref<32000xf32, #tpu.memory_space<vmem>> -> memref<1000xf32, #tpu.memory_space<vmem>>
        %dma_start3A_833 = tpu.memref_slice %arg3[%multiple_of3A_827] : memref<1000000xf32, #tpu.memory_space<hbm>> -> memref<1000xf32, #tpu.memory_space<hbm>>
        tpu.enqueue_dma source(%dma_start3A_833 : memref<1000xf32, #tpu.memory_space<hbm>>) target(%dma_start3A_832 : memref<1000xf32, #tpu.memory_space<vmem>>) target_semaphore(%arg8 : memref<!tpu.dma_semaphore, #tpu.memory_space<semaphore_mem>>)
        %slice3A_834 = vector.extract_strided_slice %mul3A_824 {offsets = [1], sizes = [1], strides = [1]} : vector<16xi32> to vector<1xi32>
        %squeeze3A_835 = vector.extract %slice3A_834[0] : i32 from vector<1xi32>
        %multiple_of3A_836 = tpu.assume_multiple %squeeze3A_835, 8 : i32
        %dma_start3A_837 = arith.constant 17000 : i32
        %dma_start3A_838 = tpu.memref_slice %arg6[%dma_start3A_837] : memref<32000xf32, #tpu.memory_space<vmem>> -> memref<1000xf32, #tpu.memory_space<vmem>>
        %dma_start3A_839 = tpu.memref_slice %arg3[%multiple_of3A_836] : memref<1000000xf32, #tpu.memory_space<hbm>> -> memref<1000xf32, #tpu.memory_space<hbm>>
        %dma_start3A_840 = arith.constant 17000 : i32
        %dma_start3A_841 = tpu.memref_slice %arg6[%dma_start3A_840] : memref<32000xf32, #tpu.memory_space<vmem>> -> memref<1000xf32, #tpu.memory_space<vmem>>
        %dma_start3A_842 = tpu.memref_slice %arg3[%multiple_of3A_836] : memref<1000000xf32, #tpu.memory_space<hbm>> -> memref<1000xf32, #tpu.memory_space<hbm>>
        tpu.enqueue_dma source(%dma_start3A_842 : memref<1000xf32, #tpu.memory_space<hbm>>) target(%dma_start3A_841 : memref<1000xf32, #tpu.memory_space<vmem>>) target_semaphore(%arg8 : memref<!tpu.dma_semaphore, #tpu.memory_space<semaphore_mem>>)
        %slice3A_843 = vector.extract_strided_slice %mul3A_824 {offsets = [2], sizes = [1], strides = [1]} : vector<16xi32> to vector<1xi32>
        %squeeze3A_844 = vector.extract %slice3A_843[0] : i32 from vector<1xi32>
        %multiple_of3A_845 = tpu.assume_multiple %squeeze3A_844, 8 : i32
        %dma_start3A_846 = arith.constant 18000 : i32
        %dma_start3A_847 = tpu.memref_slice %arg6[%dma_start3A_846] : memref<32000xf32, #tpu.memory_space<vmem>> -> memref<1000xf32, #tpu.memory_space<vmem>>
        %dma_start3A_848 = tpu.memref_slice %arg3[%multiple_of3A_845] : memref<1000000xf32, #tpu.memory_space<hbm>> -> memref<1000xf32, #tpu.memory_space<hbm>>
        %dma_start3A_849 = arith.constant 18000 : i32
        %dma_start3A_850 = tpu.memref_slice %arg6[%dma_start3A_849] : memref<32000xf32, #tpu.memory_space<vmem>> -> memref<1000xf32, #tpu.memory_space<vmem>>
        %dma_start3A_851 = tpu.memref_slice %arg3[%multiple_of3A_845] : memref<1000000xf32, #tpu.memory_space<hbm>> -> memref<1000xf32, #tpu.memory_space<hbm>>
        tpu.enqueue_dma source(%dma_start3A_851 : memref<1000xf32, #tpu.memory_space<hbm>>) target(%dma_start3A_850 : memref<1000xf32, #tpu.memory_space<vmem>>) target_semaphore(%arg8 : memref<!tpu.dma_semaphore, #tpu.memory_space<semaphore_mem>>)
        %slice3A_852 = vector.extract_strided_slice %mul3A_824 {offsets = [3], sizes = [1], strides = [1]} : vector<16xi32> to vector<1xi32>
        %squeeze3A_853 = vector.extract %slice3A_852[0] : i32 from vector<1xi32>
        %multiple_of3A_854 = tpu.assume_multiple %squeeze3A_853, 8 : i32
        %dma_start3A_855 = arith.constant 19000 : i32
        %dma_start3A_856 = tpu.memref_slice %arg6[%dma_start3A_855] : memref<32000xf32, #tpu.memory_space<vmem>> -> memref<1000xf32, #tpu.memory_space<vmem>>
        %dma_start3A_857 = tpu.memref_slice %arg3[%multiple_of3A_854] : memref<1000000xf32, #tpu.memory_space<hbm>> -> memref<1000xf32, #tpu.memory_space<hbm>>
        %dma_start3A_858 = arith.constant 19000 : i32
        %dma_start3A_859 = tpu.memref_slice %arg6[%dma_start3A_858] : memref<32000xf32, #tpu.memory_space<vmem>> -> memref<1000xf32, #tpu.memory_space<vmem>>
        %dma_start3A_860 = tpu.memref_slice %arg3[%multiple_of3A_854] : memref<1000000xf32, #tpu.memory_space<hbm>> -> memref<1000xf32, #tpu.memory_space<hbm>>
        tpu.enqueue_dma source(%dma_start3A_860 : memref<1000xf32, #tpu.memory_space<hbm>>) target(%dma_start3A_859 : memref<1000xf32, #tpu.memory_space<vmem>>) target_semaphore(%arg8 : memref<!tpu.dma_semaphore, #tpu.memory_space<semaphore_mem>>)
        %slice3A_861 = vector.extract_strided_slice %mul3A_824 {offsets = [4], sizes = [1], strides = [1]} : vector<16xi32> to vector<1xi32>
        %squeeze3A_862 = vector.extract %slice3A_861[0] : i32 from vector<1xi32>
        %multiple_of3A_863 = tpu.assume_multiple %squeeze3A_862, 8 : i32
        %dma_start3A_864 = arith.constant 20000 : i32
        %dma_start3A_865 = tpu.memref_slice %arg6[%dma_start3A_864] : memref<32000xf32, #tpu.memory_space<vmem>> -> memref<1000xf32, #tpu.memory_space<vmem>>
        %dma_start3A_866 = tpu.memref_slice %arg3[%multiple_of3A_863] : memref<1000000xf32, #tpu.memory_space<hbm>> -> memref<1000xf32, #tpu.memory_space<hbm>>
        %dma_start3A_867 = arith.constant 20000 : i32
        %dma_start3A_868 = tpu.memref_slice %arg6[%dma_start3A_867] : memref<32000xf32, #tpu.memory_space<vmem>> -> memref<1000xf32, #tpu.memory_space<vmem>>
        %dma_start3A_869 = tpu.memref_slice %arg3[%multiple_of3A_863] : memref<1000000xf32, #tpu.memory_space<hbm>> -> memref<1000xf32, #tpu.memory_space<hbm>>
        tpu.enqueue_dma source(%dma_start3A_869 : memref<1000xf32, #tpu.memory_space<hbm>>) target(%dma_start3A_868 : memref<1000xf32, #tpu.memory_space<vmem>>) target_semaphore(%arg8 : memref<!tpu.dma_semaphore, #tpu.memory_space<semaphore_mem>>)
        %slice3A_870 = vector.extract_strided_slice %mul3A_824 {offsets = [5], sizes = [1], strides = [1]} : vector<16xi32> to vector<1xi32>
        %squeeze3A_871 = vector.extract %slice3A_870[0] : i32 from vector<1xi32>
        %multiple_of3A_872 = tpu.assume_multiple %squeeze3A_871, 8 : i32
        %dma_start3A_873 = arith.constant 21000 : i32
        %dma_start3A_874 = tpu.memref_slice %arg6[%dma_start3A_873] : memref<32000xf32, #tpu.memory_space<vmem>> -> memref<1000xf32, #tpu.memory_space<vmem>>
        %dma_start3A_875 = tpu.memref_slice %arg3[%multiple_of3A_872] : memref<1000000xf32, #tpu.memory_space<hbm>> -> memref<1000xf32, #tpu.memory_space<hbm>>
        %dma_start3A_876 = arith.constant 21000 : i32
        %dma_start3A_877 = tpu.memref_slice %arg6[%dma_start3A_876] : memref<32000xf32, #tpu.memory_space<vmem>> -> memref<1000xf32, #tpu.memory_space<vmem>>
        %dma_start3A_878 = tpu.memref_slice %arg3[%multiple_of3A_872] : memref<1000000xf32, #tpu.memory_space<hbm>> -> memref<1000xf32, #tpu.memory_space<hbm>>
        tpu.enqueue_dma source(%dma_start3A_878 : memref<1000xf32, #tpu.memory_space<hbm>>) target(%dma_start3A_877 : memref<1000xf32, #tpu.memory_space<vmem>>) target_semaphore(%arg8 : memref<!tpu.dma_semaphore, #tpu.memory_space<semaphore_mem>>)
        %slice3A_879 = vector.extract_strided_slice %mul3A_824 {offsets = [6], sizes = [1], strides = [1]} : vector<16xi32> to vector<1xi32>
        %squeeze3A_880 = vector.extract %slice3A_879[0] : i32 from vector<1xi32>
        %multiple_of3A_881 = tpu.assume_multiple %squeeze3A_880, 8 : i32
        %dma_start3A_882 = arith.constant 22000 : i32
        %dma_start3A_883 = tpu.memref_slice %arg6[%dma_start3A_882] : memref<32000xf32, #tpu.memory_space<vmem>> -> memref<1000xf32, #tpu.memory_space<vmem>>
        %dma_start3A_884 = tpu.memref_slice %arg3[%multiple_of3A_881] : memref<1000000xf32, #tpu.memory_space<hbm>> -> memref<1000xf32, #tpu.memory_space<hbm>>
        %dma_start3A_885 = arith.constant 22000 : i32
        %dma_start3A_886 = tpu.memref_slice %arg6[%dma_start3A_885] : memref<32000xf32, #tpu.memory_space<vmem>> -> memref<1000xf32, #tpu.memory_space<vmem>>
        %dma_start3A_887 = tpu.memref_slice %arg3[%multiple_of3A_881] : memref<1000000xf32, #tpu.memory_space<hbm>> -> memref<1000xf32, #tpu.memory_space<hbm>>
        tpu.enqueue_dma source(%dma_start3A_887 : memref<1000xf32, #tpu.memory_space<hbm>>) target(%dma_start3A_886 : memref<1000xf32, #tpu.memory_space<vmem>>) target_semaphore(%arg8 : memref<!tpu.dma_semaphore, #tpu.memory_space<semaphore_mem>>)
        %slice3A_888 = vector.extract_strided_slice %mul3A_824 {offsets = [7], sizes = [1], strides = [1]} : vector<16xi32> to vector<1xi32>
        %squeeze3A_889 = vector.extract %slice3A_888[0] : i32 from vector<1xi32>
        %multiple_of3A_890 = tpu.assume_multiple %squeeze3A_889, 8 : i32
        %dma_start3A_891 = arith.constant 23000 : i32
        %dma_start3A_892 = tpu.memref_slice %arg6[%dma_start3A_891] : memref<32000xf32, #tpu.memory_space<vmem>> -> memref<1000xf32, #tpu.memory_space<vmem>>
        %dma_start3A_893 = tpu.memref_slice %arg3[%multiple_of3A_890] : memref<1000000xf32, #tpu.memory_space<hbm>> -> memref<1000xf32, #tpu.memory_space<hbm>>
        %dma_start3A_894 = arith.constant 23000 : i32
        %dma_start3A_895 = tpu.memref_slice %arg6[%dma_start3A_894] : memref<32000xf32, #tpu.memory_space<vmem>> -> memref<1000xf32, #tpu.memory_space<vmem>>
        %dma_start3A_896 = tpu.memref_slice %arg3[%multiple_of3A_890] : memref<1000000xf32, #tpu.memory_space<hbm>> -> memref<1000xf32, #tpu.memory_space<hbm>>
        tpu.enqueue_dma source(%dma_start3A_896 : memref<1000xf32, #tpu.memory_space<hbm>>) target(%dma_start3A_895 : memref<1000xf32, #tpu.memory_space<vmem>>) target_semaphore(%arg8 : memref<!tpu.dma_semaphore, #tpu.memory_space<semaphore_mem>>)
        %slice3A_897 = vector.extract_strided_slice %mul3A_824 {offsets = [8], sizes = [1], strides = [1]} : vector<16xi32> to vector<1xi32>
        %squeeze3A_898 = vector.extract %slice3A_897[0] : i32 from vector<1xi32>
        %multiple_of3A_899 = tpu.assume_multiple %squeeze3A_898, 8 : i32
        %dma_start3A_900 = arith.constant 24000 : i32
        %dma_start3A_901 = tpu.memref_slice %arg6[%dma_start3A_900] : memref<32000xf32, #tpu.memory_space<vmem>> -> memref<1000xf32, #tpu.memory_space<vmem>>
        %dma_start3A_902 = tpu.memref_slice %arg3[%multiple_of3A_899] : memref<1000000xf32, #tpu.memory_space<hbm>> -> memref<1000xf32, #tpu.memory_space<hbm>>
        %dma_start3A_903 = arith.constant 24000 : i32
        %dma_start3A_904 = tpu.memref_slice %arg6[%dma_start3A_903] : memref<32000xf32, #tpu.memory_space<vmem>> -> memref<1000xf32, #tpu.memory_space<vmem>>
        %dma_start3A_905 = tpu.memref_slice %arg3[%multiple_of3A_899] : memref<1000000xf32, #tpu.memory_space<hbm>> -> memref<1000xf32, #tpu.memory_space<hbm>>
        tpu.enqueue_dma source(%dma_start3A_905 : memref<1000xf32, #tpu.memory_space<hbm>>) target(%dma_start3A_904 : memref<1000xf32, #tpu.memory_space<vmem>>) target_semaphore(%arg8 : memref<!tpu.dma_semaphore, #tpu.memory_space<semaphore_mem>>)
        %slice3A_906 = vector.extract_strided_slice %mul3A_824 {offsets = [9], sizes = [1], strides = [1]} : vector<16xi32> to vector<1xi32>
        %squeeze3A_907 = vector.extract %slice3A_906[0] : i32 from vector<1xi32>
        %multiple_of3A_908 = tpu.assume_multiple %squeeze3A_907, 8 : i32
        %dma_start3A_909 = arith.constant 25000 : i32
        %dma_start3A_910 = tpu.memref_slice %arg6[%dma_start3A_909] : memref<32000xf32, #tpu.memory_space<vmem>> -> memref<1000xf32, #tpu.memory_space<vmem>>
        %dma_start3A_911 = tpu.memref_slice %arg3[%multiple_of3A_908] : memref<1000000xf32, #tpu.memory_space<hbm>> -> memref<1000xf32, #tpu.memory_space<hbm>>
        %dma_start3A_912 = arith.constant 25000 : i32
        %dma_start3A_913 = tpu.memref_slice %arg6[%dma_start3A_912] : memref<32000xf32, #tpu.memory_space<vmem>> -> memref<1000xf32, #tpu.memory_space<vmem>>
        %dma_start3A_914 = tpu.memref_slice %arg3[%multiple_of3A_908] : memref<1000000xf32, #tpu.memory_space<hbm>> -> memref<1000xf32, #tpu.memory_space<hbm>>
        tpu.enqueue_dma source(%dma_start3A_914 : memref<1000xf32, #tpu.memory_space<hbm>>) target(%dma_start3A_913 : memref<1000xf32, #tpu.memory_space<vmem>>) target_semaphore(%arg8 : memref<!tpu.dma_semaphore, #tpu.memory_space<semaphore_mem>>)
        %slice3A_915 = vector.extract_strided_slice %mul3A_824 {offsets = [10], sizes = [1], strides = [1]} : vector<16xi32> to vector<1xi32>
        %squeeze3A_916 = vector.extract %slice3A_915[0] : i32 from vector<1xi32>
        %multiple_of3A_917 = tpu.assume_multiple %squeeze3A_916, 8 : i32
        %dma_start3A_918 = arith.constant 26000 : i32
        %dma_start3A_919 = tpu.memref_slice %arg6[%dma_start3A_918] : memref<32000xf32, #tpu.memory_space<vmem>> -> memref<1000xf32, #tpu.memory_space<vmem>>
        %dma_start3A_920 = tpu.memref_slice %arg3[%multiple_of3A_917] : memref<1000000xf32, #tpu.memory_space<hbm>> -> memref<1000xf32, #tpu.memory_space<hbm>>
        %dma_start3A_921 = arith.constant 26000 : i32
        %dma_start3A_922 = tpu.memref_slice %arg6[%dma_start3A_921] : memref<32000xf32, #tpu.memory_space<vmem>> -> memref<1000xf32, #tpu.memory_space<vmem>>
        %dma_start3A_923 = tpu.memref_slice %arg3[%multiple_of3A_917] : memref<1000000xf32, #tpu.memory_space<hbm>> -> memref<1000xf32, #tpu.memory_space<hbm>>
        tpu.enqueue_dma source(%dma_start3A_923 : memref<1000xf32, #tpu.memory_space<hbm>>) target(%dma_start3A_922 : memref<1000xf32, #tpu.memory_space<vmem>>) target_semaphore(%arg8 : memref<!tpu.dma_semaphore, #tpu.memory_space<semaphore_mem>>)
        %slice3A_924 = vector.extract_strided_slice %mul3A_824 {offsets = [11], sizes = [1], strides = [1]} : vector<16xi32> to vector<1xi32>
        %squeeze3A_925 = vector.extract %slice3A_924[0] : i32 from vector<1xi32>
        %multiple_of3A_926 = tpu.assume_multiple %squeeze3A_925, 8 : i32
        %dma_start3A_927 = arith.constant 27000 : i32
        %dma_start3A_928 = tpu.memref_slice %arg6[%dma_start3A_927] : memref<32000xf32, #tpu.memory_space<vmem>> -> memref<1000xf32, #tpu.memory_space<vmem>>
        %dma_start3A_929 = tpu.memref_slice %arg3[%multiple_of3A_926] : memref<1000000xf32, #tpu.memory_space<hbm>> -> memref<1000xf32, #tpu.memory_space<hbm>>
        %dma_start3A_930 = arith.constant 27000 : i32
        %dma_start3A_931 = tpu.memref_slice %arg6[%dma_start3A_930] : memref<32000xf32, #tpu.memory_space<vmem>> -> memref<1000xf32, #tpu.memory_space<vmem>>
        %dma_start3A_932 = tpu.memref_slice %arg3[%multiple_of3A_926] : memref<1000000xf32, #tpu.memory_space<hbm>> -> memref<1000xf32, #tpu.memory_space<hbm>>
        tpu.enqueue_dma source(%dma_start3A_932 : memref<1000xf32, #tpu.memory_space<hbm>>) target(%dma_start3A_931 : memref<1000xf32, #tpu.memory_space<vmem>>) target_semaphore(%arg8 : memref<!tpu.dma_semaphore, #tpu.memory_space<semaphore_mem>>)
        %slice3A_933 = vector.extract_strided_slice %mul3A_824 {offsets = [12], sizes = [1], strides = [1]} : vector<16xi32> to vector<1xi32>
        %squeeze3A_934 = vector.extract %slice3A_933[0] : i32 from vector<1xi32>
        %multiple_of3A_935 = tpu.assume_multiple %squeeze3A_934, 8 : i32
        %dma_start3A_936 = arith.constant 28000 : i32
        %dma_start3A_937 = tpu.memref_slice %arg6[%dma_start3A_936] : memref<32000xf32, #tpu.memory_space<vmem>> -> memref<1000xf32, #tpu.memory_space<vmem>>
        %dma_start3A_938 = tpu.memref_slice %arg3[%multiple_of3A_935] : memref<1000000xf32, #tpu.memory_space<hbm>> -> memref<1000xf32, #tpu.memory_space<hbm>>
        %dma_start3A_939 = arith.constant 28000 : i32
        %dma_start3A_940 = tpu.memref_slice %arg6[%dma_start3A_939] : memref<32000xf32, #tpu.memory_space<vmem>> -> memref<1000xf32, #tpu.memory_space<vmem>>
        %dma_start3A_941 = tpu.memref_slice %arg3[%multiple_of3A_935] : memref<1000000xf32, #tpu.memory_space<hbm>> -> memref<1000xf32, #tpu.memory_space<hbm>>
        tpu.enqueue_dma source(%dma_start3A_941 : memref<1000xf32, #tpu.memory_space<hbm>>) target(%dma_start3A_940 : memref<1000xf32, #tpu.memory_space<vmem>>) target_semaphore(%arg8 : memref<!tpu.dma_semaphore, #tpu.memory_space<semaphore_mem>>)
        %slice3A_942 = vector.extract_strided_slice %mul3A_824 {offsets = [13], sizes = [1], strides = [1]} : vector<16xi32> to vector<1xi32>
        %squeeze3A_943 = vector.extract %slice3A_942[0] : i32 from vector<1xi32>
        %multiple_of3A_944 = tpu.assume_multiple %squeeze3A_943, 8 : i32
        %dma_start3A_945 = arith.constant 29000 : i32
        %dma_start3A_946 = tpu.memref_slice %arg6[%dma_start3A_945] : memref<32000xf32, #tpu.memory_space<vmem>> -> memref<1000xf32, #tpu.memory_space<vmem>>
        %dma_start3A_947 = tpu.memref_slice %arg3[%multiple_of3A_944] : memref<1000000xf32, #tpu.memory_space<hbm>> -> memref<1000xf32, #tpu.memory_space<hbm>>
        %dma_start3A_948 = arith.constant 29000 : i32
        %dma_start3A_949 = tpu.memref_slice %arg6[%dma_start3A_948] : memref<32000xf32, #tpu.memory_space<vmem>> -> memref<1000xf32, #tpu.memory_space<vmem>>
        %dma_start3A_950 = tpu.memref_slice %arg3[%multiple_of3A_944] : memref<1000000xf32, #tpu.memory_space<hbm>> -> memref<1000xf32, #tpu.memory_space<hbm>>
        tpu.enqueue_dma source(%dma_start3A_950 : memref<1000xf32, #tpu.memory_space<hbm>>) target(%dma_start3A_949 : memref<1000xf32, #tpu.memory_space<vmem>>) target_semaphore(%arg8 : memref<!tpu.dma_semaphore, #tpu.memory_space<semaphore_mem>>)
        %slice3A_951 = vector.extract_strided_slice %mul3A_824 {offsets = [14], sizes = [1], strides = [1]} : vector<16xi32> to vector<1xi32>
        %squeeze3A_952 = vector.extract %slice3A_951[0] : i32 from vector<1xi32>
        %multiple_of3A_953 = tpu.assume_multiple %squeeze3A_952, 8 : i32
        %dma_start3A_954 = arith.constant 30000 : i32
        %dma_start3A_955 = tpu.memref_slice %arg6[%dma_start3A_954] : memref<32000xf32, #tpu.memory_space<vmem>> -> memref<1000xf32, #tpu.memory_space<vmem>>
        %dma_start3A_956 = tpu.memref_slice %arg3[%multiple_of3A_953] : memref<1000000xf32, #tpu.memory_space<hbm>> -> memref<1000xf32, #tpu.memory_space<hbm>>
        %dma_start3A_957 = arith.constant 30000 : i32
        %dma_start3A_958 = tpu.memref_slice %arg6[%dma_start3A_957] : memref<32000xf32, #tpu.memory_space<vmem>> -> memref<1000xf32, #tpu.memory_space<vmem>>
        %dma_start3A_959 = tpu.memref_slice %arg3[%multiple_of3A_953] : memref<1000000xf32, #tpu.memory_space<hbm>> -> memref<1000xf32, #tpu.memory_space<hbm>>
        tpu.enqueue_dma source(%dma_start3A_959 : memref<1000xf32, #tpu.memory_space<hbm>>) target(%dma_start3A_958 : memref<1000xf32, #tpu.memory_space<vmem>>) target_semaphore(%arg8 : memref<!tpu.dma_semaphore, #tpu.memory_space<semaphore_mem>>)
        %slice3A_960 = vector.extract_strided_slice %mul3A_824 {offsets = [15], sizes = [1], strides = [1]} : vector<16xi32> to vector<1xi32>
        %squeeze3A_961 = vector.extract %slice3A_960[0] : i32 from vector<1xi32>
        %multiple_of3A_962 = tpu.assume_multiple %squeeze3A_961, 8 : i32
        %dma_start3A_963 = arith.constant 31000 : i32
        %dma_start3A_964 = tpu.memref_slice %arg6[%dma_start3A_963] : memref<32000xf32, #tpu.memory_space<vmem>> -> memref<1000xf32, #tpu.memory_space<vmem>>
        %dma_start3A_965 = tpu.memref_slice %arg3[%multiple_of3A_962] : memref<1000000xf32, #tpu.memory_space<hbm>> -> memref<1000xf32, #tpu.memory_space<hbm>>
        %dma_start3A_966 = arith.constant 31000 : i32
        %dma_start3A_967 = tpu.memref_slice %arg6[%dma_start3A_966] : memref<32000xf32, #tpu.memory_space<vmem>> -> memref<1000xf32, #tpu.memory_space<vmem>>
        %dma_start3A_968 = tpu.memref_slice %arg3[%multiple_of3A_962] : memref<1000000xf32, #tpu.memory_space<hbm>> -> memref<1000xf32, #tpu.memory_space<hbm>>
        tpu.enqueue_dma source(%dma_start3A_968 : memref<1000xf32, #tpu.memory_space<hbm>>) target(%dma_start3A_967 : memref<1000xf32, #tpu.memory_space<vmem>>) target_semaphore(%arg8 : memref<!tpu.dma_semaphore, #tpu.memory_space<semaphore_mem>>)
      } else {
      }
      %add3A_634 = arith.constant 1 : i32
      %add3A_635 = arith.addi %add3A_614, %add3A_634 : i32
      %mul3A_636 = arith.constant 32 : i32
      %mul3A_637 = arith.muli %add3A_635, %mul3A_636 : i32
      %add3A_638 = arith.addi %mul3A_2, %mul3A_637 : i32
      %mul3A_639 = arith.constant 1000 : i32
      %mul3A_640 = arith.muli %add3A_638, %mul3A_639 : i32
      %multiple_of3A_641 = tpu.assume_multiple %mul3A_640, 8 : i32
      %dma_wait3A_642 = tpu.memref_slice %arg4[%multiple_of3A_641] : memref<51200000xf32, #tpu.memory_space<hbm>> -> memref<32000xf32, #tpu.memory_space<hbm>>
      %dma_wait3A_643 = tpu.memref_slice %arg4[%multiple_of3A_641] : memref<51200000xf32, #tpu.memory_space<hbm>> -> memref<32000xf32, #tpu.memory_space<hbm>>
      tpu.wait_dma2 semaphore(%arg9 : memref<!tpu.dma_semaphore, #tpu.memory_space<semaphore_mem>>) src(%dma_wait3A_643 : memref<32000xf32, #tpu.memory_space<hbm>>) dst(%arg7 : memref<32000xf32, #tpu.memory_space<vmem>>)
      %mul3A_644 = arith.constant 32 : i32
      %mul3A_645 = arith.muli %add3A_635, %mul3A_644 : i32
      %add3A_646 = arith.addi %mul3A_2, %mul3A_645 : i32
      %mul3A_647 = arith.constant 1000 : i32
      %mul3A_648 = arith.muli %add3A_646, %mul3A_647 : i32
      %multiple_of3A_649 = tpu.assume_multiple %mul3A_648, 8 : i32
      "tpu.region"() ({
        %run_scoped3A = tpu.sem_alloc : memref<!tpu.dma_semaphore, #tpu.memory_space<semaphore_mem>>
        %dma_start3A_657 = tpu.memref_slice %arg4[%multiple_of3A_649] : memref<51200000xf32, #tpu.memory_space<hbm>> -> memref<32000xf32, #tpu.memory_space<hbm>>
        %dma_start3A_658 = tpu.memref_slice %arg4[%multiple_of3A_649] : memref<51200000xf32, #tpu.memory_space<hbm>> -> memref<32000xf32, #tpu.memory_space<hbm>>
        tpu.enqueue_dma source(%arg7 : memref<32000xf32, #tpu.memory_space<vmem>>) target(%dma_start3A_658 : memref<32000xf32, #tpu.memory_space<hbm>>) target_semaphore(%run_scoped3A : memref<!tpu.dma_semaphore, #tpu.memory_space<semaphore_mem>>)
        %dma_wait3A_659 = tpu.memref_slice %arg4[%multiple_of3A_649] : memref<51200000xf32, #tpu.memory_space<hbm>> -> memref<32000xf32, #tpu.memory_space<hbm>>
        %dma_wait3A_660 = tpu.memref_slice %arg4[%multiple_of3A_649] : memref<51200000xf32, #tpu.memory_space<hbm>> -> memref<32000xf32, #tpu.memory_space<hbm>>
        tpu.wait_dma2 semaphore(%run_scoped3A : memref<!tpu.dma_semaphore, #tpu.memory_space<semaphore_mem>>) src(%arg7 : memref<32000xf32, #tpu.memory_space<vmem>>) dst(%dma_wait3A_660 : memref<32000xf32, #tpu.memory_space<hbm>>)
        tpu.yield
      }) : () -> ()
      %add3A_650 = arith.constant 2 : i32
      %add3A_651 = arith.addi %add3A_635, %add3A_650 : i32
      %lt3A_652 = arith.constant 50 : i32
      %lt3A_653 = arith.cmpi slt, %add3A_651, %lt3A_652 : i32
      %convert_element_type3A_654 = arith.extui %lt3A_653 : i1 to i32
      %cond3A_655 = arith.constant 0 : i32
      %cond3A_656 = arith.cmpi ne, %convert_element_type3A_654, %cond3A_655 : i32
      scf.if %cond3A_656 {
        %add3A_657 = arith.constant 2 : i32
        %add3A_658 = arith.addi %add3A_635, %add3A_657 : i32
        %mul3A_659 = arith.constant 32 : i32
        %mul3A_660 = arith.muli %add3A_658, %mul3A_659 : i32
        %add3A_661 = arith.constant 0 : i32
        %add3A_662 = arith.addi %mul3A_660, %add3A_661 : i32
        %multiple_of3A_663 = tpu.assume_multiple %add3A_662, 16 : i32
        %get3A_664 = arith.index_cast %multiple_of3A_663 : i32 to index
        %get3A_665 = tpu.vector_load %arg5[%get3A_664] {strides = array<i32>} : memref<1600xi32, #tpu.memory_space<vmem>>, vector<16xi32>,
        %get3A_666 = vector.shape_cast %get3A_665 : vector<16xi32> to vector<16xi32>
        %mul3A_667 = arith.constant 1000 : i32
        %mul3A_668 = vector.broadcast %mul3A_667 : i32 to vector<16xi32>
        %mul3A_669 = arith.muli %get3A_666, %mul3A_668 : vector<16xi32>
        %slice3A_670 = vector.extract_strided_slice %mul3A_669 {offsets = [0], sizes = [1], strides = [1]} : vector<16xi32> to vector<1xi32>
        %squeeze3A_671 = vector.extract %slice3A_670[0] : i32 from vector<1xi32>
        %multiple_of3A_672 = tpu.assume_multiple %squeeze3A_671, 8 : i32
        %dma_start3A_673 = arith.constant 0 : i32
        %dma_start3A_674 = tpu.memref_slice %arg7[%dma_start3A_673] : memref<32000xf32, #tpu.memory_space<vmem>> -> memref<1000xf32, #tpu.memory_space<vmem>>
        %dma_start3A_675 = tpu.memref_slice %arg3[%multiple_of3A_672] : memref<1000000xf32, #tpu.memory_space<hbm>> -> memref<1000xf32, #tpu.memory_space<hbm>>
        %dma_start3A_676 = arith.constant 0 : i32
        %dma_start3A_677 = tpu.memref_slice %arg7[%dma_start3A_676] : memref<32000xf32, #tpu.memory_space<vmem>> -> memref<1000xf32, #tpu.memory_space<vmem>>
        %dma_start3A_678 = tpu.memref_slice %arg3[%multiple_of3A_672] : memref<1000000xf32, #tpu.memory_space<hbm>> -> memref<1000xf32, #tpu.memory_space<hbm>>
        tpu.enqueue_dma source(%dma_start3A_678 : memref<1000xf32, #tpu.memory_space<hbm>>) target(%dma_start3A_677 : memref<1000xf32, #tpu.memory_space<vmem>>) target_semaphore(%arg9 : memref<!tpu.dma_semaphore, #tpu.memory_space<semaphore_mem>>)
        %slice3A_679 = vector.extract_strided_slice %mul3A_669 {offsets = [1], sizes = [1], strides = [1]} : vector<16xi32> to vector<1xi32>
        %squeeze3A_680 = vector.extract %slice3A_679[0] : i32 from vector<1xi32>
        %multiple_of3A_681 = tpu.assume_multiple %squeeze3A_680, 8 : i32
        %dma_start3A_682 = arith.constant 1000 : i32
        %dma_start3A_683 = tpu.memref_slice %arg7[%dma_start3A_682] : memref<32000xf32, #tpu.memory_space<vmem>> -> memref<1000xf32, #tpu.memory_space<vmem>>
        %dma_start3A_684 = tpu.memref_slice %arg3[%multiple_of3A_681] : memref<1000000xf32, #tpu.memory_space<hbm>> -> memref<1000xf32, #tpu.memory_space<hbm>>
        %dma_start3A_685 = arith.constant 1000 : i32
        %dma_start3A_686 = tpu.memref_slice %arg7[%dma_start3A_685] : memref<32000xf32, #tpu.memory_space<vmem>> -> memref<1000xf32, #tpu.memory_space<vmem>>
        %dma_start3A_687 = tpu.memref_slice %arg3[%multiple_of3A_681] : memref<1000000xf32, #tpu.memory_space<hbm>> -> memref<1000xf32, #tpu.memory_space<hbm>>
        tpu.enqueue_dma source(%dma_start3A_687 : memref<1000xf32, #tpu.memory_space<hbm>>) target(%dma_start3A_686 : memref<1000xf32, #tpu.memory_space<vmem>>) target_semaphore(%arg9 : memref<!tpu.dma_semaphore, #tpu.memory_space<semaphore_mem>>)
        %slice3A_688 = vector.extract_strided_slice %mul3A_669 {offsets = [2], sizes = [1], strides = [1]} : vector<16xi32> to vector<1xi32>
        %squeeze3A_689 = vector.extract %slice3A_688[0] : i32 from vector<1xi32>
        %multiple_of3A_690 = tpu.assume_multiple %squeeze3A_689, 8 : i32
        %dma_start3A_691 = arith.constant 2000 : i32
        %dma_start3A_692 = tpu.memref_slice %arg7[%dma_start3A_691] : memref<32000xf32, #tpu.memory_space<vmem>> -> memref<1000xf32, #tpu.memory_space<vmem>>
        %dma_start3A_693 = tpu.memref_slice %arg3[%multiple_of3A_690] : memref<1000000xf32, #tpu.memory_space<hbm>> -> memref<1000xf32, #tpu.memory_space<hbm>>
        %dma_start3A_694 = arith.constant 2000 : i32
        %dma_start3A_695 = tpu.memref_slice %arg7[%dma_start3A_694] : memref<32000xf32, #tpu.memory_space<vmem>> -> memref<1000xf32, #tpu.memory_space<vmem>>
        %dma_start3A_696 = tpu.memref_slice %arg3[%multiple_of3A_690] : memref<1000000xf32, #tpu.memory_space<hbm>> -> memref<1000xf32, #tpu.memory_space<hbm>>
        tpu.enqueue_dma source(%dma_start3A_696 : memref<1000xf32, #tpu.memory_space<hbm>>) target(%dma_start3A_695 : memref<1000xf32, #tpu.memory_space<vmem>>) target_semaphore(%arg9 : memref<!tpu.dma_semaphore, #tpu.memory_space<semaphore_mem>>)
        %slice3A_697 = vector.extract_strided_slice %mul3A_669 {offsets = [3], sizes = [1], strides = [1]} : vector<16xi32> to vector<1xi32>
        %squeeze3A_698 = vector.extract %slice3A_697[0] : i32 from vector<1xi32>
        %multiple_of3A_699 = tpu.assume_multiple %squeeze3A_698, 8 : i32
        %dma_start3A_700 = arith.constant 3000 : i32
        %dma_start3A_701 = tpu.memref_slice %arg7[%dma_start3A_700] : memref<32000xf32, #tpu.memory_space<vmem>> -> memref<1000xf32, #tpu.memory_space<vmem>>
        %dma_start3A_702 = tpu.memref_slice %arg3[%multiple_of3A_699] : memref<1000000xf32, #tpu.memory_space<hbm>> -> memref<1000xf32, #tpu.memory_space<hbm>>
        %dma_start3A_703 = arith.constant 3000 : i32
        %dma_start3A_704 = tpu.memref_slice %arg7[%dma_start3A_703] : memref<32000xf32, #tpu.memory_space<vmem>> -> memref<1000xf32, #tpu.memory_space<vmem>>
        %dma_start3A_705 = tpu.memref_slice %arg3[%multiple_of3A_699] : memref<1000000xf32, #tpu.memory_space<hbm>> -> memref<1000xf32, #tpu.memory_space<hbm>>
        tpu.enqueue_dma source(%dma_start3A_705 : memref<1000xf32, #tpu.memory_space<hbm>>) target(%dma_start3A_704 : memref<1000xf32, #tpu.memory_space<vmem>>) target_semaphore(%arg9 : memref<!tpu.dma_semaphore, #tpu.memory_space<semaphore_mem>>)
        %slice3A_706 = vector.extract_strided_slice %mul3A_669 {offsets = [4], sizes = [1], strides = [1]} : vector<16xi32> to vector<1xi32>
        %squeeze3A_707 = vector.extract %slice3A_706[0] : i32 from vector<1xi32>
        %multiple_of3A_708 = tpu.assume_multiple %squeeze3A_707, 8 : i32
        %dma_start3A_709 = arith.constant 4000 : i32
        %dma_start3A_710 = tpu.memref_slice %arg7[%dma_start3A_709] : memref<32000xf32, #tpu.memory_space<vmem>> -> memref<1000xf32, #tpu.memory_space<vmem>>
        %dma_start3A_711 = tpu.memref_slice %arg3[%multiple_of3A_708] : memref<1000000xf32, #tpu.memory_space<hbm>> -> memref<1000xf32, #tpu.memory_space<hbm>>
        %dma_start3A_712 = arith.constant 4000 : i32
        %dma_start3A_713 = tpu.memref_slice %arg7[%dma_start3A_712] : memref<32000xf32, #tpu.memory_space<vmem>> -> memref<1000xf32, #tpu.memory_space<vmem>>
        %dma_start3A_714 = tpu.memref_slice %arg3[%multiple_of3A_708] : memref<1000000xf32, #tpu.memory_space<hbm>> -> memref<1000xf32, #tpu.memory_space<hbm>>
        tpu.enqueue_dma source(%dma_start3A_714 : memref<1000xf32, #tpu.memory_space<hbm>>) target(%dma_start3A_713 : memref<1000xf32, #tpu.memory_space<vmem>>) target_semaphore(%arg9 : memref<!tpu.dma_semaphore, #tpu.memory_space<semaphore_mem>>)
        %slice3A_715 = vector.extract_strided_slice %mul3A_669 {offsets = [5], sizes = [1], strides = [1]} : vector<16xi32> to vector<1xi32>
        %squeeze3A_716 = vector.extract %slice3A_715[0] : i32 from vector<1xi32>
        %multiple_of3A_717 = tpu.assume_multiple %squeeze3A_716, 8 : i32
        %dma_start3A_718 = arith.constant 5000 : i32
        %dma_start3A_719 = tpu.memref_slice %arg7[%dma_start3A_718] : memref<32000xf32, #tpu.memory_space<vmem>> -> memref<1000xf32, #tpu.memory_space<vmem>>
        %dma_start3A_720 = tpu.memref_slice %arg3[%multiple_of3A_717] : memref<1000000xf32, #tpu.memory_space<hbm>> -> memref<1000xf32, #tpu.memory_space<hbm>>
        %dma_start3A_721 = arith.constant 5000 : i32
        %dma_start3A_722 = tpu.memref_slice %arg7[%dma_start3A_721] : memref<32000xf32, #tpu.memory_space<vmem>> -> memref<1000xf32, #tpu.memory_space<vmem>>
        %dma_start3A_723 = tpu.memref_slice %arg3[%multiple_of3A_717] : memref<1000000xf32, #tpu.memory_space<hbm>> -> memref<1000xf32, #tpu.memory_space<hbm>>
        tpu.enqueue_dma source(%dma_start3A_723 : memref<1000xf32, #tpu.memory_space<hbm>>) target(%dma_start3A_722 : memref<1000xf32, #tpu.memory_space<vmem>>) target_semaphore(%arg9 : memref<!tpu.dma_semaphore, #tpu.memory_space<semaphore_mem>>)
        %slice3A_724 = vector.extract_strided_slice %mul3A_669 {offsets = [6], sizes = [1], strides = [1]} : vector<16xi32> to vector<1xi32>
        %squeeze3A_725 = vector.extract %slice3A_724[0] : i32 from vector<1xi32>
        %multiple_of3A_726 = tpu.assume_multiple %squeeze3A_725, 8 : i32
        %dma_start3A_727 = arith.constant 6000 : i32
        %dma_start3A_728 = tpu.memref_slice %arg7[%dma_start3A_727] : memref<32000xf32, #tpu.memory_space<vmem>> -> memref<1000xf32, #tpu.memory_space<vmem>>
        %dma_start3A_729 = tpu.memref_slice %arg3[%multiple_of3A_726] : memref<1000000xf32, #tpu.memory_space<hbm>> -> memref<1000xf32, #tpu.memory_space<hbm>>
        %dma_start3A_730 = arith.constant 6000 : i32
        %dma_start3A_731 = tpu.memref_slice %arg7[%dma_start3A_730] : memref<32000xf32, #tpu.memory_space<vmem>> -> memref<1000xf32, #tpu.memory_space<vmem>>
        %dma_start3A_732 = tpu.memref_slice %arg3[%multiple_of3A_726] : memref<1000000xf32, #tpu.memory_space<hbm>> -> memref<1000xf32, #tpu.memory_space<hbm>>
        tpu.enqueue_dma source(%dma_start3A_732 : memref<1000xf32, #tpu.memory_space<hbm>>) target(%dma_start3A_731 : memref<1000xf32, #tpu.memory_space<vmem>>) target_semaphore(%arg9 : memref<!tpu.dma_semaphore, #tpu.memory_space<semaphore_mem>>)
        %slice3A_733 = vector.extract_strided_slice %mul3A_669 {offsets = [7], sizes = [1], strides = [1]} : vector<16xi32> to vector<1xi32>
        %squeeze3A_734 = vector.extract %slice3A_733[0] : i32 from vector<1xi32>
        %multiple_of3A_735 = tpu.assume_multiple %squeeze3A_734, 8 : i32
        %dma_start3A_736 = arith.constant 7000 : i32
        %dma_start3A_737 = tpu.memref_slice %arg7[%dma_start3A_736] : memref<32000xf32, #tpu.memory_space<vmem>> -> memref<1000xf32, #tpu.memory_space<vmem>>
        %dma_start3A_738 = tpu.memref_slice %arg3[%multiple_of3A_735] : memref<1000000xf32, #tpu.memory_space<hbm>> -> memref<1000xf32, #tpu.memory_space<hbm>>
        %dma_start3A_739 = arith.constant 7000 : i32
        %dma_start3A_740 = tpu.memref_slice %arg7[%dma_start3A_739] : memref<32000xf32, #tpu.memory_space<vmem>> -> memref<1000xf32, #tpu.memory_space<vmem>>
        %dma_start3A_741 = tpu.memref_slice %arg3[%multiple_of3A_735] : memref<1000000xf32, #tpu.memory_space<hbm>> -> memref<1000xf32, #tpu.memory_space<hbm>>
        tpu.enqueue_dma source(%dma_start3A_741 : memref<1000xf32, #tpu.memory_space<hbm>>) target(%dma_start3A_740 : memref<1000xf32, #tpu.memory_space<vmem>>) target_semaphore(%arg9 : memref<!tpu.dma_semaphore, #tpu.memory_space<semaphore_mem>>)
        %slice3A_742 = vector.extract_strided_slice %mul3A_669 {offsets = [8], sizes = [1], strides = [1]} : vector<16xi32> to vector<1xi32>
        %squeeze3A_743 = vector.extract %slice3A_742[0] : i32 from vector<1xi32>
        %multiple_of3A_744 = tpu.assume_multiple %squeeze3A_743, 8 : i32
        %dma_start3A_745 = arith.constant 8000 : i32
        %dma_start3A_746 = tpu.memref_slice %arg7[%dma_start3A_745] : memref<32000xf32, #tpu.memory_space<vmem>> -> memref<1000xf32, #tpu.memory_space<vmem>>
        %dma_start3A_747 = tpu.memref_slice %arg3[%multiple_of3A_744] : memref<1000000xf32, #tpu.memory_space<hbm>> -> memref<1000xf32, #tpu.memory_space<hbm>>
        %dma_start3A_748 = arith.constant 8000 : i32
        %dma_start3A_749 = tpu.memref_slice %arg7[%dma_start3A_748] : memref<32000xf32, #tpu.memory_space<vmem>> -> memref<1000xf32, #tpu.memory_space<vmem>>
        %dma_start3A_750 = tpu.memref_slice %arg3[%multiple_of3A_744] : memref<1000000xf32, #tpu.memory_space<hbm>> -> memref<1000xf32, #tpu.memory_space<hbm>>
        tpu.enqueue_dma source(%dma_start3A_750 : memref<1000xf32, #tpu.memory_space<hbm>>) target(%dma_start3A_749 : memref<1000xf32, #tpu.memory_space<vmem>>) target_semaphore(%arg9 : memref<!tpu.dma_semaphore, #tpu.memory_space<semaphore_mem>>)
        %slice3A_751 = vector.extract_strided_slice %mul3A_669 {offsets = [9], sizes = [1], strides = [1]} : vector<16xi32> to vector<1xi32>
        %squeeze3A_752 = vector.extract %slice3A_751[0] : i32 from vector<1xi32>
        %multiple_of3A_753 = tpu.assume_multiple %squeeze3A_752, 8 : i32
        %dma_start3A_754 = arith.constant 9000 : i32
        %dma_start3A_755 = tpu.memref_slice %arg7[%dma_start3A_754] : memref<32000xf32, #tpu.memory_space<vmem>> -> memref<1000xf32, #tpu.memory_space<vmem>>
        %dma_start3A_756 = tpu.memref_slice %arg3[%multiple_of3A_753] : memref<1000000xf32, #tpu.memory_space<hbm>> -> memref<1000xf32, #tpu.memory_space<hbm>>
        %dma_start3A_757 = arith.constant 9000 : i32
        %dma_start3A_758 = tpu.memref_slice %arg7[%dma_start3A_757] : memref<32000xf32, #tpu.memory_space<vmem>> -> memref<1000xf32, #tpu.memory_space<vmem>>
        %dma_start3A_759 = tpu.memref_slice %arg3[%multiple_of3A_753] : memref<1000000xf32, #tpu.memory_space<hbm>> -> memref<1000xf32, #tpu.memory_space<hbm>>
        tpu.enqueue_dma source(%dma_start3A_759 : memref<1000xf32, #tpu.memory_space<hbm>>) target(%dma_start3A_758 : memref<1000xf32, #tpu.memory_space<vmem>>) target_semaphore(%arg9 : memref<!tpu.dma_semaphore, #tpu.memory_space<semaphore_mem>>)
        %slice3A_760 = vector.extract_strided_slice %mul3A_669 {offsets = [10], sizes = [1], strides = [1]} : vector<16xi32> to vector<1xi32>
        %squeeze3A_761 = vector.extract %slice3A_760[0] : i32 from vector<1xi32>
        %multiple_of3A_762 = tpu.assume_multiple %squeeze3A_761, 8 : i32
        %dma_start3A_763 = arith.constant 10000 : i32
        %dma_start3A_764 = tpu.memref_slice %arg7[%dma_start3A_763] : memref<32000xf32, #tpu.memory_space<vmem>> -> memref<1000xf32, #tpu.memory_space<vmem>>
        %dma_start3A_765 = tpu.memref_slice %arg3[%multiple_of3A_762] : memref<1000000xf32, #tpu.memory_space<hbm>> -> memref<1000xf32, #tpu.memory_space<hbm>>
        %dma_start3A_766 = arith.constant 10000 : i32
        %dma_start3A_767 = tpu.memref_slice %arg7[%dma_start3A_766] : memref<32000xf32, #tpu.memory_space<vmem>> -> memref<1000xf32, #tpu.memory_space<vmem>>
        %dma_start3A_768 = tpu.memref_slice %arg3[%multiple_of3A_762] : memref<1000000xf32, #tpu.memory_space<hbm>> -> memref<1000xf32, #tpu.memory_space<hbm>>
        tpu.enqueue_dma source(%dma_start3A_768 : memref<1000xf32, #tpu.memory_space<hbm>>) target(%dma_start3A_767 : memref<1000xf32, #tpu.memory_space<vmem>>) target_semaphore(%arg9 : memref<!tpu.dma_semaphore, #tpu.memory_space<semaphore_mem>>)
        %slice3A_769 = vector.extract_strided_slice %mul3A_669 {offsets = [11], sizes = [1], strides = [1]} : vector<16xi32> to vector<1xi32>
        %squeeze3A_770 = vector.extract %slice3A_769[0] : i32 from vector<1xi32>
        %multiple_of3A_771 = tpu.assume_multiple %squeeze3A_770, 8 : i32
        %dma_start3A_772 = arith.constant 11000 : i32
        %dma_start3A_773 = tpu.memref_slice %arg7[%dma_start3A_772] : memref<32000xf32, #tpu.memory_space<vmem>> -> memref<1000xf32, #tpu.memory_space<vmem>>
        %dma_start3A_774 = tpu.memref_slice %arg3[%multiple_of3A_771] : memref<1000000xf32, #tpu.memory_space<hbm>> -> memref<1000xf32, #tpu.memory_space<hbm>>
        %dma_start3A_775 = arith.constant 11000 : i32
        %dma_start3A_776 = tpu.memref_slice %arg7[%dma_start3A_775] : memref<32000xf32, #tpu.memory_space<vmem>> -> memref<1000xf32, #tpu.memory_space<vmem>>
        %dma_start3A_777 = tpu.memref_slice %arg3[%multiple_of3A_771] : memref<1000000xf32, #tpu.memory_space<hbm>> -> memref<1000xf32, #tpu.memory_space<hbm>>
        tpu.enqueue_dma source(%dma_start3A_777 : memref<1000xf32, #tpu.memory_space<hbm>>) target(%dma_start3A_776 : memref<1000xf32, #tpu.memory_space<vmem>>) target_semaphore(%arg9 : memref<!tpu.dma_semaphore, #tpu.memory_space<semaphore_mem>>)
        %slice3A_778 = vector.extract_strided_slice %mul3A_669 {offsets = [12], sizes = [1], strides = [1]} : vector<16xi32> to vector<1xi32>
        %squeeze3A_779 = vector.extract %slice3A_778[0] : i32 from vector<1xi32>
        %multiple_of3A_780 = tpu.assume_multiple %squeeze3A_779, 8 : i32
        %dma_start3A_781 = arith.constant 12000 : i32
        %dma_start3A_782 = tpu.memref_slice %arg7[%dma_start3A_781] : memref<32000xf32, #tpu.memory_space<vmem>> -> memref<1000xf32, #tpu.memory_space<vmem>>
        %dma_start3A_783 = tpu.memref_slice %arg3[%multiple_of3A_780] : memref<1000000xf32, #tpu.memory_space<hbm>> -> memref<1000xf32, #tpu.memory_space<hbm>>
        %dma_start3A_784 = arith.constant 12000 : i32
        %dma_start3A_785 = tpu.memref_slice %arg7[%dma_start3A_784] : memref<32000xf32, #tpu.memory_space<vmem>> -> memref<1000xf32, #tpu.memory_space<vmem>>
        %dma_start3A_786 = tpu.memref_slice %arg3[%multiple_of3A_780] : memref<1000000xf32, #tpu.memory_space<hbm>> -> memref<1000xf32, #tpu.memory_space<hbm>>
        tpu.enqueue_dma source(%dma_start3A_786 : memref<1000xf32, #tpu.memory_space<hbm>>) target(%dma_start3A_785 : memref<1000xf32, #tpu.memory_space<vmem>>) target_semaphore(%arg9 : memref<!tpu.dma_semaphore, #tpu.memory_space<semaphore_mem>>)
        %slice3A_787 = vector.extract_strided_slice %mul3A_669 {offsets = [13], sizes = [1], strides = [1]} : vector<16xi32> to vector<1xi32>
        %squeeze3A_788 = vector.extract %slice3A_787[0] : i32 from vector<1xi32>
        %multiple_of3A_789 = tpu.assume_multiple %squeeze3A_788, 8 : i32
        %dma_start3A_790 = arith.constant 13000 : i32
        %dma_start3A_791 = tpu.memref_slice %arg7[%dma_start3A_790] : memref<32000xf32, #tpu.memory_space<vmem>> -> memref<1000xf32, #tpu.memory_space<vmem>>
        %dma_start3A_792 = tpu.memref_slice %arg3[%multiple_of3A_789] : memref<1000000xf32, #tpu.memory_space<hbm>> -> memref<1000xf32, #tpu.memory_space<hbm>>
        %dma_start3A_793 = arith.constant 13000 : i32
        %dma_start3A_794 = tpu.memref_slice %arg7[%dma_start3A_793] : memref<32000xf32, #tpu.memory_space<vmem>> -> memref<1000xf32, #tpu.memory_space<vmem>>
        %dma_start3A_795 = tpu.memref_slice %arg3[%multiple_of3A_789] : memref<1000000xf32, #tpu.memory_space<hbm>> -> memref<1000xf32, #tpu.memory_space<hbm>>
        tpu.enqueue_dma source(%dma_start3A_795 : memref<1000xf32, #tpu.memory_space<hbm>>) target(%dma_start3A_794 : memref<1000xf32, #tpu.memory_space<vmem>>) target_semaphore(%arg9 : memref<!tpu.dma_semaphore, #tpu.memory_space<semaphore_mem>>)
        %slice3A_796 = vector.extract_strided_slice %mul3A_669 {offsets = [14], sizes = [1], strides = [1]} : vector<16xi32> to vector<1xi32>
        %squeeze3A_797 = vector.extract %slice3A_796[0] : i32 from vector<1xi32>
        %multiple_of3A_798 = tpu.assume_multiple %squeeze3A_797, 8 : i32
        %dma_start3A_799 = arith.constant 14000 : i32
        %dma_start3A_800 = tpu.memref_slice %arg7[%dma_start3A_799] : memref<32000xf32, #tpu.memory_space<vmem>> -> memref<1000xf32, #tpu.memory_space<vmem>>
        %dma_start3A_801 = tpu.memref_slice %arg3[%multiple_of3A_798] : memref<1000000xf32, #tpu.memory_space<hbm>> -> memref<1000xf32, #tpu.memory_space<hbm>>
        %dma_start3A_802 = arith.constant 14000 : i32
        %dma_start3A_803 = tpu.memref_slice %arg7[%dma_start3A_802] : memref<32000xf32, #tpu.memory_space<vmem>> -> memref<1000xf32, #tpu.memory_space<vmem>>
        %dma_start3A_804 = tpu.memref_slice %arg3[%multiple_of3A_798] : memref<1000000xf32, #tpu.memory_space<hbm>> -> memref<1000xf32, #tpu.memory_space<hbm>>
        tpu.enqueue_dma source(%dma_start3A_804 : memref<1000xf32, #tpu.memory_space<hbm>>) target(%dma_start3A_803 : memref<1000xf32, #tpu.memory_space<vmem>>) target_semaphore(%arg9 : memref<!tpu.dma_semaphore, #tpu.memory_space<semaphore_mem>>)
        %slice3A_805 = vector.extract_strided_slice %mul3A_669 {offsets = [15], sizes = [1], strides = [1]} : vector<16xi32> to vector<1xi32>
        %squeeze3A_806 = vector.extract %slice3A_805[0] : i32 from vector<1xi32>
        %multiple_of3A_807 = tpu.assume_multiple %squeeze3A_806, 8 : i32
        %dma_start3A_808 = arith.constant 15000 : i32
        %dma_start3A_809 = tpu.memref_slice %arg7[%dma_start3A_808] : memref<32000xf32, #tpu.memory_space<vmem>> -> memref<1000xf32, #tpu.memory_space<vmem>>
        %dma_start3A_810 = tpu.memref_slice %arg3[%multiple_of3A_807] : memref<1000000xf32, #tpu.memory_space<hbm>> -> memref<1000xf32, #tpu.memory_space<hbm>>
        %dma_start3A_811 = arith.constant 15000 : i32
        %dma_start3A_812 = tpu.memref_slice %arg7[%dma_start3A_811] : memref<32000xf32, #tpu.memory_space<vmem>> -> memref<1000xf32, #tpu.memory_space<vmem>>
        %dma_start3A_813 = tpu.memref_slice %arg3[%multiple_of3A_807] : memref<1000000xf32, #tpu.memory_space<hbm>> -> memref<1000xf32, #tpu.memory_space<hbm>>
        tpu.enqueue_dma source(%dma_start3A_813 : memref<1000xf32, #tpu.memory_space<hbm>>) target(%dma_start3A_812 : memref<1000xf32, #tpu.memory_space<vmem>>) target_semaphore(%arg9 : memref<!tpu.dma_semaphore, #tpu.memory_space<semaphore_mem>>)
        %mul3A_814 = arith.constant 32 : i32
        %mul3A_815 = arith.muli %add3A_658, %mul3A_814 : i32
        %add3A_816 = arith.constant 16 : i32
        %add3A_817 = arith.addi %mul3A_815, %add3A_816 : i32
        %multiple_of3A_818 = tpu.assume_multiple %add3A_817, 16 : i32
        %get3A_819 = arith.index_cast %multiple_of3A_818 : i32 to index
        %get3A_820 = tpu.vector_load %arg5[%get3A_819] {strides = array<i32>} : memref<1600xi32, #tpu.memory_space<vmem>>, vector<16xi32>,
        %get3A_821 = vector.shape_cast %get3A_820 : vector<16xi32> to vector<16xi32>
        %mul3A_822 = arith.constant 1000 : i32
        %mul3A_823 = vector.broadcast %mul3A_822 : i32 to vector<16xi32>
        %mul3A_824 = arith.muli %get3A_821, %mul3A_823 : vector<16xi32>
        %slice3A_825 = vector.extract_strided_slice %mul3A_824 {offsets = [0], sizes = [1], strides = [1]} : vector<16xi32> to vector<1xi32>
        %squeeze3A_826 = vector.extract %slice3A_825[0] : i32 from vector<1xi32>
        %multiple_of3A_827 = tpu.assume_multiple %squeeze3A_826, 8 : i32
        %dma_start3A_828 = arith.constant 16000 : i32
        %dma_start3A_829 = tpu.memref_slice %arg7[%dma_start3A_828] : memref<32000xf32, #tpu.memory_space<vmem>> -> memref<1000xf32, #tpu.memory_space<vmem>>
        %dma_start3A_830 = tpu.memref_slice %arg3[%multiple_of3A_827] : memref<1000000xf32, #tpu.memory_space<hbm>> -> memref<1000xf32, #tpu.memory_space<hbm>>
        %dma_start3A_831 = arith.constant 16000 : i32
        %dma_start3A_832 = tpu.memref_slice %arg7[%dma_start3A_831] : memref<32000xf32, #tpu.memory_space<vmem>> -> memref<1000xf32, #tpu.memory_space<vmem>>
        %dma_start3A_833 = tpu.memref_slice %arg3[%multiple_of3A_827] : memref<1000000xf32, #tpu.memory_space<hbm>> -> memref<1000xf32, #tpu.memory_space<hbm>>
        tpu.enqueue_dma source(%dma_start3A_833 : memref<1000xf32, #tpu.memory_space<hbm>>) target(%dma_start3A_832 : memref<1000xf32, #tpu.memory_space<vmem>>) target_semaphore(%arg9 : memref<!tpu.dma_semaphore, #tpu.memory_space<semaphore_mem>>)
        %slice3A_834 = vector.extract_strided_slice %mul3A_824 {offsets = [1], sizes = [1], strides = [1]} : vector<16xi32> to vector<1xi32>
        %squeeze3A_835 = vector.extract %slice3A_834[0] : i32 from vector<1xi32>
        %multiple_of3A_836 = tpu.assume_multiple %squeeze3A_835, 8 : i32
        %dma_start3A_837 = arith.constant 17000 : i32
        %dma_start3A_838 = tpu.memref_slice %arg7[%dma_start3A_837] : memref<32000xf32, #tpu.memory_space<vmem>> -> memref<1000xf32, #tpu.memory_space<vmem>>
        %dma_start3A_839 = tpu.memref_slice %arg3[%multiple_of3A_836] : memref<1000000xf32, #tpu.memory_space<hbm>> -> memref<1000xf32, #tpu.memory_space<hbm>>
        %dma_start3A_840 = arith.constant 17000 : i32
        %dma_start3A_841 = tpu.memref_slice %arg7[%dma_start3A_840] : memref<32000xf32, #tpu.memory_space<vmem>> -> memref<1000xf32, #tpu.memory_space<vmem>>
        %dma_start3A_842 = tpu.memref_slice %arg3[%multiple_of3A_836] : memref<1000000xf32, #tpu.memory_space<hbm>> -> memref<1000xf32, #tpu.memory_space<hbm>>
        tpu.enqueue_dma source(%dma_start3A_842 : memref<1000xf32, #tpu.memory_space<hbm>>) target(%dma_start3A_841 : memref<1000xf32, #tpu.memory_space<vmem>>) target_semaphore(%arg9 : memref<!tpu.dma_semaphore, #tpu.memory_space<semaphore_mem>>)
        %slice3A_843 = vector.extract_strided_slice %mul3A_824 {offsets = [2], sizes = [1], strides = [1]} : vector<16xi32> to vector<1xi32>
        %squeeze3A_844 = vector.extract %slice3A_843[0] : i32 from vector<1xi32>
        %multiple_of3A_845 = tpu.assume_multiple %squeeze3A_844, 8 : i32
        %dma_start3A_846 = arith.constant 18000 : i32
        %dma_start3A_847 = tpu.memref_slice %arg7[%dma_start3A_846] : memref<32000xf32, #tpu.memory_space<vmem>> -> memref<1000xf32, #tpu.memory_space<vmem>>
        %dma_start3A_848 = tpu.memref_slice %arg3[%multiple_of3A_845] : memref<1000000xf32, #tpu.memory_space<hbm>> -> memref<1000xf32, #tpu.memory_space<hbm>>
        %dma_start3A_849 = arith.constant 18000 : i32
        %dma_start3A_850 = tpu.memref_slice %arg7[%dma_start3A_849] : memref<32000xf32, #tpu.memory_space<vmem>> -> memref<1000xf32, #tpu.memory_space<vmem>>
        %dma_start3A_851 = tpu.memref_slice %arg3[%multiple_of3A_845] : memref<1000000xf32, #tpu.memory_space<hbm>> -> memref<1000xf32, #tpu.memory_space<hbm>>
        tpu.enqueue_dma source(%dma_start3A_851 : memref<1000xf32, #tpu.memory_space<hbm>>) target(%dma_start3A_850 : memref<1000xf32, #tpu.memory_space<vmem>>) target_semaphore(%arg9 : memref<!tpu.dma_semaphore, #tpu.memory_space<semaphore_mem>>)
        %slice3A_852 = vector.extract_strided_slice %mul3A_824 {offsets = [3], sizes = [1], strides = [1]} : vector<16xi32> to vector<1xi32>
        %squeeze3A_853 = vector.extract %slice3A_852[0] : i32 from vector<1xi32>
        %multiple_of3A_854 = tpu.assume_multiple %squeeze3A_853, 8 : i32
        %dma_start3A_855 = arith.constant 19000 : i32
        %dma_start3A_856 = tpu.memref_slice %arg7[%dma_start3A_855] : memref<32000xf32, #tpu.memory_space<vmem>> -> memref<1000xf32, #tpu.memory_space<vmem>>
        %dma_start3A_857 = tpu.memref_slice %arg3[%multiple_of3A_854] : memref<1000000xf32, #tpu.memory_space<hbm>> -> memref<1000xf32, #tpu.memory_space<hbm>>
        %dma_start3A_858 = arith.constant 19000 : i32
        %dma_start3A_859 = tpu.memref_slice %arg7[%dma_start3A_858] : memref<32000xf32, #tpu.memory_space<vmem>> -> memref<1000xf32, #tpu.memory_space<vmem>>
        %dma_start3A_860 = tpu.memref_slice %arg3[%multiple_of3A_854] : memref<1000000xf32, #tpu.memory_space<hbm>> -> memref<1000xf32, #tpu.memory_space<hbm>>
        tpu.enqueue_dma source(%dma_start3A_860 : memref<1000xf32, #tpu.memory_space<hbm>>) target(%dma_start3A_859 : memref<1000xf32, #tpu.memory_space<vmem>>) target_semaphore(%arg9 : memref<!tpu.dma_semaphore, #tpu.memory_space<semaphore_mem>>)
        %slice3A_861 = vector.extract_strided_slice %mul3A_824 {offsets = [4], sizes = [1], strides = [1]} : vector<16xi32> to vector<1xi32>
        %squeeze3A_862 = vector.extract %slice3A_861[0] : i32 from vector<1xi32>
        %multiple_of3A_863 = tpu.assume_multiple %squeeze3A_862, 8 : i32
        %dma_start3A_864 = arith.constant 20000 : i32
        %dma_start3A_865 = tpu.memref_slice %arg7[%dma_start3A_864] : memref<32000xf32, #tpu.memory_space<vmem>> -> memref<1000xf32, #tpu.memory_space<vmem>>
        %dma_start3A_866 = tpu.memref_slice %arg3[%multiple_of3A_863] : memref<1000000xf32, #tpu.memory_space<hbm>> -> memref<1000xf32, #tpu.memory_space<hbm>>
        %dma_start3A_867 = arith.constant 20000 : i32
        %dma_start3A_868 = tpu.memref_slice %arg7[%dma_start3A_867] : memref<32000xf32, #tpu.memory_space<vmem>> -> memref<1000xf32, #tpu.memory_space<vmem>>
        %dma_start3A_869 = tpu.memref_slice %arg3[%multiple_of3A_863] : memref<1000000xf32, #tpu.memory_space<hbm>> -> memref<1000xf32, #tpu.memory_space<hbm>>
        tpu.enqueue_dma source(%dma_start3A_869 : memref<1000xf32, #tpu.memory_space<hbm>>) target(%dma_start3A_868 : memref<1000xf32, #tpu.memory_space<vmem>>) target_semaphore(%arg9 : memref<!tpu.dma_semaphore, #tpu.memory_space<semaphore_mem>>)
        %slice3A_870 = vector.extract_strided_slice %mul3A_824 {offsets = [5], sizes = [1], strides = [1]} : vector<16xi32> to vector<1xi32>
        %squeeze3A_871 = vector.extract %slice3A_870[0] : i32 from vector<1xi32>
        %multiple_of3A_872 = tpu.assume_multiple %squeeze3A_871, 8 : i32
        %dma_start3A_873 = arith.constant 21000 : i32
        %dma_start3A_874 = tpu.memref_slice %arg7[%dma_start3A_873] : memref<32000xf32, #tpu.memory_space<vmem>> -> memref<1000xf32, #tpu.memory_space<vmem>>
        %dma_start3A_875 = tpu.memref_slice %arg3[%multiple_of3A_872] : memref<1000000xf32, #tpu.memory_space<hbm>> -> memref<1000xf32, #tpu.memory_space<hbm>>
        %dma_start3A_876 = arith.constant 21000 : i32
        %dma_start3A_877 = tpu.memref_slice %arg7[%dma_start3A_876] : memref<32000xf32, #tpu.memory_space<vmem>> -> memref<1000xf32, #tpu.memory_space<vmem>>
        %dma_start3A_878 = tpu.memref_slice %arg3[%multiple_of3A_872] : memref<1000000xf32, #tpu.memory_space<hbm>> -> memref<1000xf32, #tpu.memory_space<hbm>>
        tpu.enqueue_dma source(%dma_start3A_878 : memref<1000xf32, #tpu.memory_space<hbm>>) target(%dma_start3A_877 : memref<1000xf32, #tpu.memory_space<vmem>>) target_semaphore(%arg9 : memref<!tpu.dma_semaphore, #tpu.memory_space<semaphore_mem>>)
        %slice3A_879 = vector.extract_strided_slice %mul3A_824 {offsets = [6], sizes = [1], strides = [1]} : vector<16xi32> to vector<1xi32>
        %squeeze3A_880 = vector.extract %slice3A_879[0] : i32 from vector<1xi32>
        %multiple_of3A_881 = tpu.assume_multiple %squeeze3A_880, 8 : i32
        %dma_start3A_882 = arith.constant 22000 : i32
        %dma_start3A_883 = tpu.memref_slice %arg7[%dma_start3A_882] : memref<32000xf32, #tpu.memory_space<vmem>> -> memref<1000xf32, #tpu.memory_space<vmem>>
        %dma_start3A_884 = tpu.memref_slice %arg3[%multiple_of3A_881] : memref<1000000xf32, #tpu.memory_space<hbm>> -> memref<1000xf32, #tpu.memory_space<hbm>>
        %dma_start3A_885 = arith.constant 22000 : i32
        %dma_start3A_886 = tpu.memref_slice %arg7[%dma_start3A_885] : memref<32000xf32, #tpu.memory_space<vmem>> -> memref<1000xf32, #tpu.memory_space<vmem>>
        %dma_start3A_887 = tpu.memref_slice %arg3[%multiple_of3A_881] : memref<1000000xf32, #tpu.memory_space<hbm>> -> memref<1000xf32, #tpu.memory_space<hbm>>
        tpu.enqueue_dma source(%dma_start3A_887 : memref<1000xf32, #tpu.memory_space<hbm>>) target(%dma_start3A_886 : memref<1000xf32, #tpu.memory_space<vmem>>) target_semaphore(%arg9 : memref<!tpu.dma_semaphore, #tpu.memory_space<semaphore_mem>>)
        %slice3A_888 = vector.extract_strided_slice %mul3A_824 {offsets = [7], sizes = [1], strides = [1]} : vector<16xi32> to vector<1xi32>
        %squeeze3A_889 = vector.extract %slice3A_888[0] : i32 from vector<1xi32>
        %multiple_of3A_890 = tpu.assume_multiple %squeeze3A_889, 8 : i32
        %dma_start3A_891 = arith.constant 23000 : i32
        %dma_start3A_892 = tpu.memref_slice %arg7[%dma_start3A_891] : memref<32000xf32, #tpu.memory_space<vmem>> -> memref<1000xf32, #tpu.memory_space<vmem>>
        %dma_start3A_893 = tpu.memref_slice %arg3[%multiple_of3A_890] : memref<1000000xf32, #tpu.memory_space<hbm>> -> memref<1000xf32, #tpu.memory_space<hbm>>
        %dma_start3A_894 = arith.constant 23000 : i32
        %dma_start3A_895 = tpu.memref_slice %arg7[%dma_start3A_894] : memref<32000xf32, #tpu.memory_space<vmem>> -> memref<1000xf32, #tpu.memory_space<vmem>>
        %dma_start3A_896 = tpu.memref_slice %arg3[%multiple_of3A_890] : memref<1000000xf32, #tpu.memory_space<hbm>> -> memref<1000xf32, #tpu.memory_space<hbm>>
        tpu.enqueue_dma source(%dma_start3A_896 : memref<1000xf32, #tpu.memory_space<hbm>>) target(%dma_start3A_895 : memref<1000xf32, #tpu.memory_space<vmem>>) target_semaphore(%arg9 : memref<!tpu.dma_semaphore, #tpu.memory_space<semaphore_mem>>)
        %slice3A_897 = vector.extract_strided_slice %mul3A_824 {offsets = [8], sizes = [1], strides = [1]} : vector<16xi32> to vector<1xi32>
        %squeeze3A_898 = vector.extract %slice3A_897[0] : i32 from vector<1xi32>
        %multiple_of3A_899 = tpu.assume_multiple %squeeze3A_898, 8 : i32
        %dma_start3A_900 = arith.constant 24000 : i32
        %dma_start3A_901 = tpu.memref_slice %arg7[%dma_start3A_900] : memref<32000xf32, #tpu.memory_space<vmem>> -> memref<1000xf32, #tpu.memory_space<vmem>>
        %dma_start3A_902 = tpu.memref_slice %arg3[%multiple_of3A_899] : memref<1000000xf32, #tpu.memory_space<hbm>> -> memref<1000xf32, #tpu.memory_space<hbm>>
        %dma_start3A_903 = arith.constant 24000 : i32
        %dma_start3A_904 = tpu.memref_slice %arg7[%dma_start3A_903] : memref<32000xf32, #tpu.memory_space<vmem>> -> memref<1000xf32, #tpu.memory_space<vmem>>
        %dma_start3A_905 = tpu.memref_slice %arg3[%multiple_of3A_899] : memref<1000000xf32, #tpu.memory_space<hbm>> -> memref<1000xf32, #tpu.memory_space<hbm>>
        tpu.enqueue_dma source(%dma_start3A_905 : memref<1000xf32, #tpu.memory_space<hbm>>) target(%dma_start3A_904 : memref<1000xf32, #tpu.memory_space<vmem>>) target_semaphore(%arg9 : memref<!tpu.dma_semaphore, #tpu.memory_space<semaphore_mem>>)
        %slice3A_906 = vector.extract_strided_slice %mul3A_824 {offsets = [9], sizes = [1], strides = [1]} : vector<16xi32> to vector<1xi32>
        %squeeze3A_907 = vector.extract %slice3A_906[0] : i32 from vector<1xi32>
        %multiple_of3A_908 = tpu.assume_multiple %squeeze3A_907, 8 : i32
        %dma_start3A_909 = arith.constant 25000 : i32
        %dma_start3A_910 = tpu.memref_slice %arg7[%dma_start3A_909] : memref<32000xf32, #tpu.memory_space<vmem>> -> memref<1000xf32, #tpu.memory_space<vmem>>
        %dma_start3A_911 = tpu.memref_slice %arg3[%multiple_of3A_908] : memref<1000000xf32, #tpu.memory_space<hbm>> -> memref<1000xf32, #tpu.memory_space<hbm>>
        %dma_start3A_912 = arith.constant 25000 : i32
        %dma_start3A_913 = tpu.memref_slice %arg7[%dma_start3A_912] : memref<32000xf32, #tpu.memory_space<vmem>> -> memref<1000xf32, #tpu.memory_space<vmem>>
        %dma_start3A_914 = tpu.memref_slice %arg3[%multiple_of3A_908] : memref<1000000xf32, #tpu.memory_space<hbm>> -> memref<1000xf32, #tpu.memory_space<hbm>>
        tpu.enqueue_dma source(%dma_start3A_914 : memref<1000xf32, #tpu.memory_space<hbm>>) target(%dma_start3A_913 : memref<1000xf32, #tpu.memory_space<vmem>>) target_semaphore(%arg9 : memref<!tpu.dma_semaphore, #tpu.memory_space<semaphore_mem>>)
        %slice3A_915 = vector.extract_strided_slice %mul3A_824 {offsets = [10], sizes = [1], strides = [1]} : vector<16xi32> to vector<1xi32>
        %squeeze3A_916 = vector.extract %slice3A_915[0] : i32 from vector<1xi32>
        %multiple_of3A_917 = tpu.assume_multiple %squeeze3A_916, 8 : i32
        %dma_start3A_918 = arith.constant 26000 : i32
        %dma_start3A_919 = tpu.memref_slice %arg7[%dma_start3A_918] : memref<32000xf32, #tpu.memory_space<vmem>> -> memref<1000xf32, #tpu.memory_space<vmem>>
        %dma_start3A_920 = tpu.memref_slice %arg3[%multiple_of3A_917] : memref<1000000xf32, #tpu.memory_space<hbm>> -> memref<1000xf32, #tpu.memory_space<hbm>>
        %dma_start3A_921 = arith.constant 26000 : i32
        %dma_start3A_922 = tpu.memref_slice %arg7[%dma_start3A_921] : memref<32000xf32, #tpu.memory_space<vmem>> -> memref<1000xf32, #tpu.memory_space<vmem>>
        %dma_start3A_923 = tpu.memref_slice %arg3[%multiple_of3A_917] : memref<1000000xf32, #tpu.memory_space<hbm>> -> memref<1000xf32, #tpu.memory_space<hbm>>
        tpu.enqueue_dma source(%dma_start3A_923 : memref<1000xf32, #tpu.memory_space<hbm>>) target(%dma_start3A_922 : memref<1000xf32, #tpu.memory_space<vmem>>) target_semaphore(%arg9 : memref<!tpu.dma_semaphore, #tpu.memory_space<semaphore_mem>>)
        %slice3A_924 = vector.extract_strided_slice %mul3A_824 {offsets = [11], sizes = [1], strides = [1]} : vector<16xi32> to vector<1xi32>
        %squeeze3A_925 = vector.extract %slice3A_924[0] : i32 from vector<1xi32>
        %multiple_of3A_926 = tpu.assume_multiple %squeeze3A_925, 8 : i32
        %dma_start3A_927 = arith.constant 27000 : i32
        %dma_start3A_928 = tpu.memref_slice %arg7[%dma_start3A_927] : memref<32000xf32, #tpu.memory_space<vmem>> -> memref<1000xf32, #tpu.memory_space<vmem>>
        %dma_start3A_929 = tpu.memref_slice %arg3[%multiple_of3A_926] : memref<1000000xf32, #tpu.memory_space<hbm>> -> memref<1000xf32, #tpu.memory_space<hbm>>
        %dma_start3A_930 = arith.constant 27000 : i32
        %dma_start3A_931 = tpu.memref_slice %arg7[%dma_start3A_930] : memref<32000xf32, #tpu.memory_space<vmem>> -> memref<1000xf32, #tpu.memory_space<vmem>>
        %dma_start3A_932 = tpu.memref_slice %arg3[%multiple_of3A_926] : memref<1000000xf32, #tpu.memory_space<hbm>> -> memref<1000xf32, #tpu.memory_space<hbm>>
        tpu.enqueue_dma source(%dma_start3A_932 : memref<1000xf32, #tpu.memory_space<hbm>>) target(%dma_start3A_931 : memref<1000xf32, #tpu.memory_space<vmem>>) target_semaphore(%arg9 : memref<!tpu.dma_semaphore, #tpu.memory_space<semaphore_mem>>)
        %slice3A_933 = vector.extract_strided_slice %mul3A_824 {offsets = [12], sizes = [1], strides = [1]} : vector<16xi32> to vector<1xi32>
        %squeeze3A_934 = vector.extract %slice3A_933[0] : i32 from vector<1xi32>
        %multiple_of3A_935 = tpu.assume_multiple %squeeze3A_934, 8 : i32
        %dma_start3A_936 = arith.constant 28000 : i32
        %dma_start3A_937 = tpu.memref_slice %arg7[%dma_start3A_936] : memref<32000xf32, #tpu.memory_space<vmem>> -> memref<1000xf32, #tpu.memory_space<vmem>>
        %dma_start3A_938 = tpu.memref_slice %arg3[%multiple_of3A_935] : memref<1000000xf32, #tpu.memory_space<hbm>> -> memref<1000xf32, #tpu.memory_space<hbm>>
        %dma_start3A_939 = arith.constant 28000 : i32
        %dma_start3A_940 = tpu.memref_slice %arg7[%dma_start3A_939] : memref<32000xf32, #tpu.memory_space<vmem>> -> memref<1000xf32, #tpu.memory_space<vmem>>
        %dma_start3A_941 = tpu.memref_slice %arg3[%multiple_of3A_935] : memref<1000000xf32, #tpu.memory_space<hbm>> -> memref<1000xf32, #tpu.memory_space<hbm>>
        tpu.enqueue_dma source(%dma_start3A_941 : memref<1000xf32, #tpu.memory_space<hbm>>) target(%dma_start3A_940 : memref<1000xf32, #tpu.memory_space<vmem>>) target_semaphore(%arg9 : memref<!tpu.dma_semaphore, #tpu.memory_space<semaphore_mem>>)
        %slice3A_942 = vector.extract_strided_slice %mul3A_824 {offsets = [13], sizes = [1], strides = [1]} : vector<16xi32> to vector<1xi32>
        %squeeze3A_943 = vector.extract %slice3A_942[0] : i32 from vector<1xi32>
        %multiple_of3A_944 = tpu.assume_multiple %squeeze3A_943, 8 : i32
        %dma_start3A_945 = arith.constant 29000 : i32
        %dma_start3A_946 = tpu.memref_slice %arg7[%dma_start3A_945] : memref<32000xf32, #tpu.memory_space<vmem>> -> memref<1000xf32, #tpu.memory_space<vmem>>
        %dma_start3A_947 = tpu.memref_slice %arg3[%multiple_of3A_944] : memref<1000000xf32, #tpu.memory_space<hbm>> -> memref<1000xf32, #tpu.memory_space<hbm>>
        %dma_start3A_948 = arith.constant 29000 : i32
        %dma_start3A_949 = tpu.memref_slice %arg7[%dma_start3A_948] : memref<32000xf32, #tpu.memory_space<vmem>> -> memref<1000xf32, #tpu.memory_space<vmem>>
        %dma_start3A_950 = tpu.memref_slice %arg3[%multiple_of3A_944] : memref<1000000xf32, #tpu.memory_space<hbm>> -> memref<1000xf32, #tpu.memory_space<hbm>>
        tpu.enqueue_dma source(%dma_start3A_950 : memref<1000xf32, #tpu.memory_space<hbm>>) target(%dma_start3A_949 : memref<1000xf32, #tpu.memory_space<vmem>>) target_semaphore(%arg9 : memref<!tpu.dma_semaphore, #tpu.memory_space<semaphore_mem>>)
        %slice3A_951 = vector.extract_strided_slice %mul3A_824 {offsets = [14], sizes = [1], strides = [1]} : vector<16xi32> to vector<1xi32>
        %squeeze3A_952 = vector.extract %slice3A_951[0] : i32 from vector<1xi32>
        %multiple_of3A_953 = tpu.assume_multiple %squeeze3A_952, 8 : i32
        %dma_start3A_954 = arith.constant 30000 : i32
        %dma_start3A_955 = tpu.memref_slice %arg7[%dma_start3A_954] : memref<32000xf32, #tpu.memory_space<vmem>> -> memref<1000xf32, #tpu.memory_space<vmem>>
        %dma_start3A_956 = tpu.memref_slice %arg3[%multiple_of3A_953] : memref<1000000xf32, #tpu.memory_space<hbm>> -> memref<1000xf32, #tpu.memory_space<hbm>>
        %dma_start3A_957 = arith.constant 30000 : i32
        %dma_start3A_958 = tpu.memref_slice %arg7[%dma_start3A_957] : memref<32000xf32, #tpu.memory_space<vmem>> -> memref<1000xf32, #tpu.memory_space<vmem>>
        %dma_start3A_959 = tpu.memref_slice %arg3[%multiple_of3A_953] : memref<1000000xf32, #tpu.memory_space<hbm>> -> memref<1000xf32, #tpu.memory_space<hbm>>
        tpu.enqueue_dma source(%dma_start3A_959 : memref<1000xf32, #tpu.memory_space<hbm>>) target(%dma_start3A_958 : memref<1000xf32, #tpu.memory_space<vmem>>) target_semaphore(%arg9 : memref<!tpu.dma_semaphore, #tpu.memory_space<semaphore_mem>>)
        %slice3A_960 = vector.extract_strided_slice %mul3A_824 {offsets = [15], sizes = [1], strides = [1]} : vector<16xi32> to vector<1xi32>
        %squeeze3A_961 = vector.extract %slice3A_960[0] : i32 from vector<1xi32>
        %multiple_of3A_962 = tpu.assume_multiple %squeeze3A_961, 8 : i32
        %dma_start3A_963 = arith.constant 31000 : i32
        %dma_start3A_964 = tpu.memref_slice %arg7[%dma_start3A_963] : memref<32000xf32, #tpu.memory_space<vmem>> -> memref<1000xf32, #tpu.memory_space<vmem>>
        %dma_start3A_965 = tpu.memref_slice %arg3[%multiple_of3A_962] : memref<1000000xf32, #tpu.memory_space<hbm>> -> memref<1000xf32, #tpu.memory_space<hbm>>
        %dma_start3A_966 = arith.constant 31000 : i32
        %dma_start3A_967 = tpu.memref_slice %arg7[%dma_start3A_966] : memref<32000xf32, #tpu.memory_space<vmem>> -> memref<1000xf32, #tpu.memory_space<vmem>>
        %dma_start3A_968 = tpu.memref_slice %arg3[%multiple_of3A_962] : memref<1000000xf32, #tpu.memory_space<hbm>> -> memref<1000xf32, #tpu.memory_space<hbm>>
        tpu.enqueue_dma source(%dma_start3A_968 : memref<1000xf32, #tpu.memory_space<hbm>>) target(%dma_start3A_967 : memref<1000xf32, #tpu.memory_space<vmem>>) target_semaphore(%arg9 : memref<!tpu.dma_semaphore, #tpu.memory_space<semaphore_mem>>)
      } else {
      }
    }
    %scan3A_609 = arith.constant 25 : i32
    return
  }
}

</mosaic_0001>

<sc_bundles>
// kernel: kernel.3.cloned.1.call-start
scs
__scs_entry_jumppad:
0x0: {  	(pc) =	sbr.rel $0x88, $3  }
0x1: {  	(tag) =	ssettag $0x0;
	lr =	simm.s32 $0x1  }
0x2: {  	[smem:$0x3F9F] =	sst lr;
	_ =	strace $0xD0000000  }
0x3: {  	_ = 	snop  }
0x4: {  	_ = 	snop  }
0x5: {  	_ = 	snop  }
0x6: {  	_ = 	snop  }
0x7: {  	_ = 	snop  }
__scs_overlays_trampoline_lowered:
0x8: {  	[smem:$0x3FAE] =	sst s0  }
0x9: {  	[smem:$0x3FAF] =	sst s1  }
0xa: {  	[smem:$0x3FB0] =	sst s2  }
0xb: {  	[smem:$0x3FB1] =	sst s3  }
0xc: {  	[smem:$0x3FB2] =	sst s4  }
0xd: {  	[smem:$0x3FB3] =	sst s5  }
0xe: {  	[smem:$0x3FB4] =	sst s6  }
0xf: {  	[smem:$0x3FB5] =	sst s7  }
0x10: {  	[smem:$0x3FB6] =	sst s8  }
0x11: {  	[smem:$0x3FB7] =	sst s9;
	s0 =	simm.s32 @!p0 $0x0  }
0x12: {  	s1 =	sld [smem:$0x3F9D];
	s0 =	simm.s32 @p0 $0x1  }
0x13: {  	[smem:$0x3FB8] =	sst s0;
	s0 =	simm.s32 @!p1 $0x0  }
0x14: {  	s2 =	sld [smem:$0x3F9C];
	s0 =	simm.s32 @p1 $0x1  }
0x15: {  	[smem:$0x3FB9] =	sst s0;
	s0 =	simm.s32 @!p2 $0x0  }
0x16: {  	s3 =	sld [smem:$0x3FDB];
	s0 =	simm.s32 @p2 $0x1  }
0x17: {  	s4 =	simm.s32 $0x1BF5;
	[smem:$0x3FBB] =	sst s0  }
0x18: {  	s0 =	sld [smem:$0x3F9E];
	_ =	swait.ge [sflag:s4], $0x0  }
0x19: {  	s7 =	sld [smem:$0x3F9F]  }
0x1a: {  	s8 =	sadd.s32 $0xFFFFE003, lr  }
0x1b: {  	s9 =	sadd.s32 $0xFFFFFEF7, lr;
	s5 =	simm.s32 $0xFFFFFFFF;
	p2 =	slt.u32 s8, $0xFFFFF086  }
0x1c: {  	p1 =	slt.u32 s9, $0xF7A;
	s5 =	simm.s32 @!p2 $0x0  }
0x1d: {  	s5 =	simm.s32 @p1 $0x1;
	p0 =	seq.s32 s7, s2  }
0x1e: {  	s7 =	smul.u32 @!p0 $0xF7A, s2;
	p2 =	seq.s32 @!p0 s5, $0x0  }
0x1f: {  	s9 =	smul.u32 $0xF7A, s1;
	s8 =	simm.s32 @!p0 $0x1BF5;
	p2 =	por !p2, p0  }
0x20: {  	[sflag:s8] =	ssyncset.s32 @!p0 $0xFFFFF086;
	s6 =	sadd.s32 @!p0 s3, s7;
	s7 =	simm.s32 @!p0 $0x108  }
0x21: {  	s3 =	sadd.s32 s3, s9;
	s6 =	sadd.s32 @!p0 $0x88, s6;
	s7 =	simm.s32 @p2 $0x1082  }
0x22: {  	[simem:s7], [sflag:s8] =	dma.local @!p0 [hbm:s6], $0xF7A  }
0x23: {  	s9 =	sor.u32 $0xD0000000, s2;
	s6 =	simm.s32 $0x108;
	_ =	swait.ge @!p0 [sflag:s8], $0x0  }
0x24: {  	s3 =	sadd.s32 $0x88, s3;
	s6 =	simm.s32 @!p1 $0x1082;
	[sflag:s4] =	ssyncset.s32 $0xFFFFF086  }
0x25: {  	[simem:s6], [sflag:s4] =	dma.local [hbm:s3], $0xF7A  }
0x26: {  	[smem:$0x3F9F] =	sst s1;
	(tag) =	ssettag s2;
	_ =	strace s9  }
0x27: {  	s1 =	sld [smem:$0x3FAF]  }
0x28: {  	s2 =	sld [smem:$0x3FB0]  }
0x29: {  	s4 =	sld [smem:$0x3FB2]  }
0x2a: {  	p0 =	seq.s32 s5, $0x0;
	s5 =	sld [smem:$0x3FB3]  }
0x2b: {  	s6 =	sld [smem:$0x3FB4]  }
0x2c: {  	s7 =	sld [smem:$0x3FB5]  }
0x2d: {  	s3 =	simm.s32 $0x108;
	s8 =	sld [smem:$0x3FB6]  }
0x2e: {  	s3 =	simm.s32 @!p0 $0x1082;
	s9 =	sld [smem:$0x3FB7]  }
0x2f: {  	lr =	sadd.s32 s0, s3;
	s0 =	sld [smem:$0x3FAE]  }
0x30: {  	s3 =	sld [smem:$0x3FB1]  }
0x31: {  	[smem:$0x3FBA] =	sst s10  }
0x32: {  	s10 =	sld [smem:$0x3FB8];
	_ =	sdelay $0x3  }
0x33: {  	p0 =	seq.s32 s10, $0x1;
	s10 =	sld [smem:$0x3FBA];
	_ =	sdelay $0x3  }
0x34: {  	[smem:$0x3FBA] =	sst s10  }
0x35: {  	s10 =	sld [smem:$0x3FB9];
	_ =	sdelay $0x3  }
0x36: {  	p1 =	seq.s32 s10, $0x1;
	s10 =	sld [smem:$0x3FBA];
	_ =	sdelay $0x3  }
0x37: {  	[smem:$0x3FBA] =	sst s10  }
0x38: {  	s10 =	sld [smem:$0x3FBB]  }
0x39: {  	_ = 	snop;
	(pc) =	sbr.ind lr, $3  }
0x3a: {  	_ = 	snop  }
0x3b: {  	_ = 	snop  }
0x3c: {  	p2 =	seq.s32 s10, $0x1;
	s10 =	sld [smem:$0x3FBA]  }
0x3d: {  	_ =	shalt  }
0x3e: {  	_ =	shalt  }
0x3f: {  	_ =	shalt  }
0x40: {  	_ =	shalt  }
0x41: {  	_ =	shalt  }
0x42: {  	_ =	shalt  }
0x43: {  	_ =	shalt  }
0x44: {  	_ =	shalt  }
0x45: {  	_ =	shalt  }
0x46: {  	_ =	shalt  }
0x47: {  	_ =	shalt  }
0x48: {  	_ =	shalt  }
0x49: {  	_ =	shalt  }
0x4a: {  	_ =	shalt  }
0x4b: {  	_ =	shalt  }
0x4c: {  	_ =	shalt  }
0x4d: {  	_ =	shalt  }
0x4e: {  	_ =	shalt  }
0x4f: {  	_ =	shalt  }
0x50: {  	_ =	shalt  }
0x51: {  	_ =	shalt  }
0x52: {  	_ =	shalt  }
0x53: {  	_ =	shalt  }
0x54: {  	_ =	shalt  }
0x55: {  	_ =	shalt  }
0x56: {  	_ =	shalt  }
0x57: {  	_ =	shalt  }
0x58: {  	_ =	shalt  }
0x59: {  	_ =	shalt  }
0x5a: {  	_ =	shalt  }
0x5b: {  	_ =	shalt  }
0x5c: {  	_ =	shalt  }
0x5d: {  	_ =	shalt  }
0x5e: {  	_ =	shalt  }
0x5f: {  	_ =	shalt  }
0x60: {  	_ =	shalt  }
0x61: {  	_ =	shalt  }
0x62: {  	_ =	shalt  }
0x63: {  	_ =	shalt  }
0x64: {  	_ =	shalt  }
0x65: {  	_ =	shalt  }
0x66: {  	_ =	shalt  }
0x67: {  	_ =	shalt  }
0x68: {  	_ =	shalt  }
0x69: {  	_ =	shalt  }
0x6a: {  	_ =	shalt  }
0x6b: {  	_ =	shalt  }
0x6c: {  	_ =	shalt  }
0x6d: {  	_ =	shalt  }
0x6e: {  	_ =	shalt  }
0x6f: {  	_ =	shalt  }
0x70: {  	_ =	shalt  }
0x71: {  	_ =	shalt  }
0x72: {  	_ =	shalt  }
0x73: {  	_ =	shalt  }
0x74: {  	_ =	shalt  }
0x75: {  	_ =	shalt  }
0x76: {  	_ =	shalt  }
0x77: {  	_ =	shalt  }
0x78: {  	_ =	shalt  }
0x79: {  	_ =	shalt  }
0x7a: {  	_ =	shalt  }
0x7b: {  	_ =	shalt  }
0x7c: {  	_ =	shalt  }
0x7d: {  	_ =	shalt  }
0x7e: {  	_ =	shalt  }
0x7f: {  	_ =	shalt  }
0x80: {  	_ =	shalt  }
0x81: {  	_ =	shalt  }
0x82: {  	_ =	shalt  }
0x83: {  	_ =	shalt  }
0x84: {  	_ =	shalt  }
0x85: {  	_ =	shalt  }
0x86: {  	_ =	shalt  }
0x87: {  	_ =	shalt  }
.Lfunc_end0:
.L_simem_size_0:
called_computation.1_lowered:
.L_overlay_start_0:
0x88: {  	s2 =	sld [smem:$0x3FD9]  }
0x89: {  	s3 =	sld [smem:$0x3FFE];
	_ =	sdelay $0x1  }
0x8a: {  	s1 =	srdreg.scid  }
0x8b: {  	s0 =	sand.u32 $0x1, s1  }
0x8c: {  	s17 =	sshll.u32 s0, $0xA;
	s2 =	sadd.s32 s3, s2  }
0x8d: {  	s2 =	sadd.s32 s2, s17  }
0x8e: {  	[smem:$0x3FC6] =	sst s2  }
0x8f: {  	_ = 	snop  }
0x90: {  	s2 =	sld [smem:$0x3FD0];
	(tm) =	ssettm $0x1  }
0x91: {  	s18 =	sld [smem:$0x3FFB];
	_ =	sdelay $0x3  }
0x92: {  	_ =	strace s18  }
0x93: {  	s3 =	sld [smem:$0x3FFC];
	_ =	sdelay $0x3  }
0x94: {  	_ =	strace s3  }
0x95: {  	s3 =	sld [smem:$0x3FFD];
	_ =	sdelay $0x3  }
0x96: {  	_ =	strace s3  }
0x97: {  	_ =	strace $0x8FFFFFFF  }
0x98: {  	s19 =	sld [smem:$0x3FDB];
	_ =	sdelay $0x1  }
0x99: {  	s4 =	simm.s32 $_scs_section_size  }
0x9a: {  	s5 =	simm.s32 $_size__tile_overlayer_lowered;
	s6 =	simm.s32 $_tile_overlayer_lowered  }
0x9b: {  	s22 =	simm.s32 $0x1BFF;
	s21 =	sshll.u32 s6, $0x1;
	s3 =	sadd.s32 s4, s19  }
0x9c: {  	s7 =	simm.s32 $0x0;
	s20 =	sshll.u32 s5, $0x1;
	s5 =	sadd.s32 s21, s3  }
0x9d: {  	[timem:s7], [sflag:s22] =	dma.local [hbm:s5], s20  }
0x9e: {  	_ =	swait.ge [sflag:s22], s20  }
0x9f: {  	s4 =	ssub.s32 $0x0, s20;
	[sflag:s22] =	ssyncset.done $0x0  }
0xa0: {  	[sflag:s22] =	ssyncadd.s32 s4;
	_ =	sdelay $0x1  }
0xa1: {  	s23 =	simm.s32 $0x1B8B  }
0xa2: {  	_ =	swait.ge [sflag:s23], $0x1  }
0xa3: {  	[sflag:s23] =	ssyncset.done $0x0  }
0xa4: {  	s25 =	simm.s32 $0x1B8E;
	s24 =	sld [smem:$0x3FFE];
	[sflag:s23] =	ssyncadd.s32 $0xFFFFFFFF  }
0xa5: {  	s26 =	simm.s32 $execute0_lowered;
	[smem:$0x3FD2] =	sst s25  }
0xa6: {  	s5 =	sshll.u32 s26, $0x1;
	_ =	strace $0x80000046;
	[dreg:$0x1] =	wrdreg $0xFFFFFFFF  }
0xa7: {  	s28 =	simm.s32 $_size_execute0_lowered;
	s3 =	sadd.s32 s3, s5;
	[dreg:$0x0] =	wrdreg $0x0  }
0xa8: {  	s5 =	sshll.u32 s28, $0x1;
	[dreg:$0x2] =	wrdreg s3  }
0xa9: {  	[dreg:$0x3] =	wrdreg s5  }
0xaa: {  	[dreg:$0x4] =	wrdreg $0xC0  }
0xab: {  	_ =	task [dreg:s7], $0x5FFFF  }
0xac: {  	[dreg:$0x1] =	wrdreg $0xFFFFFFFF  }
0xad: {  	[dreg:$0x0] =	wrdreg $0x60  }
0xae: {  	[dreg:$0x2] =	wrdreg s24  }
0xaf: {  	[dreg:$0x3] =	wrdreg s2  }
0xb0: {  	[dreg:$0x4] =	wrdreg $0x9  }
0xb1: {  	_ =	task.clear_ibuf [dreg:s7], $0x5FFFF;
	_ =	strace $0x90000046  }
0xb2: {  	s29 =	simm.s32 $0x9;
	_ =	strace $0x80000048  }
0xb3: {  	_ =	swait.ge [sflag:s29], $0x1  }
0xb4: {  	[sflag:s29] =	ssyncadd.s32 $0xFFFFFFFF  }
0xb5: {  	_ =	strace $0x90000048  }
0xb6: {  	_ =	sfence  }
0xb7: {  	s30 =	sld [smem:$0x0];
	_ =	sdelay $0x2  }
0xb8: {  	s31 =	sshll.u32 s1, $0xD;
	s1 =	sshrl.u32 s1, $0x2  }
0xb9: {  	s3 =	sand.u32 $0x4000, s31;
	s1 =	sadd.s32 s1, s30  }
0xba: {  	s0 =	sor.u32 s3, s0;
	s1 =	sshll.u32 s1, $0x11  }
0xbb: {  	s0 =	sor.u32 s1, s0  }
0xbc: {  	s0 =	sadd.s32 $0x8F2B, s0  }
0xbd: {  	[sflag:s0] =	ssyncadd.remote.s32 $0x1  }
0xbe: {  	_ =	sfence.sel $0xFFFF  }
0xbf: {  	[dreg:$0x0] =	wrdreg $0xFFFFFFFF;
	(pc) =	sbr.abs _section_cstart, $3  }
0xc0: {  	[dreg:$0x1] =	wrdreg $0xFFFFFFFF  }
0xc1: {  	_ =	task.clear_ibuf [dreg:s7], $0x2FFFF;
	_ =	strace $0x9FFFFFFF  }
0xc2: {  	(tm) =	ssettm $0x7FFFFFFF  }
0xc3: {  	_ =	shalt  }
tec
execute0_lowered:
.L_overlay_start_1:
0x0: {  	(tag) =	ssettag $0x1  }
0x1: {  	s0 =	srdreg.scid  }
0x2: {  	s8 =	stileid.u32;
	s1 =	rddreg [dreg:$0x0]  }
0x3: {  	s4 =	rddreg [dreg:$0x1];
	s14 =	simm.s32 $0x8380;
	s28 =	simm.s32 $0x8B50  }
0x4: {  	s30 =	simm.s32 $0xBE18;
	s31 =	simm.s32 $0xC200;
	s9 =	simm.s32 $0xD588  }
0x5: {  	s10 =	simm.s32 $0xD970;
	s11 =	simm.s32 $0xDD58;
	s12 =	simm.s32 $0xE140  }
0x6: {  	s13 =	simm.s32 $0xE528;
	s15 =	simm.s32 $0xE910;
	s16 =	simm.s32 $0xECF8  }
0x7: {  	s17 =	simm.s32 $0xF0E0;
	s18 =	simm.s32 $0xF4C8;
	s19 =	simm.s32 $0xF8B0  }
0x8: {  	s20 =	simm.s32 $0xFC98;
	s21 =	simm.s32 $0x1;
	s22 =	simm.s32 $0x2  }
0x9: {  	s0 =	sand.u32 $0x1, s0;
	s2 =	sshll.u32 s8, $0x1;
	s8 =	smul.u32 $0x61A80, s8  }
0xa: {  	s3 =	sor.u32 s0, s2;
	s5 =	ssub.s32 $0x2, s0;
	s0 =	smul.u32 $0x30D40, s0  }
0xb: {  	s24 =	simm.s32 $0x0;
	s2 =	simm.s32 $0x0;
	s3 =	smul.u32 $0x640, s3  }
0xc: {  	[smem:$0x7FF] =	sst s2;
	s7 =	sshrl.u32 s5, $0x1;
	s29 =	sadd.s32 s8, s4  }
0xd: {  	s8 =	simm.s32 $0x680;
	s4 =	simm.s32 $0xCDB8;
	_ =	strace $0x80000047  }
.Ltmp0:
0xe: {  	s25 =	ssub.s32 s5, s7;
	s3 =	sshrl.u32 s3, $0x3;
	(pc) =	sbr.rel .LBB2_1-.Ltmp0, $4  }
0xf: {  	s7 =	simm.s32 $0x3;
	s5 =	simm.s32 $0xD1A0;
	s6 =	sadd.s32 s3, s1  }
0x10: {  	s3 =	sadd.s32 $0x2200, s1;
	s1 =	smax.u32 s25, $0x1;
	s26 =	sadd.s32 $0x800, s6  }
0x11: {  	[dreg:$0x4] =	wrdreg s1;
	s6 =	sadd.s32 s0, s29;
	s1 =	simm.s32 $0xC5E8  }
0x12: {  	s0 =	simm.s32 $0xC9D0;
	[dreg:$0x3] =	wrdreg s26;
	s26 =	simm.s32 $0x8768  }
.LBB2_6:
0x13: {  	s24 =	rddreg [dreg:$0x5]  }
0x14: {  	s23 =	rddreg [dreg:$0x4];
	s24 =	sadd.s32 $0x1, s24  }
0x15: {  	p0 =	sne.s32 s24, s23  }
.Ltmp1:
0x16: {  	_ = 	snop;
	(pc) =	sbr.rel @!p0 .LBB2_7-.Ltmp1, $1  }
0x17: {  	_ =	sdelay $0x3  }
.LBB2_1:
0x18: {  	[dreg:$0x5] =	wrdreg s24  }
0x19: {  	s23 =	rddreg [dreg:$0x3]  }
0x1a: {  	[tilespmem:s2], [sflag:$0x3] =	stream.linear.gather [hbm4b:s23+s2], $0x640, $0x38;
	[tilespmem:$0x10080] =	vst v63  }
0x1b: {  	_ =	swait.ge [sflag:s7], $0x640  }
0x1c: {  	[sflag:s7] =	ssyncset.done $0x0  }
0x1d: {  	[sflag:s7] =	ssyncadd.s32 $0xFFFFF9C0  }
0x1e: {  	v0 =	vld [tilespmem:$0x0];
	_ =	sdelay $0x4  }
0x1f: {  	v0 =	vmul.u32 $0x3E8, v0;
	_ =	sdelay $0x1  }
0x20: {  	v0 =	vshrl.u32 v0, $0x3  }
0x21: {  	v0 =	vadd.s32 s3, v0  }
0x22: {  	(v2sf) =	vpush v0, $0x0;
	_ =	sdelay $0x1  }
0x23: {  	(v2sf) =	vpush v0, $0x1;
	_ =	sdelay $0x1  }
0x24: {  	(v2sf) =	vpush v0, $0x2;
	_ =	sdelay $0x1  }
0x25: {  	(v2sf) =	vpush v0, $0x3;
	_ =	sdelay $0x1  }
0x26: {  	(v2sf) =	vpush v0, $0x4;
	_ =	sdelay $0x1  }
0x27: {  	(v2sf) =	vpush v0, $0x5;
	_ =	sdelay $0x1  }
0x28: {  	(v2sf) =	vpush v0, $0x6;
	_ =	sdelay $0x1  }
0x29: {  	(v2sf) =	vpush v0, $0x7  }
0x2a: {  	s24 =	spop (v2sf)  }
0x2b: {  	(v2sf) =	vpush v0, $0x8;
	[tilespmem:s8], [sflag:$0x1] =	stream.linear.gather [hbm4b:s24+s2], $0x3E8, $0x38;
	[tilespmem:$0x10080] =	vst v63  }
0x2c: {  	s29 =	simm.s32 $0xA68;
	s25 =	spop (v2sf)  }
0x2d: {  	(v2sf) =	vpush v0, $0x9;
	[tilespmem:s29], [sflag:$0x1] =	stream.linear.gather [hbm4b:s25+s2], $0x3E8, $0x38;
	[tilespmem:$0x10080] =	vst v63  }
0x2e: {  	s25 =	spop (v2sf);
	s29 =	simm.s32 $0xE50  }
0x2f: {  	(v2sf) =	vpush v0, $0xA;
	[tilespmem:s29], [sflag:$0x1] =	stream.linear.gather [hbm4b:s25+s2], $0x3E8, $0x38;
	[tilespmem:$0x10080] =	vst v63  }
0x30: {  	s25 =	spop (v2sf);
	s29 =	simm.s32 $0x1238  }
0x31: {  	(v2sf) =	vpush v0, $0xB;
	[tilespmem:s29], [sflag:$0x1] =	stream.linear.gather [hbm4b:s25+s2], $0x3E8, $0x38;
	[tilespmem:$0x10080] =	vst v63  }
0x32: {  	s25 =	spop (v2sf);
	s29 =	simm.s32 $0x1620  }
0x33: {  	(v2sf) =	vpush v0, $0xC;
	[tilespmem:s29], [sflag:$0x1] =	stream.linear.gather [hbm4b:s25+s2], $0x3E8, $0x38;
	[tilespmem:$0x10080] =	vst v63  }
0x34: {  	s25 =	spop (v2sf);
	s29 =	simm.s32 $0x1A08  }
0x35: {  	(v2sf) =	vpush v0, $0xD;
	[tilespmem:s29], [sflag:$0x1] =	stream.linear.gather [hbm4b:s25+s2], $0x3E8, $0x38;
	[tilespmem:$0x10080] =	vst v63  }
0x36: {  	s25 =	spop (v2sf);
	s29 =	simm.s32 $0x1DF0  }
0x37: {  	(v2sf) =	vpush v0, $0xE;
	[tilespmem:s29], [sflag:$0x1] =	stream.linear.gather [hbm4b:s25+s2], $0x3E8, $0x38;
	[tilespmem:$0x10080] =	vst v63  }
0x38: {  	s25 =	spop (v2sf);
	s29 =	simm.s32 $0x21D8  }
0x39: {  	(v2sf) =	vpush v0, $0xF;
	[tilespmem:s29], [sflag:$0x1] =	stream.linear.gather [hbm4b:s25+s2], $0x3E8, $0x38;
	[tilespmem:$0x10080] =	vst v63  }
0x3a: {  	s25 =	spop (v2sf);
	s29 =	simm.s32 $0x25C0  }
0x3b: {  	[tilespmem:s29], [sflag:$0x1] =	stream.linear.gather [hbm4b:s25+s2], $0x3E8, $0x38;
	[tilespmem:$0x10080] =	vst v63  }
0x3c: {  	s25 =	spop (v2sf);
	s29 =	simm.s32 $0x29A8  }
0x3d: {  	[tilespmem:s29], [sflag:$0x1] =	stream.linear.gather [hbm4b:s25+s2], $0x3E8, $0x38;
	[tilespmem:$0x10080] =	vst v63  }
0x3e: {  	s25 =	spop (v2sf);
	s29 =	simm.s32 $0x2D90  }
0x3f: {  	[tilespmem:s29], [sflag:$0x1] =	stream.linear.gather [hbm4b:s25+s2], $0x3E8, $0x38;
	[tilespmem:$0x10080] =	vst v63  }
0x40: {  	s25 =	spop (v2sf);
	s29 =	simm.s32 $0x3178  }
0x41: {  	[tilespmem:s29], [sflag:$0x1] =	stream.linear.gather [hbm4b:s25+s2], $0x3E8, $0x38;
	[tilespmem:$0x10080] =	vst v63  }
0x42: {  	s25 =	spop (v2sf);
	s29 =	simm.s32 $0x3560  }
0x43: {  	[tilespmem:s29], [sflag:$0x1] =	stream.linear.gather [hbm4b:s25+s2], $0x3E8, $0x38;
	[tilespmem:$0x10080] =	vst v63  }
0x44: {  	s25 =	spop (v2sf);
	s29 =	simm.s32 $0x3948  }
0x45: {  	[tilespmem:s29], [sflag:$0x1] =	stream.linear.gather [hbm4b:s25+s2], $0x3E8, $0x38;
	[tilespmem:$0x10080] =	vst v63  }
0x46: {  	s25 =	spop (v2sf);
	s29 =	simm.s32 $0x3D30  }
0x47: {  	[tilespmem:s29], [sflag:$0x1] =	stream.linear.gather [hbm4b:s25+s2], $0x3E8, $0x38;
	[tilespmem:$0x10080] =	vst v63  }
0x48: {  	s25 =	spop (v2sf);
	s29 =	simm.s32 $0x4118  }
0x49: {  	[tilespmem:s29], [sflag:$0x1] =	stream.linear.gather [hbm4b:s25+s2], $0x3E8, $0x38;
	[tilespmem:$0x10080] =	vst v63  }
0x4a: {  	v61 =	vld [tilespmem:$0x10];
	_ =	sdelay $0x4  }
0x4b: {  	v0 =	vmul.u32 $0x3E8, v61;
	_ =	sdelay $0x1  }
0x4c: {  	v0 =	vshrl.u32 v0, $0x3  }
0x4d: {  	v0 =	vadd.s32 s3, v0  }
0x4e: {  	(v2sf) =	vpush v0, $0x0;
	_ =	sdelay $0x1  }
0x4f: {  	(v2sf) =	vpush v0, $0x1;
	_ =	sdelay $0x1  }
0x50: {  	(v2sf) =	vpush v0, $0x2;
	_ =	sdelay $0x1  }
0x51: {  	(v2sf) =	vpush v0, $0x3;
	_ =	sdelay $0x1  }
0x52: {  	(v2sf) =	vpush v0, $0x4;
	_ =	sdelay $0x1  }
0x53: {  	(v2sf) =	vpush v0, $0x5;
	_ =	sdelay $0x1  }
0x54: {  	(v2sf) =	vpush v0, $0x6;
	_ =	sdelay $0x1  }
0x55: {  	(v2sf) =	vpush v0, $0x7  }
0x56: {  	s29 =	simm.s32 $0x4500;
	s25 =	spop (v2sf)  }
0x57: {  	(v2sf) =	vpush v0, $0x8;
	[tilespmem:s29], [sflag:$0x1] =	stream.linear.gather [hbm4b:s25+s2], $0x3E8, $0x38;
	[tilespmem:$0x10080] =	vst v63  }
0x58: {  	s25 =	spop (v2sf);
	s29 =	simm.s32 $0x48E8  }
0x59: {  	(v2sf) =	vpush v0, $0x9;
	[tilespmem:s29], [sflag:$0x1] =	stream.linear.gather [hbm4b:s25+s2], $0x3E8, $0x38;
	[tilespmem:$0x10080] =	vst v63  }
0x5a: {  	s25 =	spop (v2sf);
	s29 =	simm.s32 $0x4CD0  }
0x5b: {  	(v2sf) =	vpush v0, $0xA;
	[tilespmem:s29], [sflag:$0x1] =	stream.linear.gather [hbm4b:s25+s2], $0x3E8, $0x38;
	[tilespmem:$0x10080] =	vst v63  }
0x5c: {  	s25 =	spop (v2sf);
	s29 =	simm.s32 $0x50B8  }
0x5d: {  	(v2sf) =	vpush v0, $0xB;
	[tilespmem:s29], [sflag:$0x1] =	stream.linear.gather [hbm4b:s25+s2], $0x3E8, $0x38;
	[tilespmem:$0x10080] =	vst v63  }
0x5e: {  	s25 =	spop (v2sf);
	s29 =	simm.s32 $0x54A0  }
0x5f: {  	(v2sf) =	vpush v0, $0xC;
	[tilespmem:s29], [sflag:$0x1] =	stream.linear.gather [hbm4b:s25+s2], $0x3E8, $0x38;
	[tilespmem:$0x10080] =	vst v63  }
0x60: {  	s25 =	spop (v2sf);
	s29 =	simm.s32 $0x5888  }
0x61: {  	(v2sf) =	vpush v0, $0xD;
	[tilespmem:s29], [sflag:$0x1] =	stream.linear.gather [hbm4b:s25+s2], $0x3E8, $0x38;
	[tilespmem:$0x10080] =	vst v63  }
0x62: {  	s25 =	spop (v2sf);
	s29 =	simm.s32 $0x5C70  }
0x63: {  	(v2sf) =	vpush v0, $0xE;
	[tilespmem:s29], [sflag:$0x1] =	stream.linear.gather [hbm4b:s25+s2], $0x3E8, $0x38;
	[tilespmem:$0x10080] =	vst v63  }
0x64: {  	s25 =	spop (v2sf);
	s29 =	simm.s32 $0x6058  }
0x65: {  	(v2sf) =	vpush v0, $0xF;
	[tilespmem:s29], [sflag:$0x1] =	stream.linear.gather [hbm4b:s25+s2], $0x3E8, $0x38;
	[tilespmem:$0x10080] =	vst v63  }
0x66: {  	s25 =	spop (v2sf);
	s29 =	simm.s32 $0x6440  }
0x67: {  	[tilespmem:s29], [sflag:$0x1] =	stream.linear.gather [hbm4b:s25+s2], $0x3E8, $0x38;
	[tilespmem:$0x10080] =	vst v63  }
0x68: {  	s25 =	spop (v2sf);
	s29 =	simm.s32 $0x6828  }
0x69: {  	[tilespmem:s29], [sflag:$0x1] =	stream.linear.gather [hbm4b:s25+s2], $0x3E8, $0x38;
	[tilespmem:$0x10080] =	vst v63  }
0x6a: {  	s25 =	spop (v2sf);
	s29 =	simm.s32 $0x6C10  }
0x6b: {  	[tilespmem:s29], [sflag:$0x1] =	stream.linear.gather [hbm4b:s25+s2], $0x3E8, $0x38;
	[tilespmem:$0x10080] =	vst v63  }
0x6c: {  	s25 =	spop (v2sf);
	s29 =	simm.s32 $0x6FF8  }
0x6d: {  	[tilespmem:s29], [sflag:$0x1] =	stream.linear.gather [hbm4b:s25+s2], $0x3E8, $0x38;
	[tilespmem:$0x10080] =	vst v63  }
0x6e: {  	s25 =	spop (v2sf);
	s29 =	simm.s32 $0x73E0  }
0x6f: {  	[tilespmem:s29], [sflag:$0x1] =	stream.linear.gather [hbm4b:s25+s2], $0x3E8, $0x38;
	[tilespmem:$0x10080] =	vst v63  }
0x70: {  	s25 =	spop (v2sf);
	s29 =	simm.s32 $0x77C8  }
0x71: {  	[tilespmem:s29], [sflag:$0x1] =	stream.linear.gather [hbm4b:s25+s2], $0x3E8, $0x38;
	[tilespmem:$0x10080] =	vst v63  }
0x72: {  	s25 =	spop (v2sf);
	s29 =	simm.s32 $0x7BB0  }
0x73: {  	[tilespmem:s29], [sflag:$0x1] =	stream.linear.gather [hbm4b:s25+s2], $0x3E8, $0x38;
	[tilespmem:$0x10080] =	vst v63  }
0x74: {  	s25 =	spop (v2sf);
	s29 =	simm.s32 $0x7F98  }
0x75: {  	[tilespmem:s29], [sflag:$0x1] =	stream.linear.gather [hbm4b:s25+s2], $0x3E8, $0x38;
	[tilespmem:$0x10080] =	vst v63  }
0x76: {  	v62 =	vld [tilespmem:$0x20];
	_ =	sdelay $0x4  }
0x77: {  	v0 =	vmul.u32 $0x3E8, v62;
	_ =	sdelay $0x1  }
0x78: {  	v0 =	vshrl.u32 v0, $0x3  }
0x79: {  	v0 =	vadd.s32 s3, v0  }
0x7a: {  	(v2sf) =	vpush v0, $0x0;
	_ =	sdelay $0x1  }
0x7b: {  	(v2sf) =	vpush v0, $0x1;
	_ =	sdelay $0x1  }
0x7c: {  	(v2sf) =	vpush v0, $0x2;
	_ =	sdelay $0x1  }
0x7d: {  	(v2sf) =	vpush v0, $0x3;
	_ =	sdelay $0x1  }
0x7e: {  	(v2sf) =	vpush v0, $0x4;
	_ =	sdelay $0x1  }
0x7f: {  	(v2sf) =	vpush v0, $0x5;
	_ =	sdelay $0x1  }
0x80: {  	(v2sf) =	vpush v0, $0x6;
	_ =	sdelay $0x1  }
0x81: {  	(v2sf) =	vpush v0, $0x7  }
0x82: {  	s25 =	spop (v2sf)  }
0x83: {  	(v2sf) =	vpush v0, $0x8;
	[tilespmem:s14], [sflag:$0x2] =	stream.linear.gather [hbm4b:s25+s2], $0x3E8, $0x38;
	[tilespmem:$0x10080] =	vst v63  }
0x84: {  	s29 =	spop (v2sf)  }
0x85: {  	(v2sf) =	vpush v0, $0x9;
	[tilespmem:s26], [sflag:$0x2] =	stream.linear.gather [hbm4b:s29+s2], $0x3E8, $0x38;
	[tilespmem:$0x10080] =	vst v63  }
0x86: {  	s24 =	spop (v2sf)  }
0x87: {  	(v2sf) =	vpush v0, $0xA;
	[tilespmem:s28], [sflag:$0x2] =	stream.linear.gather [hbm4b:s24+s2], $0x3E8, $0x38;
	[tilespmem:$0x10080] =	vst v63  }
0x88: {  	s25 =	spop (v2sf);
	s29 =	simm.s32 $0x8F38  }
0x89: {  	(v2sf) =	vpush v0, $0xB;
	[tilespmem:s29], [sflag:$0x2] =	stream.linear.gather [hbm4b:s25+s2], $0x3E8, $0x38;
	[tilespmem:$0x10080] =	vst v63  }
0x8a: {  	s25 =	spop (v2sf);
	s29 =	simm.s32 $0x9320  }
0x8b: {  	(v2sf) =	vpush v0, $0xC;
	[tilespmem:s29], [sflag:$0x2] =	stream.linear.gather [hbm4b:s25+s2], $0x3E8, $0x38;
	[tilespmem:$0x10080] =	vst v63  }
0x8c: {  	s25 =	spop (v2sf);
	s29 =	simm.s32 $0x9708  }
0x8d: {  	(v2sf) =	vpush v0, $0xD;
	[tilespmem:s29], [sflag:$0x2] =	stream.linear.gather [hbm4b:s25+s2], $0x3E8, $0x38;
	[tilespmem:$0x10080] =	vst v63  }
0x8e: {  	s25 =	spop (v2sf);
	s29 =	simm.s32 $0x9AF0  }
0x8f: {  	(v2sf) =	vpush v0, $0xE;
	[tilespmem:s29], [sflag:$0x2] =	stream.linear.gather [hbm4b:s25+s2], $0x3E8, $0x38;
	[tilespmem:$0x10080] =	vst v63  }
0x90: {  	s25 =	spop (v2sf);
	s29 =	simm.s32 $0x9ED8  }
0x91: {  	(v2sf) =	vpush v0, $0xF;
	[tilespmem:s29], [sflag:$0x2] =	stream.linear.gather [hbm4b:s25+s2], $0x3E8, $0x38;
	[tilespmem:$0x10080] =	vst v63  }
0x92: {  	s25 =	spop (v2sf);
	s29 =	simm.s32 $0xA2C0  }
0x93: {  	[tilespmem:s29], [sflag:$0x2] =	stream.linear.gather [hbm4b:s25+s2], $0x3E8, $0x38;
	[tilespmem:$0x10080] =	vst v63  }
0x94: {  	s25 =	spop (v2sf);
	s29 =	simm.s32 $0xA6A8  }
0x95: {  	[tilespmem:s29], [sflag:$0x2] =	stream.linear.gather [hbm4b:s25+s2], $0x3E8, $0x38;
	[tilespmem:$0x10080] =	vst v63  }
0x96: {  	s25 =	spop (v2sf);
	s29 =	simm.s32 $0xAA90  }
0x97: {  	[tilespmem:s29], [sflag:$0x2] =	stream.linear.gather [hbm4b:s25+s2], $0x3E8, $0x38;
	[tilespmem:$0x10080] =	vst v63  }
0x98: {  	s25 =	spop (v2sf);
	s29 =	simm.s32 $0xAE78  }
0x99: {  	[tilespmem:s29], [sflag:$0x2] =	stream.linear.gather [hbm4b:s25+s2], $0x3E8, $0x38;
	[tilespmem:$0x10080] =	vst v63  }
0x9a: {  	s25 =	spop (v2sf);
	s29 =	simm.s32 $0xB260  }
0x9b: {  	[tilespmem:s29], [sflag:$0x2] =	stream.linear.gather [hbm4b:s25+s2], $0x3E8, $0x38;
	[tilespmem:$0x10080] =	vst v63  }
0x9c: {  	s25 =	spop (v2sf);
	s29 =	simm.s32 $0xB648  }
0x9d: {  	[tilespmem:s29], [sflag:$0x2] =	stream.linear.gather [hbm4b:s25+s2], $0x3E8, $0x38;
	[tilespmem:$0x10080] =	vst v63  }
0x9e: {  	s25 =	spop (v2sf);
	s29 =	simm.s32 $0xBA30  }
0x9f: {  	[tilespmem:s29], [sflag:$0x2] =	stream.linear.gather [hbm4b:s25+s2], $0x3E8, $0x38;
	[tilespmem:$0x10080] =	vst v63  }
0xa0: {  	s25 =	spop (v2sf)  }
0xa1: {  	[tilespmem:s30], [sflag:$0x2] =	stream.linear.gather [hbm4b:s25+s2], $0x3E8, $0x38;
	[tilespmem:$0x10080] =	vst v63  }
0xa2: {  	v63 =	vld [tilespmem:$0x30];
	_ =	sdelay $0x4  }
0xa3: {  	v0 =	vmul.u32 $0x3E8, v63;
	_ =	sdelay $0x1  }
0xa4: {  	v0 =	vshrl.u32 v0, $0x3  }
0xa5: {  	v0 =	vadd.s32 s3, v0  }
0xa6: {  	(v2sf) =	vpush v0, $0x0;
	_ =	sdelay $0x1  }
0xa7: {  	(v2sf) =	vpush v0, $0x1;
	_ =	sdelay $0x1  }
0xa8: {  	(v2sf) =	vpush v0, $0x2;
	_ =	sdelay $0x1  }
0xa9: {  	(v2sf) =	vpush v0, $0x3;
	_ =	sdelay $0x1  }
0xaa: {  	(v2sf) =	vpush v0, $0x4;
	_ =	sdelay $0x1  }
0xab: {  	(v2sf) =	vpush v0, $0x5;
	_ =	sdelay $0x1  }
0xac: {  	(v2sf) =	vpush v0, $0x6;
	_ =	sdelay $0x1  }
0xad: {  	(v2sf) =	vpush v0, $0x7  }
0xae: {  	s29 =	spop (v2sf)  }
0xaf: {  	(v2sf) =	vpush v0, $0x8;
	[tilespmem:s31], [sflag:$0x2] =	stream.linear.gather [hbm4b:s29+s2], $0x3E8, $0x38;
	[tilespmem:$0x10080] =	vst v63  }
0xb0: {  	s24 =	spop (v2sf)  }
0xb1: {  	(v2sf) =	vpush v0, $0x9;
	[tilespmem:s1], [sflag:$0x2] =	stream.linear.gather [hbm4b:s24+s2], $0x3E8, $0x38;
	[tilespmem:$0x10080] =	vst v63  }
0xb2: {  	s25 =	spop (v2sf)  }
0xb3: {  	(v2sf) =	vpush v0, $0xA;
	[tilespmem:s0], [sflag:$0x2] =	stream.linear.gather [hbm4b:s25+s2], $0x3E8, $0x38;
	[tilespmem:$0x10080] =	vst v63  }
0xb4: {  	s29 =	spop (v2sf)  }
0xb5: {  	(v2sf) =	vpush v0, $0xB;
	[tilespmem:s4], [sflag:$0x2] =	stream.linear.gather [hbm4b:s29+s2], $0x3E8, $0x38;
	[tilespmem:$0x10080] =	vst v63  }
0xb6: {  	s24 =	spop (v2sf)  }
0xb7: {  	(v2sf) =	vpush v0, $0xC;
	[tilespmem:s5], [sflag:$0x2] =	stream.linear.gather [hbm4b:s24+s2], $0x3E8, $0x38;
	[tilespmem:$0x10080] =	vst v63  }
0xb8: {  	s25 =	spop (v2sf)  }
0xb9: {  	(v2sf) =	vpush v0, $0xD;
	[tilespmem:s9], [sflag:$0x2] =	stream.linear.gather [hbm4b:s25+s2], $0x3E8, $0x38;
	[tilespmem:$0x10080] =	vst v63  }
0xba: {  	s29 =	spop (v2sf)  }
0xbb: {  	(v2sf) =	vpush v0, $0xE;
	[tilespmem:s10], [sflag:$0x2] =	stream.linear.gather [hbm4b:s29+s2], $0x3E8, $0x38;
	[tilespmem:$0x10080] =	vst v63  }
0xbc: {  	s24 =	spop (v2sf)  }
0xbd: {  	(v2sf) =	vpush v0, $0xF;
	[tilespmem:s11], [sflag:$0x2] =	stream.linear.gather [hbm4b:s24+s2], $0x3E8, $0x38;
	[tilespmem:$0x10080] =	vst v63  }
0xbe: {  	s25 =	spop (v2sf)  }
0xbf: {  	[tilespmem:s12], [sflag:$0x2] =	stream.linear.gather [hbm4b:s25+s2], $0x3E8, $0x38;
	[tilespmem:$0x10080] =	vst v63  }
0xc0: {  	s29 =	spop (v2sf)  }
0xc1: {  	[tilespmem:s13], [sflag:$0x2] =	stream.linear.gather [hbm4b:s29+s2], $0x3E8, $0x38;
	[tilespmem:$0x10080] =	vst v63  }
0xc2: {  	s24 =	spop (v2sf)  }
0xc3: {  	[tilespmem:s15], [sflag:$0x2] =	stream.linear.gather [hbm4b:s24+s2], $0x3E8, $0x38;
	[tilespmem:$0x10080] =	vst v63  }
0xc4: {  	s25 =	spop (v2sf)  }
0xc5: {  	[tilespmem:s16], [sflag:$0x2] =	stream.linear.gather [hbm4b:s25+s2], $0x3E8, $0x38;
	[tilespmem:$0x10080] =	vst v63  }
0xc6: {  	s29 =	spop (v2sf)  }
0xc7: {  	[tilespmem:s17], [sflag:$0x2] =	stream.linear.gather [hbm4b:s29+s2], $0x3E8, $0x38;
	[tilespmem:$0x10080] =	vst v63  }
0xc8: {  	s24 =	spop (v2sf)  }
0xc9: {  	[tilespmem:s18], [sflag:$0x2] =	stream.linear.gather [hbm4b:s24+s2], $0x3E8, $0x38;
	[tilespmem:$0x10080] =	vst v63  }
0xca: {  	s25 =	spop (v2sf)  }
0xcb: {  	[tilespmem:s19], [sflag:$0x2] =	stream.linear.gather [hbm4b:s25+s2], $0x3E8, $0x38;
	[tilespmem:$0x10080] =	vst v63  }
0xcc: {  	s23 =	simm.s32 $0x70;
	s29 =	spop (v2sf);
	s24 =	simm.s32 $0x0  }
0xcd: {  	[tilespmem:s20], [sflag:$0x2] =	stream.linear.gather [hbm4b:s29+s2], $0x3E8, $0x38;
	[tilespmem:$0x10080] =	vst v63  }
.LBB2_2:
0xce: {  	_ =	swait.ge [sflag:s21], $0x7D00  }
0xcf: {  	p0 =	seq.s32 s24, $0x2EE00;
	[sflag:s21] =	ssyncset.done $0x0  }
.Ltmp2:
0xd0: {  	s25 =	sadd.s32 s24, s6;
	[sflag:s21] =	ssyncadd.s32 $0xFFFF8300;
	(pc) =	sbr.rel @p0 .LBB2_4-.Ltmp2, $4  }
0xd1: {  	[hbm4b:s25+s2] =	stream.linear.scatter [tilespmem:s8], [sflag:$0x3], $0x7D00, $0x38;
	[tilespmem:$0x10080] =	vst v63  }
0xd2: {  	_ =	swait.ge [sflag:s7], $0x7D00  }
0xd3: {  	[sflag:s7] =	ssyncset.done $0x0  }
0xd4: {  	[sflag:s7] =	ssyncadd.s32 $0xFFFF8300  }
0xd5: {  	v0 =	vld [tilespmem:s23+$0xFFFFFFD0];
	_ =	sdelay $0x4  }
0xd6: {  	v0 =	vmul.u32 $0x3E8, v0;
	_ =	sdelay $0x1  }
0xd7: {  	v0 =	vshrl.u32 v0, $0x3  }
0xd8: {  	v0 =	vadd.s32 s3, v0  }
0xd9: {  	(v2sf) =	vpush v0, $0x0;
	_ =	sdelay $0x1  }
0xda: {  	(v2sf) =	vpush v0, $0x1;
	_ =	sdelay $0x1  }
0xdb: {  	(v2sf) =	vpush v0, $0x2;
	_ =	sdelay $0x1  }
0xdc: {  	(v2sf) =	vpush v0, $0x3;
	_ =	sdelay $0x1  }
0xdd: {  	(v2sf) =	vpush v0, $0x4;
	_ =	sdelay $0x1  }
0xde: {  	(v2sf) =	vpush v0, $0x5;
	_ =	sdelay $0x1  }
0xdf: {  	(v2sf) =	vpush v0, $0x6;
	_ =	sdelay $0x1  }
0xe0: {  	(v2sf) =	vpush v0, $0x7  }
0xe1: {  	s26 =	spop (v2sf)  }
0xe2: {  	(v2sf) =	vpush v0, $0x8;
	[tilespmem:s8], [sflag:$0x1] =	stream.linear.gather [hbm4b:s26+s2], $0x3E8, $0x38;
	[tilespmem:$0x10080] =	vst v63  }
0xe3: {  	s28 =	simm.s32 $0xA68;
	s29 =	spop (v2sf)  }
0xe4: {  	(v2sf) =	vpush v0, $0x9;
	[tilespmem:s28], [sflag:$0x1] =	stream.linear.gather [hbm4b:s29+s2], $0x3E8, $0x38;
	[tilespmem:$0x10080] =	vst v63  }
0xe5: {  	s29 =	spop (v2sf);
	s28 =	simm.s32 $0xE50  }
0xe6: {  	(v2sf) =	vpush v0, $0xA;
	[tilespmem:s28], [sflag:$0x1] =	stream.linear.gather [hbm4b:s29+s2], $0x3E8, $0x38;
	[tilespmem:$0x10080] =	vst v63  }
0xe7: {  	s29 =	spop (v2sf);
	s28 =	simm.s32 $0x1238  }
0xe8: {  	(v2sf) =	vpush v0, $0xB;
	[tilespmem:s28], [sflag:$0x1] =	stream.linear.gather [hbm4b:s29+s2], $0x3E8, $0x38;
	[tilespmem:$0x10080] =	vst v63  }
0xe9: {  	s29 =	spop (v2sf);
	s28 =	simm.s32 $0x1620  }
0xea: {  	(v2sf) =	vpush v0, $0xC;
	[tilespmem:s28], [sflag:$0x1] =	stream.linear.gather [hbm4b:s29+s2], $0x3E8, $0x38;
	[tilespmem:$0x10080] =	vst v63  }
0xeb: {  	s29 =	spop (v2sf);
	s28 =	simm.s32 $0x1A08  }
0xec: {  	(v2sf) =	vpush v0, $0xD;
	[tilespmem:s28], [sflag:$0x1] =	stream.linear.gather [hbm4b:s29+s2], $0x3E8, $0x38;
	[tilespmem:$0x10080] =	vst v63  }
0xed: {  	s29 =	spop (v2sf);
	s28 =	simm.s32 $0x1DF0  }
0xee: {  	(v2sf) =	vpush v0, $0xE;
	[tilespmem:s28], [sflag:$0x1] =	stream.linear.gather [hbm4b:s29+s2], $0x3E8, $0x38;
	[tilespmem:$0x10080] =	vst v63  }
0xef: {  	s29 =	spop (v2sf);
	s28 =	simm.s32 $0x21D8  }
0xf0: {  	(v2sf) =	vpush v0, $0xF;
	[tilespmem:s28], [sflag:$0x1] =	stream.linear.gather [hbm4b:s29+s2], $0x3E8, $0x38;
	[tilespmem:$0x10080] =	vst v63  }
0xf1: {  	s29 =	spop (v2sf);
	s28 =	simm.s32 $0x25C0  }
0xf2: {  	[tilespmem:s28], [sflag:$0x1] =	stream.linear.gather [hbm4b:s29+s2], $0x3E8, $0x38;
	[tilespmem:$0x10080] =	vst v63  }
0xf3: {  	s29 =	spop (v2sf);
	s28 =	simm.s32 $0x29A8  }
0xf4: {  	[tilespmem:s28], [sflag:$0x1] =	stream.linear.gather [hbm4b:s29+s2], $0x3E8, $0x38;
	[tilespmem:$0x10080] =	vst v63  }
0xf5: {  	s29 =	spop (v2sf);
	s28 =	simm.s32 $0x2D90  }
0xf6: {  	[tilespmem:s28], [sflag:$0x1] =	stream.linear.gather [hbm4b:s29+s2], $0x3E8, $0x38;
	[tilespmem:$0x10080] =	vst v63  }
0xf7: {  	s29 =	spop (v2sf);
	s28 =	simm.s32 $0x3178  }
0xf8: {  	[tilespmem:s28], [sflag:$0x1] =	stream.linear.gather [hbm4b:s29+s2], $0x3E8, $0x38;
	[tilespmem:$0x10080] =	vst v63  }
0xf9: {  	s29 =	spop (v2sf);
	s28 =	simm.s32 $0x3560  }
0xfa: {  	[tilespmem:s28], [sflag:$0x1] =	stream.linear.gather [hbm4b:s29+s2], $0x3E8, $0x38;
	[tilespmem:$0x10080] =	vst v63  }
0xfb: {  	s29 =	spop (v2sf);
	s28 =	simm.s32 $0x3948  }
0xfc: {  	[tilespmem:s28], [sflag:$0x1] =	stream.linear.gather [hbm4b:s29+s2], $0x3E8, $0x38;
	[tilespmem:$0x10080] =	vst v63  }
0xfd: {  	s29 =	spop (v2sf);
	s28 =	simm.s32 $0x3D30  }
0xfe: {  	[tilespmem:s28], [sflag:$0x1] =	stream.linear.gather [hbm4b:s29+s2], $0x3E8, $0x38;
	[tilespmem:$0x10080] =	vst v63  }
0xff: {  	s29 =	spop (v2sf);
	s28 =	simm.s32 $0x4118  }
0x100: {  	[tilespmem:s28], [sflag:$0x1] =	stream.linear.gather [hbm4b:s29+s2], $0x3E8, $0x38;
	[tilespmem:$0x10080] =	vst v63  }
0x101: {  	v63 =	vld [tilespmem:s23+$0xFFFFFFE0];
	_ =	sdelay $0x4  }
0x102: {  	v0 =	vmul.u32 $0x3E8, v63;
	_ =	sdelay $0x1  }
0x103: {  	v0 =	vshrl.u32 v0, $0x3  }
0x104: {  	v0 =	vadd.s32 s3, v0  }
0x105: {  	(v2sf) =	vpush v0, $0x0;
	_ =	sdelay $0x1  }
0x106: {  	(v2sf) =	vpush v0, $0x1;
	_ =	sdelay $0x1  }
0x107: {  	(v2sf) =	vpush v0, $0x2;
	_ =	sdelay $0x1  }
0x108: {  	(v2sf) =	vpush v0, $0x3;
	_ =	sdelay $0x1  }
0x109: {  	(v2sf) =	vpush v0, $0x4;
	_ =	sdelay $0x1  }
0x10a: {  	(v2sf) =	vpush v0, $0x5;
	_ =	sdelay $0x1  }
0x10b: {  	(v2sf) =	vpush v0, $0x6;
	_ =	sdelay $0x1  }
0x10c: {  	(v2sf) =	vpush v0, $0x7  }
0x10d: {  	s28 =	simm.s32 $0x4500;
	s29 =	spop (v2sf)  }
0x10e: {  	(v2sf) =	vpush v0, $0x8;
	[tilespmem:s28], [sflag:$0x1] =	stream.linear.gather [hbm4b:s29+s2], $0x3E8, $0x38;
	[tilespmem:$0x10080] =	vst v63  }
0x10f: {  	s29 =	spop (v2sf);
	s28 =	simm.s32 $0x48E8  }
0x110: {  	(v2sf) =	vpush v0, $0x9;
	[tilespmem:s28], [sflag:$0x1] =	stream.linear.gather [hbm4b:s29+s2], $0x3E8, $0x38;
	[tilespmem:$0x10080] =	vst v63  }
0x111: {  	s29 =	spop (v2sf);
	s28 =	simm.s32 $0x4CD0  }
0x112: {  	(v2sf) =	vpush v0, $0xA;
	[tilespmem:s28], [sflag:$0x1] =	stream.linear.gather [hbm4b:s29+s2], $0x3E8, $0x38;
	[tilespmem:$0x10080] =	vst v63  }
0x113: {  	s29 =	spop (v2sf);
	s28 =	simm.s32 $0x50B8  }
0x114: {  	(v2sf) =	vpush v0, $0xB;
	[tilespmem:s28], [sflag:$0x1] =	stream.linear.gather [hbm4b:s29+s2], $0x3E8, $0x38;
	[tilespmem:$0x10080] =	vst v63  }
0x115: {  	s29 =	spop (v2sf);
	s28 =	simm.s32 $0x54A0  }
0x116: {  	(v2sf) =	vpush v0, $0xC;
	[tilespmem:s28], [sflag:$0x1] =	stream.linear.gather [hbm4b:s29+s2], $0x3E8, $0x38;
	[tilespmem:$0x10080] =	vst v63  }
0x117: {  	s29 =	spop (v2sf);
	s28 =	simm.s32 $0x5888  }
0x118: {  	(v2sf) =	vpush v0, $0xD;
	[tilespmem:s28], [sflag:$0x1] =	stream.linear.gather [hbm4b:s29+s2], $0x3E8, $0x38;
	[tilespmem:$0x10080] =	vst v63  }
0x119: {  	s29 =	spop (v2sf);
	s28 =	simm.s32 $0x5C70  }
0x11a: {  	(v2sf) =	vpush v0, $0xE;
	[tilespmem:s28], [sflag:$0x1] =	stream.linear.gather [hbm4b:s29+s2], $0x3E8, $0x38;
	[tilespmem:$0x10080] =	vst v63  }
0x11b: {  	s29 =	spop (v2sf);
	s28 =	simm.s32 $0x6058  }
0x11c: {  	(v2sf) =	vpush v0, $0xF;
	[tilespmem:s28], [sflag:$0x1] =	stream.linear.gather [hbm4b:s29+s2], $0x3E8, $0x38;
	[tilespmem:$0x10080] =	vst v63  }
0x11d: {  	s29 =	spop (v2sf);
	s28 =	simm.s32 $0x6440  }
0x11e: {  	[tilespmem:s28], [sflag:$0x1] =	stream.linear.gather [hbm4b:s29+s2], $0x3E8, $0x38;
	[tilespmem:$0x10080] =	vst v63  }
0x11f: {  	s29 =	spop (v2sf);
	s28 =	simm.s32 $0x6828  }
0x120: {  	[tilespmem:s28], [sflag:$0x1] =	stream.linear.gather [hbm4b:s29+s2], $0x3E8, $0x38;
	[tilespmem:$0x10080] =	vst v63  }
0x121: {  	s29 =	spop (v2sf);
	s28 =	simm.s32 $0x6C10  }
0x122: {  	[tilespmem:s28], [sflag:$0x1] =	stream.linear.gather [hbm4b:s29+s2], $0x3E8, $0x38;
	[tilespmem:$0x10080] =	vst v63  }
0x123: {  	s29 =	spop (v2sf);
	s28 =	simm.s32 $0x6FF8  }
0x124: {  	[tilespmem:s28], [sflag:$0x1] =	stream.linear.gather [hbm4b:s29+s2], $0x3E8, $0x38;
	[tilespmem:$0x10080] =	vst v63  }
0x125: {  	s29 =	spop (v2sf);
	s28 =	simm.s32 $0x73E0  }
0x126: {  	[tilespmem:s28], [sflag:$0x1] =	stream.linear.gather [hbm4b:s29+s2], $0x3E8, $0x38;
	[tilespmem:$0x10080] =	vst v63  }
0x127: {  	s29 =	spop (v2sf);
	s28 =	simm.s32 $0x77C8  }
0x128: {  	[tilespmem:s28], [sflag:$0x1] =	stream.linear.gather [hbm4b:s29+s2], $0x3E8, $0x38;
	[tilespmem:$0x10080] =	vst v63  }
0x129: {  	s29 =	spop (v2sf);
	s28 =	simm.s32 $0x7BB0  }
0x12a: {  	[tilespmem:s28], [sflag:$0x1] =	stream.linear.gather [hbm4b:s29+s2], $0x3E8, $0x38;
	[tilespmem:$0x10080] =	vst v63  }
0x12b: {  	s29 =	spop (v2sf);
	s28 =	simm.s32 $0x7F98  }
0x12c: {  	[tilespmem:s28], [sflag:$0x1] =	stream.linear.gather [hbm4b:s29+s2], $0x3E8, $0x38;
	[tilespmem:$0x10080] =	vst v63  }
0x12d: {  	s26 =	simm.s32 $0x8768;
	s28 =	simm.s32 $0x8B50  }
.LBB2_4:
0x12e: {  	_ =	swait.ge [sflag:s22], $0x7D00  }
0x12f: {  	[sflag:s22] =	ssyncset.done $0x0  }
.Ltmp3:
0x130: {  	s25 =	sadd.s32 $0xFA0, s25;
	[sflag:s22] =	ssyncadd.s32 $0xFFFF8300;
	(pc) =	sbr.rel @p0 .LBB2_6-.Ltmp3, $4  }
0x131: {  	[hbm4b:s25+s2] =	stream.linear.scatter [tilespmem:s14], [sflag:$0x3], $0x7D00, $0x38;
	[tilespmem:$0x10080] =	vst v63  }
0x132: {  	_ =	swait.ge [sflag:s7], $0x7D00  }
0x133: {  	[sflag:s7] =	ssyncset.done $0x0  }
0x134: {  	[sflag:s7] =	ssyncadd.s32 $0xFFFF8300  }
0x135: {  	v0 =	vld [tilespmem:s23+$0xFFFFFFF0];
	_ =	sdelay $0x4  }
0x136: {  	v0 =	vmul.u32 $0x3E8, v0;
	_ =	sdelay $0x1  }
0x137: {  	v0 =	vshrl.u32 v0, $0x3  }
0x138: {  	v0 =	vadd.s32 s3, v0  }
0x139: {  	(v2sf) =	vpush v0, $0x0;
	_ =	sdelay $0x1  }
0x13a: {  	(v2sf) =	vpush v0, $0x1;
	_ =	sdelay $0x1  }
0x13b: {  	(v2sf) =	vpush v0, $0x2;
	_ =	sdelay $0x1  }
0x13c: {  	(v2sf) =	vpush v0, $0x3;
	_ =	sdelay $0x1  }
0x13d: {  	(v2sf) =	vpush v0, $0x4;
	_ =	sdelay $0x1  }
0x13e: {  	(v2sf) =	vpush v0, $0x5;
	_ =	sdelay $0x1  }
0x13f: {  	(v2sf) =	vpush v0, $0x6;
	_ =	sdelay $0x1  }
0x140: {  	(v2sf) =	vpush v0, $0x7  }
0x141: {  	s25 =	spop (v2sf)  }
0x142: {  	(v2sf) =	vpush v0, $0x8;
	[tilespmem:s14], [sflag:$0x2] =	stream.linear.gather [hbm4b:s25+s2], $0x3E8, $0x38;
	[tilespmem:$0x10080] =	vst v63  }
0x143: {  	s29 =	spop (v2sf)  }
0x144: {  	(v2sf) =	vpush v0, $0x9;
	[tilespmem:s26], [sflag:$0x2] =	stream.linear.gather [hbm4b:s29+s2], $0x3E8, $0x38;
	[tilespmem:$0x10080] =	vst v63  }
0x145: {  	s29 =	spop (v2sf)  }
0x146: {  	(v2sf) =	vpush v0, $0xA;
	[tilespmem:s28], [sflag:$0x2] =	stream.linear.gather [hbm4b:s29+s2], $0x3E8, $0x38;
	[tilespmem:$0x10080] =	vst v63  }
0x147: {  	s25 =	spop (v2sf);
	s29 =	simm.s32 $0x8F38  }
0x148: {  	(v2sf) =	vpush v0, $0xB;
	[tilespmem:s29], [sflag:$0x2] =	stream.linear.gather [hbm4b:s25+s2], $0x3E8, $0x38;
	[tilespmem:$0x10080] =	vst v63  }
0x149: {  	s25 =	spop (v2sf);
	s29 =	simm.s32 $0x9320  }
0x14a: {  	(v2sf) =	vpush v0, $0xC;
	[tilespmem:s29], [sflag:$0x2] =	stream.linear.gather [hbm4b:s25+s2], $0x3E8, $0x38;
	[tilespmem:$0x10080] =	vst v63  }
0x14b: {  	s25 =	spop (v2sf);
	s29 =	simm.s32 $0x9708  }
0x14c: {  	(v2sf) =	vpush v0, $0xD;
	[tilespmem:s29], [sflag:$0x2] =	stream.linear.gather [hbm4b:s25+s2], $0x3E8, $0x38;
	[tilespmem:$0x10080] =	vst v63  }
0x14d: {  	s25 =	spop (v2sf);
	s29 =	simm.s32 $0x9AF0  }
0x14e: {  	(v2sf) =	vpush v0, $0xE;
	[tilespmem:s29], [sflag:$0x2] =	stream.linear.gather [hbm4b:s25+s2], $0x3E8, $0x38;
	[tilespmem:$0x10080] =	vst v63  }
0x14f: {  	s25 =	spop (v2sf);
	s29 =	simm.s32 $0x9ED8  }
0x150: {  	(v2sf) =	vpush v0, $0xF;
	[tilespmem:s29], [sflag:$0x2] =	stream.linear.gather [hbm4b:s25+s2], $0x3E8, $0x38;
	[tilespmem:$0x10080] =	vst v63  }
0x151: {  	s25 =	spop (v2sf);
	s29 =	simm.s32 $0xA2C0  }
0x152: {  	[tilespmem:s29], [sflag:$0x2] =	stream.linear.gather [hbm4b:s25+s2], $0x3E8, $0x38;
	[tilespmem:$0x10080] =	vst v63  }
0x153: {  	s25 =	spop (v2sf);
	s29 =	simm.s32 $0xA6A8  }
0x154: {  	[tilespmem:s29], [sflag:$0x2] =	stream.linear.gather [hbm4b:s25+s2], $0x3E8, $0x38;
	[tilespmem:$0x10080] =	vst v63  }
0x155: {  	s25 =	spop (v2sf);
	s29 =	simm.s32 $0xAA90  }
0x156: {  	[tilespmem:s29], [sflag:$0x2] =	stream.linear.gather [hbm4b:s25+s2], $0x3E8, $0x38;
	[tilespmem:$0x10080] =	vst v63  }
0x157: {  	s25 =	spop (v2sf);
	s29 =	simm.s32 $0xAE78  }
0x158: {  	[tilespmem:s29], [sflag:$0x2] =	stream.linear.gather [hbm4b:s25+s2], $0x3E8, $0x38;
	[tilespmem:$0x10080] =	vst v63  }
0x159: {  	s25 =	spop (v2sf);
	s29 =	simm.s32 $0xB260  }
0x15a: {  	[tilespmem:s29], [sflag:$0x2] =	stream.linear.gather [hbm4b:s25+s2], $0x3E8, $0x38;
	[tilespmem:$0x10080] =	vst v63  }
0x15b: {  	s25 =	spop (v2sf);
	s29 =	simm.s32 $0xB648  }
0x15c: {  	[tilespmem:s29], [sflag:$0x2] =	stream.linear.gather [hbm4b:s25+s2], $0x3E8, $0x38;
	[tilespmem:$0x10080] =	vst v63  }
0x15d: {  	s25 =	spop (v2sf);
	s29 =	simm.s32 $0xBA30  }
0x15e: {  	[tilespmem:s29], [sflag:$0x2] =	stream.linear.gather [hbm4b:s25+s2], $0x3E8, $0x38;
	[tilespmem:$0x10080] =	vst v63  }
0x15f: {  	s29 =	spop (v2sf)  }
0x160: {  	[tilespmem:s30], [sflag:$0x2] =	stream.linear.gather [hbm4b:s29+s2], $0x3E8, $0x38;
	[tilespmem:$0x10080] =	vst v63  }
0x161: {  	v63 =	vld [tilespmem:s23+$0x0];
	_ =	sdelay $0x4  }
0x162: {  	v0 =	vmul.u32 $0x3E8, v63;
	_ =	sdelay $0x1  }
0x163: {  	v0 =	vshrl.u32 v0, $0x3  }
0x164: {  	v0 =	vadd.s32 s3, v0  }
0x165: {  	(v2sf) =	vpush v0, $0x0;
	_ =	sdelay $0x1  }
0x166: {  	(v2sf) =	vpush v0, $0x1;
	_ =	sdelay $0x1  }
0x167: {  	(v2sf) =	vpush v0, $0x2;
	_ =	sdelay $0x1  }
0x168: {  	(v2sf) =	vpush v0, $0x3;
	_ =	sdelay $0x1  }
0x169: {  	(v2sf) =	vpush v0, $0x4;
	_ =	sdelay $0x1  }
0x16a: {  	(v2sf) =	vpush v0, $0x5;
	_ =	sdelay $0x1  }
0x16b: {  	(v2sf) =	vpush v0, $0x6;
	_ =	sdelay $0x1  }
0x16c: {  	(v2sf) =	vpush v0, $0x7  }
0x16d: {  	s29 =	spop (v2sf)  }
0x16e: {  	(v2sf) =	vpush v0, $0x8;
	[tilespmem:s31], [sflag:$0x2] =	stream.linear.gather [hbm4b:s29+s2], $0x3E8, $0x38;
	[tilespmem:$0x10080] =	vst v63  }
0x16f: {  	s29 =	spop (v2sf)  }
0x170: {  	(v2sf) =	vpush v0, $0x9;
	[tilespmem:s1], [sflag:$0x2] =	stream.linear.gather [hbm4b:s29+s2], $0x3E8, $0x38;
	[tilespmem:$0x10080] =	vst v63  }
0x171: {  	s29 =	spop (v2sf)  }
0x172: {  	(v2sf) =	vpush v0, $0xA;
	[tilespmem:s0], [sflag:$0x2] =	stream.linear.gather [hbm4b:s29+s2], $0x3E8, $0x38;
	[tilespmem:$0x10080] =	vst v63  }
0x173: {  	s29 =	spop (v2sf)  }
0x174: {  	(v2sf) =	vpush v0, $0xB;
	[tilespmem:s4], [sflag:$0x2] =	stream.linear.gather [hbm4b:s29+s2], $0x3E8, $0x38;
	[tilespmem:$0x10080] =	vst v63  }
0x175: {  	s29 =	spop (v2sf)  }
0x176: {  	(v2sf) =	vpush v0, $0xC;
	[tilespmem:s5], [sflag:$0x2] =	stream.linear.gather [hbm4b:s29+s2], $0x3E8, $0x38;
	[tilespmem:$0x10080] =	vst v63  }
0x177: {  	s29 =	spop (v2sf)  }
0x178: {  	(v2sf) =	vpush v0, $0xD;
	[tilespmem:s9], [sflag:$0x2] =	stream.linear.gather [hbm4b:s29+s2], $0x3E8, $0x38;
	[tilespmem:$0x10080] =	vst v63  }
0x179: {  	s29 =	spop (v2sf)  }
0x17a: {  	[tilespmem:s10], [sflag:$0x2] =	stream.linear.gather [hbm4b:s29+s2], $0x3E8, $0x38;
	[tilespmem:$0x10080] =	vst v63  }
0x17b: {  	(v2sf) =	vpush v0, $0xE;
	s29 =	spop (v2sf)  }
0x17c: {  	[tilespmem:s11], [sflag:$0x2] =	stream.linear.gather [hbm4b:s29+s2], $0x3E8, $0x38;
	[tilespmem:$0x10080] =	vst v63  }
0x17d: {  	(v2sf) =	vpush v0, $0xF;
	s29 =	spop (v2sf)  }
0x17e: {  	[tilespmem:s12], [sflag:$0x2] =	stream.linear.gather [hbm4b:s29+s2], $0x3E8, $0x38;
	[tilespmem:$0x10080] =	vst v63  }
0x17f: {  	s29 =	spop (v2sf)  }
0x180: {  	[tilespmem:s13], [sflag:$0x2] =	stream.linear.gather [hbm4b:s29+s2], $0x3E8, $0x38;
	[tilespmem:$0x10080] =	vst v63  }
0x181: {  	s29 =	spop (v2sf)  }
0x182: {  	[tilespmem:s15], [sflag:$0x2] =	stream.linear.gather [hbm4b:s29+s2], $0x3E8, $0x38;
	[tilespmem:$0x10080] =	vst v63  }
0x183: {  	s29 =	spop (v2sf)  }
0x184: {  	[tilespmem:s16], [sflag:$0x2] =	stream.linear.gather [hbm4b:s29+s2], $0x3E8, $0x38;
	[tilespmem:$0x10080] =	vst v63  }
0x185: {  	s29 =	spop (v2sf)  }
0x186: {  	[tilespmem:s17], [sflag:$0x2] =	stream.linear.gather [hbm4b:s29+s2], $0x3E8, $0x38;
	[tilespmem:$0x10080] =	vst v63  }
0x187: {  	s29 =	spop (v2sf)  }
0x188: {  	[tilespmem:s18], [sflag:$0x2] =	stream.linear.gather [hbm4b:s29+s2], $0x3E8, $0x38;
	[tilespmem:$0x10080] =	vst v63  }
.Ltmp4:
0x189: {  	_ = 	snop;
	(pc) =	sbr.rel .LBB2_2-.Ltmp4, $4  }
0x18a: {  	s29 =	spop (v2sf)  }
0x18b: {  	[tilespmem:s19], [sflag:$0x2] =	stream.linear.gather [hbm4b:s29+s2], $0x3E8, $0x38;
	[tilespmem:$0x10080] =	vst v63  }
0x18c: {  	s24 =	sadd.s32 $0x1F40, s24;
	s23 =	sadd.s32 $0x40, s23;
	s29 =	spop (v2sf)  }
0x18d: {  	[tilespmem:s20], [sflag:$0x2] =	stream.linear.gather [hbm4b:s29+s2], $0x3E8, $0x38;
	[tilespmem:$0x10080] =	vst v63  }
.LBB2_7:
0x18e: {  	_ =	sfence.sel $0x180000  }
0x18f: {  	[bflag:$0x0] =	sbarrier.arrive $0xFFFF  }
0x190: {  	_ =	strace $0x90000047  }
0x191: {  	s0 =	stileid.u32;
	[bflag:$0x2] =	sbarrier.arrive $0xFFFF  }
0x192: {  	p0 =	sne.s32 s0, $0x0;
	s0 =	rddreg [dreg:$0x2]  }
0x193: {  	s0 =	sadd.s32 @!p0 $0x100000, s0  }
0x194: {  	[sflag:s0] =	ssyncadd.tile.s32 @!p0 $0x1;
	_ =	shalt  }
.Lfunc_end2:
_tile_overlayer_lowered:
.L_overlay_start_2:
0x195: {  	(tag) =	ssettag $0x2  }
0x196: {  	s0 =	rddreg [dreg:$0x0];
	s2 =	stileid.u32  }
0x197: {  	s1 =	rddreg [dreg:$0x1];
	p0 =	sne.s32 s2, $0x0  }
0x198: {  	s3 =	rddreg [dreg:$0x2];
	[bflag:$0x3] =	sbarrier.arrive $0xFFFF;
	s2 =	simm.s32 @!p0 $0x1C03  }
0x199: {  	[timem:s3], [sflag:s2] =	dma.local @!p0 [hbm:s0], s1  }
0x19a: {  	s0 =	simm.s32 @!p0 $0x3  }
0x19b: {  	_ =	swait.ge @!p0 [sflag:s0], s1  }
0x19c: {  	s1 =	ssub.s32 @!p0 $0x0, s1;
	[sflag:s0] =	ssyncset.done @!p0 $0x0  }
0x19d: {  	[sflag:s0] =	ssyncadd.s32 @!p0 s1  }
0x19e: {  	[bflag:$0x3] =	sbarrier.arrive $0xFFFF  }
0x19f: {  	_ =	shalt  }

// kernel: sparse-core-data-format-call.cloned.1.call-start
scs
called_computation_lowered:
.L_overlay_start_0:
0x0: {  	s2 =	sld [smem:$0x3FD9]  }
0x1: {  	s3 =	sld [smem:$0x3FFE];
	_ =	sdelay $0x1  }
0x2: {  	s1 =	srdreg.scid  }
0x3: {  	s0 =	sand.u32 $0x1, s1  }
0x4: {  	s18 =	sshll.u32 s0, $0xA;
	s2 =	sadd.s32 s3, s2  }
0x5: {  	s2 =	sadd.s32 s2, s18  }
0x6: {  	[smem:$0x3FC6] =	sst s2  }
0x7: {  	_ = 	snop  }
0x8: {  	s2 =	sld [smem:$0x3FD0];
	(tm) =	ssettm $0x1  }
0x9: {  	s19 =	sld [smem:$0x3FFB];
	_ =	sdelay $0x3  }
0xa: {  	_ =	strace s19  }
0xb: {  	s3 =	sld [smem:$0x3FFC];
	_ =	sdelay $0x3  }
0xc: {  	_ =	strace s3  }
0xd: {  	s3 =	sld [smem:$0x3FFD];
	_ =	sdelay $0x3  }
0xe: {  	_ =	strace s3  }
0xf: {  	_ =	strace $0x8FFFFFFF  }
0x10: {  	s20 =	sld [smem:$0x3FDB];
	_ =	sdelay $0x1  }
0x11: {  	s4 =	simm.s32 $_scs_section_size  }
0x12: {  	s5 =	simm.s32 $_size__tile_overlayer_lowered;
	s6 =	simm.s32 $_tile_overlayer_lowered  }
0x13: {  	s23 =	simm.s32 $0x1BFF;
	s22 =	sshll.u32 s6, $0x1;
	s3 =	sadd.s32 s4, s20  }
0x14: {  	s7 =	simm.s32 $0x0;
	s21 =	sshll.u32 s5, $0x1;
	s5 =	sadd.s32 s22, s3  }
0x15: {  	[timem:s7], [sflag:s23] =	dma.local [hbm:s5], s21  }
0x16: {  	_ =	swait.ge [sflag:s23], s21  }
0x17: {  	s4 =	ssub.s32 $0x0, s21;
	[sflag:s23] =	ssyncset.done $0x0  }
0x18: {  	[sflag:s23] =	ssyncadd.s32 s4;
	_ =	sdelay $0x1  }
0x19: {  	s24 =	simm.s32 $0x1B8B  }
0x1a: {  	_ =	swait.ge [sflag:s24], $0x1  }
0x1b: {  	[sflag:s24] =	ssyncset.done $0x0  }
0x1c: {  	s26 =	simm.s32 $0x1B8E;
	s25 =	sld [smem:$0x3FFE];
	[sflag:s24] =	ssyncadd.s32 $0xFFFFFFFF  }
0x1d: {  	s27 =	simm.s32 $execute0_lowered;
	[smem:$0x3FD2] =	sst s26  }
0x1e: {  	s5 =	sshll.u32 s27, $0x1;
	_ =	strace $0x80000049;
	[dreg:$0x1] =	wrdreg $0xFFFFFFFF  }
0x1f: {  	s28 =	simm.s32 $_size_execute0_lowered;
	s3 =	sadd.s32 s3, s5;
	[dreg:$0x0] =	wrdreg $0x0  }
0x20: {  	s5 =	sshll.u32 s28, $0x1;
	[dreg:$0x2] =	wrdreg s3  }
0x21: {  	[dreg:$0x3] =	wrdreg s5  }
0x22: {  	[dreg:$0x4] =	wrdreg $0xC0  }
0x23: {  	_ =	task [dreg:s7], $0x5FFFF  }
0x24: {  	[dreg:$0x1] =	wrdreg $0xFFFFFFFF  }
0x25: {  	[dreg:$0x0] =	wrdreg $0x60  }
0x26: {  	[dreg:$0x2] =	wrdreg s25  }
0x27: {  	[dreg:$0x3] =	wrdreg s2  }
0x28: {  	[dreg:$0x4] =	wrdreg $0x9  }
0x29: {  	_ =	task.clear_ibuf [dreg:s7], $0x5FFFF;
	_ =	strace $0x90000049  }
0x2a: {  	s29 =	simm.s32 $0x9;
	_ =	strace $0x8000004B  }
0x2b: {  	_ =	swait.ge [sflag:s29], $0x1  }
0x2c: {  	[sflag:s29] =	ssyncadd.s32 $0xFFFFFFFF  }
0x2d: {  	_ =	strace $0x9000004B  }
0x2e: {  	_ =	sfence  }
0x2f: {  	s30 =	sld [smem:$0x0];
	_ =	sdelay $0x2  }
0x30: {  	s31 =	sshll.u32 s1, $0xD;
	s1 =	sshrl.u32 s1, $0x2  }
0x31: {  	s3 =	sand.u32 $0x4000, s31;
	s1 =	sadd.s32 s1, s30  }
0x32: {  	s0 =	sor.u32 s3, s0;
	s1 =	sshll.u32 s1, $0x11  }
0x33: {  	s0 =	sor.u32 s1, s0  }
0x34: {  	s0 =	sadd.s32 $0x8F2B, s0  }
0x35: {  	[sflag:s0] =	ssyncadd.remote.s32 $0x1  }
0x36: {  	_ =	sfence.sel $0xFFFF  }
0x37: {  	[dreg:$0x0] =	wrdreg $0xFFFFFFFF;
	(pc) =	sbr.abs _section_cstart, $3  }
0x38: {  	[dreg:$0x1] =	wrdreg $0xFFFFFFFF  }
0x39: {  	_ =	task.clear_ibuf [dreg:s7], $0x2FFFF;
	_ =	strace $0x9FFFFFFF  }
0x3a: {  	(tm) =	ssettm $0x7FFFFFFF  }
0x3b: {  	_ =	shalt  }
tec
execute0_lowered:
.L_overlay_start_1:
0x0: {  	(tag) =	ssettag $0x1  }
0x1: {  	s4 =	rddreg [dreg:$0x0]  }
0x2: {  	s0 =	stileid.u32;
	s2 =	rddreg [dreg:$0x1]  }
0x3: {  	s7 =	srdreg.scid;
	s31 =	simm.s32 $0x2;
	s17 =	simm.s32 $0x0  }
0x4: {  	s9 =	simm.s32 $0x2000;
	s19 =	simm.s32 $0x0;
	s18 =	simm.s32 $0x0  }
0x5: {  	s10 =	simm.s32 $0x0;
	s11 =	simm.s32 $0x0;
	s1 =	sshll.u32 s0, $0x7  }
0x6: {  	s12 =	simm.s32 $0x0;
	s14 =	simm.s32 $0x0;
	s3 =	sand.u32 $0x380, s1  }
0x7: {  	s16 =	simm.s32 $0x0;
	s4 =	sadd.s32 $0x800, s4;
	s5 =	ssub.s32 $0x400, s3  }
0x8: {  	s8 =	sshll.u32 s0, $0x4;
	s7 =	sshll.u32 s7, $0x8;
	s6 =	sand.u32 $0x380, s5  }
0x9: {  	s1 =	rddreg [dreg:$0x2];
	p0 =	sne.s32 s6, $0x0;
	s6 =	simm.s32 $0x1  }
.Ltmp0:
0xa: {  	s5 =	sshrl.u32 s5, $0xA;
	s6 =	simm.s32 @!p0 $0x0;
	(pc) =	sbr.rel .LBB1_1-.Ltmp0, $4  }
0xb: {  	_ =	strace $0x8000004A;
	s7 =	sor.u32 s8, s7;
	s6 =	sadd.s32 s6, s5  }
0xc: {  	s7 =	sand.u32 $0x180, s7;
	s5 =	simm.s32 $0x1;
	s6 =	smul.u32 $0x64, s6  }
0xd: {  	s15 =	smov.u32 s3;
	s13 =	smov.u32 s7;
	[sflag:s5] =	ssyncpa.u1 $0x0  }
0xe: {  	p0 =	por $0x0, $0x0;
	[sflag:s31] =	ssyncpa.u1 $0x0;
	s8 =	sor.u32 $0x1, s6  }
.LBB1_4:
0xf: {  	s25 =	sshll.u32 s10, $0xA;
	s24 =	sshra.s32 s24, $0x2;
	s26 =	sshll.u32 s12, $0x3  }
0x10: {  	p1 =	sgt.s32 s11, $0x31;
	s27 =	smov.u32 s11;
	s28 =	sshra.s32 s11, $0x1F  }
0x11: {  	p2 =	sgt.s32 s12, $0x380;
	s31 =	sshra.s32 s12, $0x1F;
	s25 =	sand.u32 $0xFFFFE000, s25  }
0x12: {  	s26 =	sand.u32 $0xFFFFFC00, s26;
	s27 =	simm.s32 @!p1 $0x31;
	s28 =	sand.u32 s28, s11  }
0x13: {  	[tilespmem:s22+$0x2040 ss:$0x81] =	vst.msk $0xffff, v4;
	s23 =	sadd.s32 s24, s23;
	s29 =	sadd.s32 s26, s25;
	s25 =	ssub.s32 s27, s28  }
0x14: {  	[tilespmem:s22+$0x2850 ss:$0x81] =	vst.msk $0xffff, v3;
	s27 =	smov.u32 s12;
	s28 =	smov.u32 s10;
	s26 =	sand.u32 s31, s12  }
0x15: {  	[tilespmem:s22+$0x3060 ss:$0x81] =	vst.msk $0xffff, v2;
	s24 =	sshrl.u32 s29, $0xA;
	s30 =	sadd.s32 $0xFFFFFFCF, s25;
	s27 =	simm.s32 @!p2 $0x380  }
0x16: {  	v5 =	vld [tilespmem:s21+$0xFFFFFFD0];
	[tilespmem:s22+$0x0 ss:$0x81] =	vst.msk $0xffff, v1;
	p2 =	sgt.s32 s10, $0x368;
	s29 =	sshra.s32 s10, $0x1F;
	s22 =	ssub.s32 $0x32, s25  }
0x17: {  	v58 =	vld [tilespmem:s21+$0xFFFFFFE0];
	p1 =	sgt.s32 s30, $0x0;
	s28 =	simm.s32 @!p2 $0x368;
	s29 =	sand.u32 s29, s10  }
0x18: {  	v59 =	vld [tilespmem:s21+$0xFFFFFFF0];
	s26 =	ssub.s32 s27, s26;
	s27 =	smulhi.u32 $0x418938, s24;
	s28 =	ssub.s32 s28, s29  }
0x19: {  	v60 =	vld [tilespmem:s21+$0x0];
	s30 =	sadd.s32 $0xFFFFFC80, s26;
	s25 =	ssub.s32 $0x400, s26;
	s22 =	simm.s32 @p1 $0x0  }
0x1a: {  	v61 =	vld [tilespmem:s21+$0x10];
	[tilespmem:s23+$0x3870 ss:$0x81] =	vst.msk $0xffff, v0;
	s29 =	sand.u32 $0x78, s12;
	p2 =	sgt.s32 s30, $0x7F;
	s31 =	sadd.s32 $0xFFFFFC98, s28  }
0x1b: {  	v62 =	vld [tilespmem:s21+$0x20];
	[tilespmem:s23+$0x810 ss:$0x81] =	vst.msk $0xffff, v5;
	s27 =	smul.u32 $0x3E8, s27;
	s30 =	sshll.u32 s10, $0x7;
	s28 =	ssub.s32 $0x3E8, s28  }
0x1c: {  	v63 =	vld [tilespmem:s21+$0xFFFFFFC0];
	[tilespmem:s23+$0x1020 ss:$0x81] =	vst.msk $0xffff, v58;
	s25 =	simm.s32 @p2 $0x0;
	p1 =	sgt.s32 s31, $0x7F;
	s31 =	smul.u32 $0x1F400, s11  }
0x1d: {  	[tilespmem:s23+$0x1830 ss:$0x81] =	vst.msk $0xffff, v59;
	s21 =	sand.u32 $0x380, s30;
	s22 =	smul.u32 s25, s22;
	s28 =	simm.s32 @p1 $0x0  }
0x1e: {  	[tilespmem:s23+$0x2040 ss:$0x81] =	vst.msk $0xffff, v60;
	s21 =	sor.u32 s29, s21;
	s24 =	ssub.s32 s24, s27;
	s29 =	sand.u32 $0x7, s12  }
0x1f: {  	[tilespmem:s23+$0x2850 ss:$0x81] =	vst.msk $0xffff, v61;
	s21 =	sshrl.u32 s21, $0x3;
	s25 =	sadd.s32 s2, s31;
	s22 =	smul.u32 s28, s22  }
0x20: {  	[tilespmem:s23+$0x3060 ss:$0x81] =	vst.msk $0xffff, v62;
	s24 =	sshll.u32 s24, $0x7;
	s30 =	sshll.u32 s29, $0x12;
	s21 =	sadd.s32 s21, s25  }
0x21: {  	[tilespmem:s23+$0x0 ss:$0x81] =	vst.msk $0xffff, v63;
	s31 =	sor.u32 $0x400, s30;
	s21 =	sadd.s32 s24, s21;
	s22 =	sand.u32 $0x3FFFFFFF, s22  }
0x22: {  	[hbm4b:s21+s31] =	stream.strided.scatter [tilespmem:s20], [sflag:$0x2], s22, s9, s31, $0x20;
	[tilespmem:$0x10100] =	vst v63  }
.LBB1_5:
0x23: {  	p1 =	slt.u32 s16, $0x2  }
0x24: {  	p2 =	sgt.s32 @!p1 s19, $0x31  }
0x25: {  	s20 =	smov.u32 s19;
	s21 =	sshra.s32 @!p1 s19, $0x1F;
	p2 =	por !p2, p1  }
0x26: {  	s19 =	sand.u32 @!p1 s21, s19;
	s20 =	simm.s32 @p2 $0x31  }
0x27: {  	p3 =	sgt.s32 @!p1 s17, $0x368;
	s19 =	ssub.s32 @!p1 s20, s19  }
0x28: {  	p4 =	sgt.s32 @!p1 s18, $0x380;
	s22 =	sshra.s32 @!p1 s18, $0x1F;
	s20 =	sadd.s32 @!p1 $0xFFFFFFCF, s19  }
0x29: {  	s21 =	smov.u32 s17;
	p2 =	sgt.s32 @!p1 s20, $0x0;
	s20 =	sshra.s32 @!p1 s17, $0x1F  }
0x2a: {  	p4 =	por !p4, p1;
	s17 =	sand.u32 @!p1 s20, s17;
	s20 =	smov.u32 s18  }
0x2b: {  	p3 =	por !p3, p1;
	s18 =	sand.u32 @!p1 s22, s18;
	s20 =	simm.s32 @p4 $0x380  }
0x2c: {  	s21 =	simm.s32 @p3 $0x368;
	s19 =	ssub.s32 @!p1 $0x32, s19;
	s18 =	ssub.s32 @!p1 s20, s18  }
0x2d: {  	p2 =	por !p2, p1;
	s17 =	ssub.s32 @!p1 s21, s17;
	s21 =	sadd.s32 @!p1 $0xFFFFFC80, s18  }
0x2e: {  	s19 =	simm.s32 @!p2 $0x0;
	p3 =	sgt.s32 @!p1 s21, $0x7F  }
0x2f: {  	s20 =	sadd.s32 @!p1 $0xFFFFFC98, s17;
	s18 =	ssub.s32 @!p1 $0x400, s18;
	p3 =	por !p3, p1  }
0x30: {  	p2 =	sgt.s32 @!p1 s20, $0x7F;
	s20 =	sadd.s32 $0x200, s13;
	s18 =	simm.s32 @!p3 $0x0  }
0x31: {  	p3 =	sgt.s32 s20, $0x3E7;
	s18 =	smul.u32 @!p1 s18, s19;
	s19 =	simm.s32 $0x1  }
0x32: {  	s17 =	ssub.s32 @!p1 $0x3E8, s17;
	p2 =	por !p2, p1;
	s19 =	simm.s32 @!p3 $0x0  }
0x33: {  	s22 =	smov.u32 s15;
	s17 =	simm.s32 @!p2 $0x0;
	s21 =	sadd.s32 s19, s14  }
0x34: {  	s17 =	smul.u32 @!p1 s17, s18;
	s18 =	sadd.s32 $0x400, s15;
	p2 =	sgt.s32 s21, $0x31  }
0x35: {  	p0 =	por !p0, !p0;
	s23 =	simm.s32 @!p1 $0x2;
	s22 =	smov.u32 @p2 s18  }
0x36: {  	s20 =	smov.u32 @p3 s7;
	s21 =	simm.s32 @p2 $0x0;
	p2 =	sgt.s32 s22, $0x3FF  }
0x37: {  	s19 =	smov.u32 s11;
	s22 =	smov.u32 @p2 s3;
	p2 =	sne.s32 s16, s8  }
.Ltmp1:
0x38: {  	s11 =	smov.u32 s14;
	s17 =	sand.u32 @!p1 $0x3FFFFFFF, s17;
	(pc) =	sbr.rel @!p2 .LBB1_6-.Ltmp1, $4  }
0x39: {  	s18 =	smov.u32 s12;
	s12 =	smov.u32 s15;
	_ =	swait.ge @!p1 [sflag:s23], s17  }
0x3a: {  	s24 =	ssub.s32 @!p1 $0x0, s17;
	s17 =	smov.u32 s10;
	s10 =	smov.u32 s13  }
0x3b: {  	s13 =	smov.u32 s20;
	s14 =	smov.u32 s21;
	[sflag:s23] =	ssyncset.done @!p1 $0x0  }
0x3c: {  	s16 =	sadd.s32 $0x1, s16;
	[sflag:s23] =	ssyncadd.s32 @!p1 s24;
	s15 =	smov.u32 s22  }
.LBB1_1:
0x3d: {  	p1 =	sge.u32 s16, s6  }
0x3e: {  	s20 =	sshll.u32 @!p1 s14, $0xA  }
0x3f: {  	s21 =	sshll.u32 @!p1 s13, $0x3;
	s20 =	sand.u32 @!p1 $0xFFFFE000, s20  }
0x40: {  	s20 =	sadd.s32 @!p1 s20, s21  }
0x41: {  	s20 =	sshrl.u32 @!p1 s20, $0xA  }
0x42: {  	s21 =	smulhi.u32 @!p1 $0x4924925, s20  }
0x43: {  	s22 =	sshll.u32 @!p1 s14, $0x7;
	s24 =	smul.u32 @!p1 $0x1C00, s15  }
0x44: {  	s23 =	sand.u32 @!p1 $0x78, s13;
	s22 =	sand.u32 @!p1 $0x380, s22;
	s21 =	smul.u32 @!p1 $0x38, s21  }
0x45: {  	s31 =	sadd.s32 $0xFFFFFFFF, s16;
	s22 =	sor.u32 @!p1 s23, s22;
	s23 =	sadd.s32 @!p1 s4, s24  }
0x46: {  	s22 =	sshrl.u32 @!p1 s22, $0x3;
	s20 =	ssub.s32 @!p1 s20, s21;
	s21 =	sxor.u32 @!p1 $0xFFFFFFFF, s16  }
0x47: {  	s22 =	sadd.s32 @!p1 s22, s23;
	s23 =	sand.u32 @!p1 $0x7, s13;
	s21 =	sshll.u32 @!p1 s21, $0xE  }
0x48: {  	s23 =	sshll.u32 @!p1 s23, $0x12;
	s20 =	sshll.u32 @!p1 s20, $0x7;
	s21 =	sand.u32 @!p1 $0x4000, s21  }
0x49: {  	s20 =	sadd.s32 @!p1 s20, s22;
	s22 =	sor.u32 @!p1 $0x80, s23;
	s23 =	simm.s32 @!p1 $0xE000  }
0x4a: {  	[tilespmem:s21], [sflag:$0x1] =	stream.strided.gather @!p1 [hbm4b:s20+s22], $0x4000, s23, s22, $0x38;
	[tilespmem:$0x10100] =	vst v63  }
0x4b: {  	p1 =	sge.u32 s31, s6  }
.Ltmp2:
0x4c: {  	_ = 	snop;
	(pc) =	sbr.rel @p1 .LBB1_5-.Ltmp2, $1  }
0x4d: {  	_ =	sdelay $0x3  }
0x4e: {  	s20 =	simm.s32 $0x1  }
0x4f: {  	_ =	swait.ge [sflag:s5], $0x4000;
	s20 =	simm.s32 @!p0 $0x0  }
0x50: {  	[sflag:s5] =	ssyncset.done $0x0;
	s21 =	sshll.u32 s20, $0xE  }
0x51: {  	[sflag:s5] =	ssyncadd.s32 $0xFFFFC000;
	s21 =	sor.u32 $0x40, s21  }
0x52: {  	s20 =	smul.u32 $0x10200, s20;
	v0 =	vld [tilespmem:s21+$0x30]  }
0x53: {  	v1 =	vld [tilespmem:s21+$0xFFFFFFD0]  }
0x54: {  	s20 =	sshrl.u32 s20, $0x2;
	v5 =	vld [tilespmem:s21+$0xFFFFFFE0]  }
0x55: {  	v6 =	vld [tilespmem:s21+$0xFFFFFFF0];
	s23 =	sor.u32 $0x8000, s20  }
0x56: {  	s31 =	sand.u32 $0x1, s16;
	v4 =	vld [tilespmem:s21+$0x0];
	s22 =	sadd.s32 $0x0, s23  }
0x57: {  	v3 =	vld [tilespmem:s21+$0x10];
	s20 =	smul.u32 $0x10200, s31;
	[tilespmem:s22+$0x3870 ss:$0x81] =	vst.msk $0xffff, v0  }
0x58: {  	v2 =	vld [tilespmem:s21+$0x20];
	[tilespmem:s22+$0x810 ss:$0x81] =	vst.msk $0xffff, v1  }
0x59: {  	s20 =	sshrl.u32 s20, $0x2;
	v1 =	vld [tilespmem:s21+$0xFFFFFFC0];
	[tilespmem:s22+$0x1020 ss:$0x81] =	vst.msk $0xffff, v5;
	s21 =	sadd.s32 $0x80, s21  }
0x5a: {  	s24 =	simm.s32 $0x4;
	s25 =	simm.s32 $0x8;
	s20 =	sor.u32 $0x8000, s20;
	[tilespmem:s22+$0x1830 ss:$0x81] =	vst.msk $0xffff, v6;
	v0 =	vld [tilespmem:s21+$0x30]  }
.LBB1_3:
0x5b: {  	p1 =	sne.s32 s25, $0x1FC;
	v5 =	vld [tilespmem:s21+$0xFFFFFFD0];
	[tilespmem:s22+$0x2040 ss:$0x81] =	vst.msk $0xffff, v4  }
0x5c: {  	v6 =	vld [tilespmem:s21+$0xFFFFFFE0];
	[tilespmem:s22+$0x2850 ss:$0x81] =	vst.msk $0xffff, v3  }
0x5d: {  	s26 =	sshra.s32 s24, $0x2;
	s24 =	smov.u32 s25;
	v7 =	vld [tilespmem:s21+$0xFFFFFFF0];
	[tilespmem:s22+$0x3060 ss:$0x81] =	vst.msk $0xffff, v2  }
.Ltmp3:
0x5e: {  	v4 =	vld [tilespmem:s21+$0x0];
	[tilespmem:s22+$0x0 ss:$0x81] =	vst.msk $0xffff, v1;
	s22 =	sadd.s32 s26, s23;
	(pc) =	sbr.rel @p1 .LBB1_3-.Ltmp3, $4  }
0x5f: {  	v3 =	vld [tilespmem:s21+$0x10];
	[tilespmem:s22+$0x3870 ss:$0x81] =	vst.msk $0xffff, v0  }
0x60: {  	[tilespmem:s22+$0x810 ss:$0x81] =	vst.msk $0xffff, v5;
	v2 =	vld [tilespmem:s21+$0x20]  }
0x61: {  	v1 =	vld [tilespmem:s21+$0xFFFFFFC0];
	[tilespmem:s22+$0x1020 ss:$0x81] =	vst.msk $0xffff, v6;
	s21 =	sadd.s32 $0x80, s21  }
0x62: {  	s25 =	sadd.s32 $0x4, s25;
	v0 =	vld [tilespmem:s21+$0x30];
	[tilespmem:s22+$0x1830 ss:$0x81] =	vst.msk $0xffff, v7  }
.Ltmp4:
0x63: {  	_ = 	snop;
	(pc) =	sbr.rel .LBB1_4-.Ltmp4, $1  }
0x64: {  	_ =	sdelay $0x3  }
.LBB1_6:
0x65: {  	_ =	sfence.sel $0x180000  }
0x66: {  	s2 =	simm.s32 $0x1;
	[bflag:$0x0] =	sbarrier.arrive $0xFFFF  }
0x67: {  	s31 =	simm.s32 $0x2;
	[sflag:s2] =	ssyncpa.u1 $0x1  }
0x68: {  	[sflag:s31] =	ssyncpa.u1 $0x1  }
0x69: {  	p0 =	sne.s32 s0, $0x0;
	_ =	strace $0x9000004A  }
0x6a: {  	s0 =	sadd.s32 @!p0 $0x100000, s1;
	[bflag:$0x2] =	sbarrier.arrive $0xFFFF  }
0x6b: {  	[sflag:s0] =	ssyncadd.tile.s32 @!p0 $0x1;
	_ =	shalt  }
.Lfunc_end1:
_tile_overlayer_lowered:
.L_overlay_start_2:
0x6c: {  	(tag) =	ssettag $0x2  }
0x6d: {  	s0 =	rddreg [dreg:$0x0];
	s2 =	stileid.u32  }
0x6e: {  	s1 =	rddreg [dreg:$0x1];
	p0 =	sne.s32 s2, $0x0  }
0x6f: {  	s3 =	rddreg [dreg:$0x2];
	[bflag:$0x3] =	sbarrier.arrive $0xFFFF;
	s2 =	simm.s32 @!p0 $0x1C01  }
0x70: {  	[timem:s3], [sflag:s2] =	dma.local @!p0 [hbm:s0], s1  }
0x71: {  	s0 =	simm.s32 @!p0 $0x1  }
0x72: {  	_ =	swait.ge @!p0 [sflag:s0], s1  }
0x73: {  	s1 =	ssub.s32 @!p0 $0x0, s1;
	[sflag:s0] =	ssyncset.done @!p0 $0x0  }
0x74: {  	[sflag:s0] =	ssyncadd.s32 @!p0 s1  }
0x75: {  	[bflag:$0x3] =	sbarrier.arrive $0xFFFF  }
0x76: {  	_ =	shalt  }

</sc_bundles>
